<compile_context>
chip_gen: v7x
topology: tpu7x:2x2x1
jax: 0.10.2.dev20260603
libtpu: 0.0.44.dev20260713+nightly
codegen_flags: <defaults>
</compile_context>

<pallas_src>
import jax
import jax.numpy as jnp
from jax import lax
from jax.experimental import pallas as pl
from jax.experimental.pallas import tpu as pltpu, tpu_sc as plsc

_NUM_RAYS = 32768
_S = 64
_NB = _S + 1
_NOUT = 2 * _NB
_HPAD = 0.01
_EPS = 1e-5
_NW = 32
_RPW = _NUM_RAYS // _NW
_SUB = 1
_RG = 16 * _SUB
_G = _RPW // _RG

_U0 = 1.0 / (2 * _NB)
_DU = (1.0 - 1.0 / _NB) / (_NB - 1)


def _body(w_hbm, e_hbm, n_hbm, f_hbm, u_hbm, out_hbm,
          wv0, wv1, ev0, ev1, nv0, fv0, nv1, fv1, wT, ebT, cdfv, markv, rkv,
          segv, uv, orow0, orow1,
          sw0, sw1, se0, se1, snf0, snf1, so0, so1):
    wid = lax.axis_index("s") * 2 + lax.axis_index("c")
    lane = lax.iota(jnp.int32, 16)
    u0 = jnp.float32(_U0)
    invdu = jnp.float32(1.0) / jnp.float32(_DU)

    pltpu.sync_copy(u_hbm, uv)

    def start_in(g, wvb, evb, nfvb, sw, se, snf):
        base = wid * _RPW + g * _RG
        nvb, fvb = nfvb
        pltpu.async_copy(w_hbm.at[pl.ds(base, _RG)], wvb, sw)
        pltpu.async_copy(e_hbm.at[pl.ds(base, _RG)], evb, se)
        pltpu.async_copy(n_hbm.at[pl.ds(base, _RG)], nvb, snf)
        pltpu.async_copy(f_hbm.at[pl.ds(base, _RG)], fvb, snf)

    def wait_in(wvb, evb, nfvb, sw, se, snf):
        nvb, fvb = nfvb
        pltpu.make_async_copy(w_hbm.at[pl.ds(0, _RG)], wvb, sw).wait()
        pltpu.make_async_copy(e_hbm.at[pl.ds(0, _RG)], evb, se).wait()
        pltpu.make_async_copy(n_hbm.at[pl.ds(0, _RG)], nvb, snf).wait()
        pltpu.make_async_copy(f_hbm.at[pl.ds(0, _RG)], fvb, snf).wait()

    def wait_out(orowb, so):
        pltpu.make_async_copy(orowb, out_hbm.at[pl.ds(0, _RG)], so).wait()

    nfv0, nfv1 = (nv0, fv0), (nv1, fv1)
    start_in(0, wv0, ev0, nfv0, sw0, se0, snf0)

    bufs = ((wv0, ev0, nfv0, sw0, se0, snf0, orow0, so0),
            (wv1, ev1, nfv1, sw1, se1, snf1, orow1, so1))

    def outer(gg, _):
        for b in (0, 1):
            g = gg * 2 + b
            wvb, evb, nfvb, sw, se, snf, orowb, so = bufs[b]
            nwvb, nevb, nnfvb, nsw, nse, nsnf, _, _ = bufs[1 - b]
            base = wid * _RPW + g * _RG

            zi = jnp.zeros((16,), jnp.int32)
            wait_in(wvb, evb, nfvb, sw, se, snf)

            @pl.when(g < _G - 1)
            def _():
                start_in(g + 1, nwvb, nevb, nnfvb, nsw, nse, nsnf)

            @pl.when(g >= 2)
            def _():
                wait_out(orowb, so)

            for sub in range(_SUB):
                lane_s = lane + 16 * sub

                @plsc.parallel_loop(0, _S, unroll=4,
                                    carry=jnp.zeros((16,), jnp.float32))
                def ssum(k, acc):
                    kv = jnp.full((16,), k, jnp.int32)
                    v = plsc.load_gather(wvb, [lane_s, kv]) + jnp.float32(_HPAD)
                    wT[pl.ds(k * 16, 16)] = v
                    return acc + v

                padding = jnp.maximum(jnp.float32(0), jnp.float32(_EPS) - ssum)
                padstep = padding * jnp.float32(1.0 / _S)
                inv = jnp.float32(1.0) / (ssum + padding)

                cdfv[pl.ds(0, 16)] = jnp.zeros((16,), jnp.float32)
                markv[pl.ds(_S * 16, 16)] = zi

                @plsc.parallel_loop(0, _S, unroll=4,
                                    carry=jnp.zeros((16,), jnp.float32))
                def _mk(k, acc):
                    acc = acc + wT[pl.ds(k * 16, 16)] + padstep
                    c = jnp.minimum(jnp.float32(1.0), acc * inv)
                    cdfv[pl.ds((k + 1) * 16, 16)] = c
                    markv[pl.ds(k * 16, 16)] = zi
                    return acc

                @plsc.parallel_loop(0, _NB, unroll=4,
                                    carry=jnp.zeros((16,), jnp.int32))
                def rlast(k, rprev):
                    kv = jnp.full((16,), k, jnp.int32)
                    ebT[pl.ds(k * 16, 16)] = plsc.load_gather(evb, [lane_s, kv])
                    c = cdfv[pl.ds(k * 16, 16)]
                    y = (c - u0) * invdu
                    m = y.astype(jnp.int32)
                    m = m + (m.astype(jnp.float32) < y).astype(jnp.int32)
                    rkv[pl.ds(k * 16, 16)] = m
                    kvec = kv - 1
                    plsc.store_scatter(markv,
                                       [jnp.minimum(rprev, _S) * 16 + lane],
                                       kvec, mask=m > rprev)
                    return m

                plsc.store_scatter(markv, [jnp.minimum(rlast, _S) * 16 + lane],
                                   jnp.full((16,), _S, jnp.int32),
                                   mask=rlast <= _S)

                @plsc.parallel_loop(0, _NB, unroll=8,
                                    carry=jnp.zeros((16,), jnp.int32))
                def _seg(j, kmax):
                    kmax = jnp.maximum(kmax, markv[pl.ds(j * 16, 16)])
                    segv[pl.ds(j * 16, 16)] = kmax
                    return kmax

                near = plsc.load_gather(nfvb[0], [lane_s, zi])
                far = plsc.load_gather(nfvb[1], [lane_s, zi])
                span = far - near

                @plsc.parallel_loop(0, _NB, unroll=5)
                def _fuse(j):
                    s = segv[pl.ds(j * 16, 16)]
                    hi = jnp.minimum(s + 1, _S)
                    sidx = s * 16 + lane
                    hidx = hi * 16 + lane
                    c_lo = plsc.load_gather(cdfv, [sidx])
                    c_hi = plsc.load_gather(cdfv, [hidx])
                    b_lo = plsc.load_gather(ebT, [sidx])
                    b_hi = plsc.load_gather(ebT, [hidx])
                    uj = uv[pl.ds(j * 16, 16)]
                    denom = c_hi - c_lo
                    ok = denom > jnp.float32(1e-12)
                    sd = jnp.where(ok, denom, jnp.float32(1.0))
                    t = jnp.clip(jnp.where(ok, (uj - c_lo) / sd,
                                           jnp.float32(0.0)),
                                 jnp.float32(0.0), jnp.float32(1.0))
                    binv = b_lo + t * (b_hi - b_lo)
                    plsc.store_scatter(orowb, [lane_s, s + (j + 1)],
                                       near + binv * span)
                    r = rkv[pl.ds(j * 16, 16)]
                    ebj = ebT[pl.ds(j * 16, 16)]
                    plsc.store_scatter(orowb, [lane_s, r + j],
                                       near + ebj * span)

            pltpu.async_copy(orowb, out_hbm.at[pl.ds(base, _RG)], so)
        return 0

    lax.fori_loop(0, _G // 2, outer, 0)

    wait_out(orow0, so0)
    wait_out(orow1, so1)


@jax.jit
def kernel(weights, existing_bins, nears, fars):
    u = jnp.linspace(0.0, 1.0 - 1.0 / _NB, _NB, dtype=jnp.float32) \
        + jnp.float32(1.0 / (2 * _NB))
    uv = jnp.broadcast_to(u[:, None], (_NB, 16)).reshape(-1)

    mesh = plsc.VectorSubcoreMesh(core_axis_name="c", subcore_axis_name="s")
    f = pl.kernel(
        _body,
        out_type=jax.ShapeDtypeStruct((_NUM_RAYS, _NOUT), jnp.float32),
        mesh=mesh,
        compiler_params=pltpu.CompilerParams(needs_layout_passes=False),
        scratch_types=[
            pltpu.VMEM((_RG, _S), jnp.float32),
            pltpu.VMEM((_RG, _S), jnp.float32),
            pltpu.VMEM((_RG, _NB), jnp.float32),
            pltpu.VMEM((_RG, _NB), jnp.float32),
            pltpu.VMEM((_RG, 1), jnp.float32),
            pltpu.VMEM((_RG, 1), jnp.float32),
            pltpu.VMEM((_RG, 1), jnp.float32),
            pltpu.VMEM((_RG, 1), jnp.float32),
            pltpu.VMEM((_S * 16,), jnp.float32),
            pltpu.VMEM((_NB * 16,), jnp.float32),
            pltpu.VMEM((_NB * 16,), jnp.float32),
            pltpu.VMEM((_NB * 16,), jnp.int32),
            pltpu.VMEM((_NB * 16,), jnp.int32),
            pltpu.VMEM((_NB * 16,), jnp.int32),
            pltpu.VMEM((_NB * 16,), jnp.float32),
            pltpu.VMEM((_RG, _NOUT), jnp.float32),
            pltpu.VMEM((_RG, _NOUT), jnp.float32),
            pltpu.SemaphoreType.DMA,
            pltpu.SemaphoreType.DMA,
            pltpu.SemaphoreType.DMA,
            pltpu.SemaphoreType.DMA,
            pltpu.SemaphoreType.DMA,
            pltpu.SemaphoreType.DMA,
            pltpu.SemaphoreType.DMA,
            pltpu.SemaphoreType.DMA,
        ],
    )
    return f(weights.reshape(_NUM_RAYS, _S), existing_bins, nears, fars, uv)

# --- scband reference (transcript-rebuilt; emitter-appended) ---
"""Pipeline reference for scband-neu-sacc-sampler-17222818857002 (READ-ONLY COPY).

The authoritative reference and input builder live on the scoring server;
editing this copy changes nothing except your own understanding.
"""

import jax, jax.numpy as jnp
import numpy as np

NUM_RAYS = 32768
NUM_SAMPLES = 64
HIST_PAD = 0.01
EPS = 1e-5

def setup_inputs(seed: int = 0) -> dict:
    key = jax.random.key(seed)
    k1, k2, k3, k4 = jax.random.split(key, 4)
    weights = jax.random.uniform(k1, (NUM_RAYS, NUM_SAMPLES, 1), dtype=jnp.float32)
    # existing spacing bins must be sorted ascending in [0, 1]
    existing_bins = jnp.sort(jax.random.uniform(k2, (NUM_RAYS, NUM_SAMPLES + 1), dtype=jnp.float32), axis=-1)
    nears = 0.05 + 0.05 * jax.random.uniform(k3, (NUM_RAYS, 1), dtype=jnp.float32)
    fars = 3.0 + jax.random.uniform(k4, (NUM_RAYS, 1), dtype=jnp.float32)
    return {"weights": weights, "existing_bins": existing_bins, "nears": nears, "fars": fars}

def reference(weights, existing_bins, nears, fars):
    num_samples = NUM_SAMPLES
    num_bins = num_samples + 1
    # histogram padding + normalization -> pdf
    w = weights[..., 0] + HIST_PAD
    weights_sum = jnp.sum(w, axis=-1, keepdims=True)
    padding = jax.nn.relu(EPS - weights_sum)
    w = w + padding / w.shape[-1]
    weights_sum = weights_sum + padding
    pdf = w / weights_sum
    cdf = jnp.minimum(jnp.ones_like(pdf), jnp.cumsum(pdf, axis=-1))
    cdf = jnp.concatenate([jnp.zeros_like(cdf[..., :1]), cdf], axis=-1)
    # deterministic (eval-mode) sample positions in CDF space
    u = jnp.linspace(0.0, 1.0 - 1.0 / num_bins, num_bins, dtype=jnp.float32) + 1.0 / (2 * num_bins)
    u = jnp.broadcast_to(u, (cdf.shape[0], num_bins))
    # inverse CDF via per-ray searchsorted
    inds = jax.vmap(lambda c, uu: jnp.searchsorted(c, uu, side='right'))(cdf, u)
    below = jnp.clip(inds - 1, 0, existing_bins.shape[-1] - 1)
    above = jnp.clip(inds, 0, existing_bins.shape[-1] - 1)
    cdf_g0 = jnp.take_along_axis(cdf, below, axis=-1)
    bins_g0 = jnp.take_along_axis(existing_bins, below, axis=-1)
    cdf_g1 = jnp.take_along_axis(cdf, above, axis=-1)
    bins_g1 = jnp.take_along_axis(existing_bins, above, axis=-1)
    denom = cdf_g1 - cdf_g0
    safe_denom = jnp.where(denom > 1e-12, denom, jnp.ones_like(denom))
    t = jnp.clip(jnp.where(denom > 1e-12, (u - cdf_g0) / safe_denom, jnp.zeros_like(u)), 0.0, 1.0)
    bins = bins_g0 + t * (bins_g1 - bins_g0)
    # include_original: merge and sort
    bins = jnp.sort(jnp.concatenate([existing_bins, bins], axis=-1), axis=-1)
    # spacing_to_euclidean (uniform spacing fn): x * far + (1 - x) * near
    euclidean_bins = bins * fars + (1.0 - bins) * nears
    return euclidean_bins

if __name__ == "__main__":
    import jax
    _d = setup_inputs()
    print(jax.jit(kernel)(*tuple(_d.values())))

</pallas_src>

<mosaic_0001>
#map = affine_map<(d0, d1) -> (0, 0)>
#map1 = affine_map<(d0, d1) -> (0)>
module attributes {stable_mosaic.version = 14 : i64} {
  func.func @_body(%arg0: i32, %arg1: i32, %arg2: memref<32768x64xf32, #tpu.memory_space<hbm>>, %arg3: memref<32768x65xf32, #tpu.memory_space<hbm>>, %arg4: memref<32768x1xf32, #tpu.memory_space<hbm>>, %arg5: memref<32768x1xf32, #tpu.memory_space<hbm>>, %arg6: memref<1040xf32, #tpu.memory_space<hbm>>, %arg7: memref<32768x130xf32, #tpu.memory_space<hbm>>, %arg8: memref<16x64xf32, #tpu.memory_space<vmem>>, %arg9: memref<16x64xf32, #tpu.memory_space<vmem>>, %arg10: memref<16x65xf32, #tpu.memory_space<vmem>>, %arg11: memref<16x65xf32, #tpu.memory_space<vmem>>, %arg12: memref<16x1xf32, #tpu.memory_space<vmem>>, %arg13: memref<16x1xf32, #tpu.memory_space<vmem>>, %arg14: memref<16x1xf32, #tpu.memory_space<vmem>>, %arg15: memref<16x1xf32, #tpu.memory_space<vmem>>, %arg16: memref<1024xf32, #tpu.memory_space<vmem>>, %arg17: memref<1040xf32, #tpu.memory_space<vmem>>, %arg18: memref<1040xf32, #tpu.memory_space<vmem>>, %arg19: memref<1040xi32, #tpu.memory_space<vmem>>, %arg20: memref<1040xi32, #tpu.memory_space<vmem>>, %arg21: memref<1040xi32, #tpu.memory_space<vmem>>, %arg22: memref<1040xf32, #tpu.memory_space<vmem>>, %arg23: memref<16x130xf32, #tpu.memory_space<vmem>>, %arg24: memref<16x130xf32, #tpu.memory_space<vmem>>, %arg25: memref<!tpu.dma_semaphore, #tpu.memory_space<semaphore_mem>>, %arg26: memref<!tpu.dma_semaphore, #tpu.memory_space<semaphore_mem>>, %arg27: memref<!tpu.dma_semaphore, #tpu.memory_space<semaphore_mem>>, %arg28: memref<!tpu.dma_semaphore, #tpu.memory_space<semaphore_mem>>, %arg29: memref<!tpu.dma_semaphore, #tpu.memory_space<semaphore_mem>>, %arg30: memref<!tpu.dma_semaphore, #tpu.memory_space<semaphore_mem>>, %arg31: memref<!tpu.dma_semaphore, #tpu.memory_space<semaphore_mem>>, %arg32: memref<!tpu.dma_semaphore, #tpu.memory_space<semaphore_mem>>) attributes {dimension_semantics = [#tpu.dimension_semantics<core_parallel>, #tpu.dimension_semantics<subcore_parallel>], iteration_bounds = array<i64: 2, 16>, scalar_prefetch = 0 : i64, scratch_operands = 25 : i64, tpu.core_type = #tpu.core_type<sc_vector_subcore>, window_params = [{transform_indices = #map}, {transform_indices = #map}, {transform_indices = #map}, {transform_indices = #map}, {transform_indices = #map1}, {transform_indices = #map}]} {
    %mul3A = arith.constant 2 : i32
    %mul3A_0 = arith.muli %arg1, %mul3A : i32
    %add3A = arith.addi %mul3A_0, %arg0 : i32
    %iota3A = tpu.iota {dimensions = array<i32: 0>} : vector<16xi32>
    %div3A = arith.constant 1.000000e+00 : f32
    %div3A_1 = arith.constant 0.0153846154 : f32
    %div3A_2 = arith.divf %div3A, %div3A_1 : f32
    "tpu.region"() ({
      %run_scoped3A = tpu.sem_alloc : memref<!tpu.dma_semaphore, #tpu.memory_space<semaphore_mem>>
      tpu.enqueue_dma source(%arg6 : memref<1040xf32, #tpu.memory_space<hbm>>) target(%arg22 : memref<1040xf32, #tpu.memory_space<vmem>>) target_semaphore(%run_scoped3A : memref<!tpu.dma_semaphore, #tpu.memory_space<semaphore_mem>>)
      tpu.wait_dma2 semaphore(%run_scoped3A : memref<!tpu.dma_semaphore, #tpu.memory_space<semaphore_mem>>) src(%arg6 : memref<1040xf32, #tpu.memory_space<hbm>>) dst(%arg22 : memref<1040xf32, #tpu.memory_space<vmem>>)
      tpu.yield
    }) : () -> ()
    %mul3A_3 = arith.constant 1024 : i32
    %mul3A_4 = arith.muli %add3A, %mul3A_3 : i32
    %add3A_5 = arith.constant 0 : i32
    %add3A_6 = arith.addi %mul3A_4, %add3A_5 : i32
    %dma_start3A = arith.constant 0 : i32
    %dma_start3A_7 = tpu.memref_slice %arg2[%add3A_6, %dma_start3A] : memref<32768x64xf32, #tpu.memory_space<hbm>> -> memref<16x64xf32, #tpu.memory_space<hbm>>
    %dma_start3A_8 = arith.constant 0 : i32
    %dma_start3A_9 = tpu.memref_slice %arg2[%add3A_6, %dma_start3A_8] : memref<32768x64xf32, #tpu.memory_space<hbm>> -> memref<16x64xf32, #tpu.memory_space<hbm>>
    tpu.enqueue_dma source(%dma_start3A_9 : memref<16x64xf32, #tpu.memory_space<hbm>>) target(%arg8 : memref<16x64xf32, #tpu.memory_space<vmem>>) target_semaphore(%arg25 : memref<!tpu.dma_semaphore, #tpu.memory_space<semaphore_mem>>)
    %dma_start3A_10 = arith.constant 0 : i32
    %dma_start3A_11 = tpu.memref_slice %arg3[%add3A_6, %dma_start3A_10] : memref<32768x65xf32, #tpu.memory_space<hbm>> -> memref<16x65xf32, #tpu.memory_space<hbm>>
    %dma_start3A_12 = arith.constant 0 : i32
    %dma_start3A_13 = tpu.memref_slice %arg3[%add3A_6, %dma_start3A_12] : memref<32768x65xf32, #tpu.memory_space<hbm>> -> memref<16x65xf32, #tpu.memory_space<hbm>>
    tpu.enqueue_dma source(%dma_start3A_13 : memref<16x65xf32, #tpu.memory_space<hbm>>) target(%arg10 : memref<16x65xf32, #tpu.memory_space<vmem>>) target_semaphore(%arg27 : memref<!tpu.dma_semaphore, #tpu.memory_space<semaphore_mem>>)
    %dma_start3A_14 = arith.constant 0 : i32
    %dma_start3A_15 = tpu.memref_slice %arg4[%add3A_6, %dma_start3A_14] : memref<32768x1xf32, #tpu.memory_space<hbm>> -> memref<16x1xf32, #tpu.memory_space<hbm>>
    %dma_start3A_16 = arith.constant 0 : i32
    %dma_start3A_17 = tpu.memref_slice %arg4[%add3A_6, %dma_start3A_16] : memref<32768x1xf32, #tpu.memory_space<hbm>> -> memref<16x1xf32, #tpu.memory_space<hbm>>
    tpu.enqueue_dma source(%dma_start3A_17 : memref<16x1xf32, #tpu.memory_space<hbm>>) target(%arg12 : memref<16x1xf32, #tpu.memory_space<vmem>>) target_semaphore(%arg29 : memref<!tpu.dma_semaphore, #tpu.memory_space<semaphore_mem>>)
    %dma_start3A_18 = arith.constant 0 : i32
    %dma_start3A_19 = tpu.memref_slice %arg5[%add3A_6, %dma_start3A_18] : memref<32768x1xf32, #tpu.memory_space<hbm>> -> memref<16x1xf32, #tpu.memory_space<hbm>>
    %dma_start3A_20 = arith.constant 0 : i32
    %dma_start3A_21 = tpu.memref_slice %arg5[%add3A_6, %dma_start3A_20] : memref<32768x1xf32, #tpu.memory_space<hbm>> -> memref<16x1xf32, #tpu.memory_space<hbm>>
    tpu.enqueue_dma source(%dma_start3A_21 : memref<16x1xf32, #tpu.memory_space<hbm>>) target(%arg13 : memref<16x1xf32, #tpu.memory_space<vmem>>) target_semaphore(%arg29 : memref<!tpu.dma_semaphore, #tpu.memory_space<semaphore_mem>>)
    %scan3A = arith.constant 0.0076923077 : f32
    %scan3A_22 = arith.constant 0 : i32
    %scan3A_23 = arith.constant 0 : i32
    %scan3A_24 = arith.constant 32 : i32
    %scan3A_25 = arith.addi %scan3A_23, %scan3A_24 : i32
    %scan3A_26 = arith.constant 1 : i32
    %scan3A_27 = scf.for %scan3A_40 = %scan3A_23 to %scan3A_25 step %scan3A_26 iter_args(%scan3A_41 = %scan3A_22) -> (i32)  : i32 {
      %mul3A_42 = arith.constant 2 : i32
      %mul3A_43 = arith.muli %scan3A_40, %mul3A_42 : i32
      %add3A_44 = arith.constant 0 : i32
      %add3A_45 = arith.addi %mul3A_43, %add3A_44 : i32
      %mul3A_46 = arith.constant 1024 : i32
      %mul3A_47 = arith.muli %add3A, %mul3A_46 : i32
      %mul3A_48 = arith.constant 16 : i32
      %mul3A_49 = arith.muli %add3A_45, %mul3A_48 : i32
      %add3A_50 = arith.addi %mul3A_47, %mul3A_49 : i32
      %broadcast_in_dim3A = arith.constant 0 : i32
      %broadcast_in_dim3A_51 = vector.broadcast %broadcast_in_dim3A : i32 to vector<16xi32>
      %dma_wait3A_52 = arith.constant 0 : i32
      %dma_wait3A_53 = arith.constant 0 : i32
      %dma_wait3A_54 = tpu.memref_slice %arg2[%dma_wait3A_52, %dma_wait3A_53] : memref<32768x64xf32, #tpu.memory_space<hbm>> -> memref<16x64xf32, #tpu.memory_space<hbm>>
      %dma_wait3A_55 = arith.constant 0 : i32
      %dma_wait3A_56 = arith.constant 0 : i32
      %dma_wait3A_57 = tpu.memref_slice %arg2[%dma_wait3A_55, %dma_wait3A_56] : memref<32768x64xf32, #tpu.memory_space<hbm>> -> memref<16x64xf32, #tpu.memory_space<hbm>>
      tpu.wait_dma2 semaphore(%arg25 : memref<!tpu.dma_semaphore, #tpu.memory_space<semaphore_mem>>) src(%dma_wait3A_57 : memref<16x64xf32, #tpu.memory_space<hbm>>) dst(%arg8 : memref<16x64xf32, #tpu.memory_space<vmem>>)
      %dma_wait3A_58 = arith.constant 0 : i32
      %dma_wait3A_59 = arith.constant 0 : i32
      %dma_wait3A_60 = tpu.memref_slice %arg3[%dma_wait3A_58, %dma_wait3A_59] : memref<32768x65xf32, #tpu.memory_space<hbm>> -> memref<16x65xf32, #tpu.memory_space<hbm>>
      %dma_wait3A_61 = arith.constant 0 : i32
      %dma_wait3A_62 = arith.constant 0 : i32
      %dma_wait3A_63 = tpu.memref_slice %arg3[%dma_wait3A_61, %dma_wait3A_62] : memref<32768x65xf32, #tpu.memory_space<hbm>> -> memref<16x65xf32, #tpu.memory_space<hbm>>
      tpu.wait_dma2 semaphore(%arg27 : memref<!tpu.dma_semaphore, #tpu.memory_space<semaphore_mem>>) src(%dma_wait3A_63 : memref<16x65xf32, #tpu.memory_space<hbm>>) dst(%arg10 : memref<16x65xf32, #tpu.memory_space<vmem>>)
      %dma_wait3A_64 = arith.constant 0 : i32
      %dma_wait3A_65 = arith.constant 0 : i32
      %dma_wait3A_66 = tpu.memref_slice %arg4[%dma_wait3A_64, %dma_wait3A_65] : memref<32768x1xf32, #tpu.memory_space<hbm>> -> memref<16x1xf32, #tpu.memory_space<hbm>>
      %dma_wait3A_67 = arith.constant 0 : i32
      %dma_wait3A_68 = arith.constant 0 : i32
      %dma_wait3A_69 = tpu.memref_slice %arg4[%dma_wait3A_67, %dma_wait3A_68] : memref<32768x1xf32, #tpu.memory_space<hbm>> -> memref<16x1xf32, #tpu.memory_space<hbm>>
      tpu.wait_dma2 semaphore(%arg29 : memref<!tpu.dma_semaphore, #tpu.memory_space<semaphore_mem>>) src(%dma_wait3A_69 : memref<16x1xf32, #tpu.memory_space<hbm>>) dst(%arg12 : memref<16x1xf32, #tpu.memory_space<vmem>>)
      %dma_wait3A_70 = arith.constant 0 : i32
      %dma_wait3A_71 = arith.constant 0 : i32
      %dma_wait3A_72 = tpu.memref_slice %arg5[%dma_wait3A_70, %dma_wait3A_71] : memref<32768x1xf32, #tpu.memory_space<hbm>> -> memref<16x1xf32, #tpu.memory_space<hbm>>
      %dma_wait3A_73 = arith.constant 0 : i32
      %dma_wait3A_74 = arith.constant 0 : i32
      %dma_wait3A_75 = tpu.memref_slice %arg5[%dma_wait3A_73, %dma_wait3A_74] : memref<32768x1xf32, #tpu.memory_space<hbm>> -> memref<16x1xf32, #tpu.memory_space<hbm>>
      tpu.wait_dma2 semaphore(%arg29 : memref<!tpu.dma_semaphore, #tpu.memory_space<semaphore_mem>>) src(%dma_wait3A_75 : memref<16x1xf32, #tpu.memory_space<hbm>>) dst(%arg13 : memref<16x1xf32, #tpu.memory_space<vmem>>)
      %lt3A = arith.constant 63 : i32
      %lt3A_76 = arith.cmpi slt, %add3A_45, %lt3A : i32
      %convert_element_type3A = arith.extui %lt3A_76 : i1 to i32
      %cond3A = arith.constant 0 : i32
      %cond3A_77 = arith.cmpi ne, %convert_element_type3A, %cond3A : i32
      scf.if %cond3A_77 {
        %add3A_257 = arith.constant 1 : i32
        %add3A_258 = arith.addi %add3A_45, %add3A_257 : i32
        %mul3A_259 = arith.constant 1024 : i32
        %mul3A_260 = arith.muli %add3A, %mul3A_259 : i32
        %mul3A_261 = arith.constant 16 : i32
        %mul3A_262 = arith.muli %add3A_258, %mul3A_261 : i32
        %add3A_263 = arith.addi %mul3A_260, %mul3A_262 : i32
        %dma_start3A_264 = arith.constant 0 : i32
        %dma_start3A_265 = tpu.memref_slice %arg2[%add3A_263, %dma_start3A_264] : memref<32768x64xf32, #tpu.memory_space<hbm>> -> memref<16x64xf32, #tpu.memory_space<hbm>>
        %dma_start3A_266 = arith.constant 0 : i32
        %dma_start3A_267 = tpu.memref_slice %arg2[%add3A_263, %dma_start3A_266] : memref<32768x64xf32, #tpu.memory_space<hbm>> -> memref<16x64xf32, #tpu.memory_space<hbm>>
        tpu.enqueue_dma source(%dma_start3A_267 : memref<16x64xf32, #tpu.memory_space<hbm>>) target(%arg9 : memref<16x64xf32, #tpu.memory_space<vmem>>) target_semaphore(%arg26 : memref<!tpu.dma_semaphore, #tpu.memory_space<semaphore_mem>>)
        %dma_start3A_268 = arith.constant 0 : i32
        %dma_start3A_269 = tpu.memref_slice %arg3[%add3A_263, %dma_start3A_268] : memref<32768x65xf32, #tpu.memory_space<hbm>> -> memref<16x65xf32, #tpu.memory_space<hbm>>
        %dma_start3A_270 = arith.constant 0 : i32
        %dma_start3A_271 = tpu.memref_slice %arg3[%add3A_263, %dma_start3A_270] : memref<32768x65xf32, #tpu.memory_space<hbm>> -> memref<16x65xf32, #tpu.memory_space<hbm>>
        tpu.enqueue_dma source(%dma_start3A_271 : memref<16x65xf32, #tpu.memory_space<hbm>>) target(%arg11 : memref<16x65xf32, #tpu.memory_space<vmem>>) target_semaphore(%arg28 : memref<!tpu.dma_semaphore, #tpu.memory_space<semaphore_mem>>)
        %dma_start3A_272 = arith.constant 0 : i32
        %dma_start3A_273 = tpu.memref_slice %arg4[%add3A_263, %dma_start3A_272] : memref<32768x1xf32, #tpu.memory_space<hbm>> -> memref<16x1xf32, #tpu.memory_space<hbm>>
        %dma_start3A_274 = arith.constant 0 : i32
        %dma_start3A_275 = tpu.memref_slice %arg4[%add3A_263, %dma_start3A_274] : memref<32768x1xf32, #tpu.memory_space<hbm>> -> memref<16x1xf32, #tpu.memory_space<hbm>>
        tpu.enqueue_dma source(%dma_start3A_275 : memref<16x1xf32, #tpu.memory_space<hbm>>) target(%arg14 : memref<16x1xf32, #tpu.memory_space<vmem>>) target_semaphore(%arg30 : memref<!tpu.dma_semaphore, #tpu.memory_space<semaphore_mem>>)
        %dma_start3A_276 = arith.constant 0 : i32
        %dma_start3A_277 = tpu.memref_slice %arg5[%add3A_263, %dma_start3A_276] : memref<32768x1xf32, #tpu.memory_space<hbm>> -> memref<16x1xf32, #tpu.memory_space<hbm>>
        %dma_start3A_278 = arith.constant 0 : i32
        %dma_start3A_279 = tpu.memref_slice %arg5[%add3A_263, %dma_start3A_278] : memref<32768x1xf32, #tpu.memory_space<hbm>> -> memref<16x1xf32, #tpu.memory_space<hbm>>
        tpu.enqueue_dma source(%dma_start3A_279 : memref<16x1xf32, #tpu.memory_space<hbm>>) target(%arg15 : memref<16x1xf32, #tpu.memory_space<vmem>>) target_semaphore(%arg30 : memref<!tpu.dma_semaphore, #tpu.memory_space<semaphore_mem>>)
      } else {
      }
      %ge3A = arith.constant 2 : i32
      %ge3A_78 = arith.cmpi sge, %add3A_45, %ge3A : i32
      %convert_element_type3A_79 = arith.extui %ge3A_78 : i1 to i32
      %cond3A_80 = arith.constant 0 : i32
      %cond3A_81 = arith.cmpi ne, %convert_element_type3A_79, %cond3A_80 : i32
      scf.if %cond3A_81 {
        %dma_wait3A_257 = arith.constant 0 : i32
        %dma_wait3A_258 = arith.constant 0 : i32
        %dma_wait3A_259 = tpu.memref_slice %arg7[%dma_wait3A_257, %dma_wait3A_258] : memref<32768x130xf32, #tpu.memory_space<hbm>> -> memref<16x130xf32, #tpu.memory_space<hbm>>
        %dma_wait3A_260 = arith.constant 0 : i32
        %dma_wait3A_261 = arith.constant 0 : i32
        %dma_wait3A_262 = tpu.memref_slice %arg7[%dma_wait3A_260, %dma_wait3A_261] : memref<32768x130xf32, #tpu.memory_space<hbm>> -> memref<16x130xf32, #tpu.memory_space<hbm>>
        tpu.wait_dma2 semaphore(%arg31 : memref<!tpu.dma_semaphore, #tpu.memory_space<semaphore_mem>>) src(%arg23 : memref<16x130xf32, #tpu.memory_space<vmem>>) dst(%dma_wait3A_262 : memref<16x130xf32, #tpu.memory_space<hbm>>)
      } else {
      }
      %add3A_82 = arith.constant 0 : i32
      %add3A_83 = vector.broadcast %add3A_82 : i32 to vector<16xi32>
      %add3A_84 = arith.addi %iota3A, %add3A_83 : vector<16xi32>
      %broadcast_in_dim3A_85 = arith.constant 0.000000e+00 : f32
      %broadcast_in_dim3A_86 = vector.broadcast %broadcast_in_dim3A_85 : f32 to vector<16xf32>
      %parallel_loop3A = arith.constant 0 : i32
      %parallel_loop3A_87 = arith.constant 64 : i32
      %parallel_loop3A_88 = arith.constant 1 : i32
      %parallel_loop3A_89 = scf.for %parallel_loop3A_257 = %parallel_loop3A to %parallel_loop3A_87 step %parallel_loop3A_88 iter_args(%parallel_loop3A_258 = %broadcast_in_dim3A_86) -> (vector<16xf32>)  : i32 {
        %parallel_loop3A_259 = vector.broadcast %parallel_loop3A_257 : i32 to vector<16xi32>
        %parallel_loop3A_260 = tpu.vector_load_idx %arg8[%add3A_84, %parallel_loop3A_259] : memref<16x64xf32, #tpu.memory_space<vmem>>[vector<16xi32>, vector<16xi32>], vector<16xf32>,
        %parallel_loop3A_261 = arith.constant 0.00999999977 : f32
        %parallel_loop3A_262 = vector.broadcast %parallel_loop3A_261 : f32 to vector<16xf32>
        %parallel_loop3A_263 = arith.addf %parallel_loop3A_260, %parallel_loop3A_262 : vector<16xf32>
        %parallel_loop3A_264 = arith.constant 16 : i32
        %parallel_loop3A_265 = arith.muli %parallel_loop3A_257, %parallel_loop3A_264 : i32
        %parallel_loop3A_266 = arith.index_cast %parallel_loop3A_265 : i32 to index
        %parallel_loop3A_267 = tpu.vector_load %arg16[%parallel_loop3A_266] {strides = array<i32>} : memref<1024xf32, #tpu.memory_space<vmem>>, vector<16xf32>,
        tpu.vector_store %arg16[%parallel_loop3A_266], %parallel_loop3A_263 {strides = array<i32>} : memref<1024xf32, #tpu.memory_space<vmem>>, vector<16xf32>,
        %parallel_loop3A_268 = arith.addf %parallel_loop3A_258, %parallel_loop3A_263 : vector<16xf32>
        scf.yield %parallel_loop3A_268 : vector<16xf32>
      } {sc.loop_unroll_factor = 4 : i64, sc.parallel_access}
      %sub3A = arith.constant 9.99999974E-6 : f32
      %sub3A_90 = vector.broadcast %sub3A : f32 to vector<16xf32>
      %sub3A_91 = arith.subf %sub3A_90, %parallel_loop3A_89 : vector<16xf32>
      %max3A = arith.constant 0.000000e+00 : f32
      %max3A_92 = vector.broadcast %max3A : f32 to vector<16xf32>
      %max3A_93 = arith.maximumf %max3A_92, %sub3A_91 : vector<16xf32>
      %mul3A_94 = arith.constant 1.562500e-02 : f32
      %mul3A_95 = vector.broadcast %mul3A_94 : f32 to vector<16xf32>
      %mul3A_96 = arith.mulf %max3A_93, %mul3A_95 : vector<16xf32>
      %add3A_97 = arith.addf %parallel_loop3A_89, %max3A_93 : vector<16xf32>
      %div3A_98 = arith.constant 1.000000e+00 : f32
      %div3A_99 = vector.broadcast %div3A_98 : f32 to vector<16xf32>
      %div3A_100 = arith.divf %div3A_99, %add3A_97 : vector<16xf32>
      %broadcast_in_dim3A_101 = arith.constant 0.000000e+00 : f32
      %broadcast_in_dim3A_102 = vector.broadcast %broadcast_in_dim3A_101 : f32 to vector<16xf32>
      %swap3A = arith.constant 0 : index
      %swap3A_103 = tpu.vector_load %arg18[%swap3A] {strides = array<i32>} : memref<1040xf32, #tpu.memory_space<vmem>>, vector<16xf32>,
      tpu.vector_store %arg18[%swap3A], %broadcast_in_dim3A_102 {strides = array<i32>} : memref<1040xf32, #tpu.memory_space<vmem>>, vector<16xf32>,
      %swap3A_104 = arith.constant 1024 : index
      %swap3A_105 = tpu.vector_load %arg19[%swap3A_104] {strides = array<i32>} : memref<1040xi32, #tpu.memory_space<vmem>>, vector<16xi32>,
      tpu.vector_store %arg19[%swap3A_104], %broadcast_in_dim3A_51 {strides = array<i32>} : memref<1040xi32, #tpu.memory_space<vmem>>, vector<16xi32>,
      %broadcast_in_dim3A_106 = arith.constant 0.000000e+00 : f32
      %broadcast_in_dim3A_107 = vector.broadcast %broadcast_in_dim3A_106 : f32 to vector<16xf32>
      %parallel_loop3A_108 = arith.constant 0 : i32
      %parallel_loop3A_109 = arith.constant 64 : i32
      %parallel_loop3A_110 = arith.constant 1 : i32
      %parallel_loop3A_111 = scf.for %parallel_loop3A_257 = %parallel_loop3A_108 to %parallel_loop3A_109 step %parallel_loop3A_110 iter_args(%parallel_loop3A_258 = %broadcast_in_dim3A_107) -> (vector<16xf32>)  : i32 {
        %parallel_loop3A_259 = arith.constant 16 : i32
        %parallel_loop3A_260 = arith.muli %parallel_loop3A_257, %parallel_loop3A_259 : i32
        %parallel_loop3A_261 = arith.index_cast %parallel_loop3A_260 : i32 to index
        %parallel_loop3A_262 = tpu.vector_load %arg16[%parallel_loop3A_261] {strides = array<i32>} : memref<1024xf32, #tpu.memory_space<vmem>>, vector<16xf32>,
        %parallel_loop3A_263 = arith.addf %parallel_loop3A_258, %parallel_loop3A_262 : vector<16xf32>
        %parallel_loop3A_264 = arith.addf %parallel_loop3A_263, %mul3A_96 : vector<16xf32>
        %parallel_loop3A_265 = arith.mulf %parallel_loop3A_264, %div3A_100 : vector<16xf32>
        %parallel_loop3A_266 = arith.constant 1.000000e+00 : f32
        %parallel_loop3A_267 = vector.broadcast %parallel_loop3A_266 : f32 to vector<16xf32>
        %parallel_loop3A_268 = arith.minimumf %parallel_loop3A_267, %parallel_loop3A_265 : vector<16xf32>
        %parallel_loop3A_269 = arith.constant 1 : i32
        %parallel_loop3A_270 = arith.addi %parallel_loop3A_257, %parallel_loop3A_269 : i32
        %parallel_loop3A_271 = arith.constant 16 : i32
        %parallel_loop3A_272 = arith.muli %parallel_loop3A_270, %parallel_loop3A_271 : i32
        %parallel_loop3A_273 = arith.index_cast %parallel_loop3A_272 : i32 to index
        %parallel_loop3A_274 = tpu.vector_load %arg18[%parallel_loop3A_273] {strides = array<i32>} : memref<1040xf32, #tpu.memory_space<vmem>>, vector<16xf32>,
        tpu.vector_store %arg18[%parallel_loop3A_273], %parallel_loop3A_268 {strides = array<i32>} : memref<1040xf32, #tpu.memory_space<vmem>>, vector<16xf32>,
        %parallel_loop3A_275 = arith.constant 16 : i32
        %parallel_loop3A_276 = arith.muli %parallel_loop3A_257, %parallel_loop3A_275 : i32
        %parallel_loop3A_277 = arith.index_cast %parallel_loop3A_276 : i32 to index
        %parallel_loop3A_278 = tpu.vector_load %arg19[%parallel_loop3A_277] {strides = array<i32>} : memref<1040xi32, #tpu.memory_space<vmem>>, vector<16xi32>,
        tpu.vector_store %arg19[%parallel_loop3A_277], %broadcast_in_dim3A_51 {strides = array<i32>} : memref<1040xi32, #tpu.memory_space<vmem>>, vector<16xi32>,
        scf.yield %parallel_loop3A_264 : vector<16xf32>
      } {sc.loop_unroll_factor = 4 : i64, sc.parallel_access}
      %broadcast_in_dim3A_112 = arith.constant 0 : i32
      %broadcast_in_dim3A_113 = vector.broadcast %broadcast_in_dim3A_112 : i32 to vector<16xi32>
      %parallel_loop3A_114 = arith.constant 0 : i32
      %parallel_loop3A_115 = arith.constant 65 : i32
      %parallel_loop3A_116 = arith.constant 1 : i32
      %parallel_loop3A_117 = scf.for %parallel_loop3A_257 = %parallel_loop3A_114 to %parallel_loop3A_115 step %parallel_loop3A_116 iter_args(%parallel_loop3A_258 = %broadcast_in_dim3A_113) -> (vector<16xi32>)  : i32 {
        %parallel_loop3A_259 = vector.broadcast %parallel_loop3A_257 : i32 to vector<16xi32>
        %parallel_loop3A_260 = tpu.vector_load_idx %arg10[%add3A_84, %parallel_loop3A_259] : memref<16x65xf32, #tpu.memory_space<vmem>>[vector<16xi32>, vector<16xi32>], vector<16xf32>,
        %parallel_loop3A_261 = arith.constant 16 : i32
        %parallel_loop3A_262 = arith.muli %parallel_loop3A_257, %parallel_loop3A_261 : i32
        %parallel_loop3A_263 = arith.index_cast %parallel_loop3A_262 : i32 to index
        %parallel_loop3A_264 = tpu.vector_load %arg17[%parallel_loop3A_263] {strides = array<i32>} : memref<1040xf32, #tpu.memory_space<vmem>>, vector<16xf32>,
        tpu.vector_store %arg17[%parallel_loop3A_263], %parallel_loop3A_260 {strides = array<i32>} : memref<1040xf32, #tpu.memory_space<vmem>>, vector<16xf32>,
        %parallel_loop3A_265 = arith.constant 16 : i32
        %parallel_loop3A_266 = arith.muli %parallel_loop3A_257, %parallel_loop3A_265 : i32
        %parallel_loop3A_267 = arith.index_cast %parallel_loop3A_266 : i32 to index
        %parallel_loop3A_268 = tpu.vector_load %arg18[%parallel_loop3A_267] {strides = array<i32>} : memref<1040xf32, #tpu.memory_space<vmem>>, vector<16xf32>,
        %parallel_loop3A_269 = vector.broadcast %scan3A : f32 to vector<16xf32>
        %parallel_loop3A_270 = arith.subf %parallel_loop3A_268, %parallel_loop3A_269 : vector<16xf32>
        %parallel_loop3A_271 = vector.broadcast %div3A_2 : f32 to vector<16xf32>
        %parallel_loop3A_272 = arith.mulf %parallel_loop3A_270, %parallel_loop3A_271 : vector<16xf32>
        %parallel_loop3A_273 = arith.fptosi %parallel_loop3A_272 : vector<16xf32> to vector<16xi32>
        %parallel_loop3A_274 = arith.sitofp %parallel_loop3A_273 : vector<16xi32> to vector<16xf32>
        %parallel_loop3A_275 = arith.cmpf olt, %parallel_loop3A_274, %parallel_loop3A_272 : vector<16xf32>
        %parallel_loop3A_276 = arith.extui %parallel_loop3A_275 : vector<16xi1> to vector<16xi32>
        %parallel_loop3A_277 = arith.addi %parallel_loop3A_273, %parallel_loop3A_276 : vector<16xi32>
        %parallel_loop3A_278 = arith.constant 16 : i32
        %parallel_loop3A_279 = arith.muli %parallel_loop3A_257, %parallel_loop3A_278 : i32
        %parallel_loop3A_280 = arith.index_cast %parallel_loop3A_279 : i32 to index
        %parallel_loop3A_281 = tpu.vector_load %arg20[%parallel_loop3A_280] {strides = array<i32>} : memref<1040xi32, #tpu.memory_space<vmem>>, vector<16xi32>,
        tpu.vector_store %arg20[%parallel_loop3A_280], %parallel_loop3A_277 {strides = array<i32>} : memref<1040xi32, #tpu.memory_space<vmem>>, vector<16xi32>,
        %parallel_loop3A_282 = arith.constant 1 : i32
        %parallel_loop3A_283 = vector.broadcast %parallel_loop3A_282 : i32 to vector<16xi32>
        %parallel_loop3A_284 = arith.subi %parallel_loop3A_259, %parallel_loop3A_283 : vector<16xi32>
        %parallel_loop3A_285 = arith.constant 64 : i32
        %parallel_loop3A_286 = vector.broadcast %parallel_loop3A_285 : i32 to vector<16xi32>
        %parallel_loop3A_287 = arith.minsi %parallel_loop3A_258, %parallel_loop3A_286 : vector<16xi32>
        %parallel_loop3A_288 = arith.constant 16 : i32
        %parallel_loop3A_289 = vector.broadcast %parallel_loop3A_288 : i32 to vector<16xi32>
        %parallel_loop3A_290 = arith.muli %parallel_loop3A_287, %parallel_loop3A_289 : vector<16xi32>
        %parallel_loop3A_291 = arith.addi %parallel_loop3A_290, %iota3A : vector<16xi32>
        %parallel_loop3A_292 = arith.cmpi sgt, %parallel_loop3A_277, %parallel_loop3A_258 : vector<16xi32>
        tpu.vector_store_idx %arg19[%parallel_loop3A_291], %parallel_loop3A_284 masked %parallel_loop3A_292 : memref<1040xi32, #tpu.memory_space<vmem>>[vector<16xi32>], vector<16xi32>, vector<16xi1>
        scf.yield %parallel_loop3A_277 : vector<16xi32>
      } {sc.loop_unroll_factor = 4 : i64, sc.parallel_access}
      %min3A = arith.constant 64 : i32
      %min3A_118 = vector.broadcast %min3A : i32 to vector<16xi32>
      %min3A_119 = arith.minsi %parallel_loop3A_117, %min3A_118 : vector<16xi32>
      %mul3A_120 = arith.constant 16 : i32
      %mul3A_121 = vector.broadcast %mul3A_120 : i32 to vector<16xi32>
      %mul3A_122 = arith.muli %min3A_119, %mul3A_121 : vector<16xi32>
      %add3A_123 = arith.addi %mul3A_122, %iota3A : vector<16xi32>
      %broadcast_in_dim3A_124 = arith.constant 64 : i32
      %broadcast_in_dim3A_125 = vector.broadcast %broadcast_in_dim3A_124 : i32 to vector<16xi32>
      %le3A = arith.constant 64 : i32
      %le3A_126 = vector.broadcast %le3A : i32 to vector<16xi32>
      %le3A_127 = arith.cmpi sle, %parallel_loop3A_117, %le3A_126 : vector<16xi32>
      tpu.vector_store_idx %arg19[%add3A_123], %broadcast_in_dim3A_125 masked %le3A_127 : memref<1040xi32, #tpu.memory_space<vmem>>[vector<16xi32>], vector<16xi32>, vector<16xi1>
      %broadcast_in_dim3A_128 = arith.constant 0 : i32
      %broadcast_in_dim3A_129 = vector.broadcast %broadcast_in_dim3A_128 : i32 to vector<16xi32>
      %parallel_loop3A_130 = arith.constant 0 : i32
      %parallel_loop3A_131 = arith.constant 65 : i32
      %parallel_loop3A_132 = arith.constant 1 : i32
      %parallel_loop3A_133 = scf.for %parallel_loop3A_257 = %parallel_loop3A_130 to %parallel_loop3A_131 step %parallel_loop3A_132 iter_args(%parallel_loop3A_258 = %broadcast_in_dim3A_129) -> (vector<16xi32>)  : i32 {
        %parallel_loop3A_259 = arith.constant 16 : i32
        %parallel_loop3A_260 = arith.muli %parallel_loop3A_257, %parallel_loop3A_259 : i32
        %parallel_loop3A_261 = arith.index_cast %parallel_loop3A_260 : i32 to index
        %parallel_loop3A_262 = tpu.vector_load %arg19[%parallel_loop3A_261] {strides = array<i32>} : memref<1040xi32, #tpu.memory_space<vmem>>, vector<16xi32>,
        %parallel_loop3A_263 = arith.maxsi %parallel_loop3A_258, %parallel_loop3A_262 : vector<16xi32>
        %parallel_loop3A_264 = arith.constant 16 : i32
        %parallel_loop3A_265 = arith.muli %parallel_loop3A_257, %parallel_loop3A_264 : i32
        %parallel_loop3A_266 = arith.index_cast %parallel_loop3A_265 : i32 to index
        %parallel_loop3A_267 = tpu.vector_load %arg21[%parallel_loop3A_266] {strides = array<i32>} : memref<1040xi32, #tpu.memory_space<vmem>>, vector<16xi32>,
        tpu.vector_store %arg21[%parallel_loop3A_266], %parallel_loop3A_263 {strides = array<i32>} : memref<1040xi32, #tpu.memory_space<vmem>>, vector<16xi32>,
        scf.yield %parallel_loop3A_263 : vector<16xi32>
      } {sc.loop_unroll_factor = 8 : i64, sc.parallel_access}
      %gather3A = tpu.vector_load_idx %arg12[%add3A_84, %broadcast_in_dim3A_51] : memref<16x1xf32, #tpu.memory_space<vmem>>[vector<16xi32>, vector<16xi32>], vector<16xf32>,
      %gather3A_134 = tpu.vector_load_idx %arg13[%add3A_84, %broadcast_in_dim3A_51] : memref<16x1xf32, #tpu.memory_space<vmem>>[vector<16xi32>, vector<16xi32>], vector<16xf32>,
      %sub3A_135 = arith.subf %gather3A_134, %gather3A : vector<16xf32>
      %parallel_loop3A_136 = arith.constant 0 : i32
      %parallel_loop3A_137 = arith.constant 65 : i32
      %parallel_loop3A_138 = arith.constant 1 : i32
      scf.for %parallel_loop3A_257 = %parallel_loop3A_136 to %parallel_loop3A_137 step %parallel_loop3A_138  : i32 {
        %parallel_loop3A_258 = arith.constant 16 : i32
        %parallel_loop3A_259 = arith.muli %parallel_loop3A_257, %parallel_loop3A_258 : i32
        %parallel_loop3A_260 = arith.index_cast %parallel_loop3A_259 : i32 to index
        %parallel_loop3A_261 = tpu.vector_load %arg21[%parallel_loop3A_260] {strides = array<i32>} : memref<1040xi32, #tpu.memory_space<vmem>>, vector<16xi32>,
        %parallel_loop3A_262 = arith.constant 1 : i32
        %parallel_loop3A_263 = vector.broadcast %parallel_loop3A_262 : i32 to vector<16xi32>
        %parallel_loop3A_264 = arith.addi %parallel_loop3A_261, %parallel_loop3A_263 : vector<16xi32>
        %parallel_loop3A_265 = arith.constant 64 : i32
        %parallel_loop3A_266 = vector.broadcast %parallel_loop3A_265 : i32 to vector<16xi32>
        %parallel_loop3A_267 = arith.minsi %parallel_loop3A_264, %parallel_loop3A_266 : vector<16xi32>
        %parallel_loop3A_268 = arith.constant 16 : i32
        %parallel_loop3A_269 = vector.broadcast %parallel_loop3A_268 : i32 to vector<16xi32>
        %parallel_loop3A_270 = arith.muli %parallel_loop3A_261, %parallel_loop3A_269 : vector<16xi32>
        %parallel_loop3A_271 = arith.addi %parallel_loop3A_270, %iota3A : vector<16xi32>
        %parallel_loop3A_272 = arith.constant 16 : i32
        %parallel_loop3A_273 = vector.broadcast %parallel_loop3A_272 : i32 to vector<16xi32>
        %parallel_loop3A_274 = arith.muli %parallel_loop3A_267, %parallel_loop3A_273 : vector<16xi32>
        %parallel_loop3A_275 = arith.addi %parallel_loop3A_274, %iota3A : vector<16xi32>
        %parallel_loop3A_276 = tpu.vector_load_idx %arg18[%parallel_loop3A_271] : memref<1040xf32, #tpu.memory_space<vmem>>[vector<16xi32>], vector<16xf32>,
        %parallel_loop3A_277 = tpu.vector_load_idx %arg18[%parallel_loop3A_275] : memref<1040xf32, #tpu.memory_space<vmem>>[vector<16xi32>], vector<16xf32>,
        %parallel_loop3A_278 = tpu.vector_load_idx %arg17[%parallel_loop3A_271] : memref<1040xf32, #tpu.memory_space<vmem>>[vector<16xi32>], vector<16xf32>,
        %parallel_loop3A_279 = tpu.vector_load_idx %arg17[%parallel_loop3A_275] : memref<1040xf32, #tpu.memory_space<vmem>>[vector<16xi32>], vector<16xf32>,
        %parallel_loop3A_280 = arith.constant 16 : i32
        %parallel_loop3A_281 = arith.muli %parallel_loop3A_257, %parallel_loop3A_280 : i32
        %parallel_loop3A_282 = arith.index_cast %parallel_loop3A_281 : i32 to index
        %parallel_loop3A_283 = tpu.vector_load %arg22[%parallel_loop3A_282] {strides = array<i32>} : memref<1040xf32, #tpu.memory_space<vmem>>, vector<16xf32>,
        %parallel_loop3A_284 = arith.subf %parallel_loop3A_277, %parallel_loop3A_276 : vector<16xf32>
        %parallel_loop3A_285 = arith.constant 9.99999996E-13 : f32
        %parallel_loop3A_286 = vector.broadcast %parallel_loop3A_285 : f32 to vector<16xf32>
        %parallel_loop3A_287 = arith.cmpf ogt, %parallel_loop3A_284, %parallel_loop3A_286 : vector<16xf32>
        %parallel_loop3A_288 = arith.constant 1.000000e+00 : f32
        %parallel_loop3A_289 = vector.broadcast %parallel_loop3A_288 : f32 to vector<16xf32>
        %parallel_loop3A_290 = arith.select %parallel_loop3A_287, %parallel_loop3A_284, %parallel_loop3A_289 : vector<16xi1>, vector<16xf32>
        %parallel_loop3A_291 = arith.subf %parallel_loop3A_283, %parallel_loop3A_276 : vector<16xf32>
        %parallel_loop3A_292 = arith.divf %parallel_loop3A_291, %parallel_loop3A_290 : vector<16xf32>
        %parallel_loop3A_293 = arith.constant 0.000000e+00 : f32
        %parallel_loop3A_294 = vector.broadcast %parallel_loop3A_293 : f32 to vector<16xf32>
        %parallel_loop3A_295 = arith.select %parallel_loop3A_287, %parallel_loop3A_292, %parallel_loop3A_294 : vector<16xi1>, vector<16xf32>
        %parallel_loop3A_296 = arith.constant 0.000000e+00 : f32
        %parallel_loop3A_297 = arith.constant 1.000000e+00 : f32
        %parallel_loop3A_298 = vector.broadcast %parallel_loop3A_296 : f32 to vector<16xf32>
        %parallel_loop3A_299 = arith.maximumf %parallel_loop3A_298, %parallel_loop3A_295 : vector<16xf32>
        %parallel_loop3A_300 = vector.broadcast %parallel_loop3A_297 : f32 to vector<16xf32>
        %parallel_loop3A_301 = arith.minimumf %parallel_loop3A_300, %parallel_loop3A_299 : vector<16xf32>
        %parallel_loop3A_302 = arith.subf %parallel_loop3A_279, %parallel_loop3A_278 : vector<16xf32>
        %parallel_loop3A_303 = arith.mulf %parallel_loop3A_301, %parallel_loop3A_302 : vector<16xf32>
        %parallel_loop3A_304 = arith.addf %parallel_loop3A_278, %parallel_loop3A_303 : vector<16xf32>
        %parallel_loop3A_305 = arith.constant 1 : i32
        %parallel_loop3A_306 = arith.addi %parallel_loop3A_257, %parallel_loop3A_305 : i32
        %parallel_loop3A_307 = vector.broadcast %parallel_loop3A_306 : i32 to vector<16xi32>
        %parallel_loop3A_308 = arith.addi %parallel_loop3A_261, %parallel_loop3A_307 : vector<16xi32>
        %parallel_loop3A_309 = arith.mulf %parallel_loop3A_304, %sub3A_135 : vector<16xf32>
        %parallel_loop3A_310 = arith.addf %gather3A, %parallel_loop3A_309 : vector<16xf32>
        tpu.vector_store_idx %arg23[%add3A_84, %parallel_loop3A_308], %parallel_loop3A_310 : memref<16x130xf32, #tpu.memory_space<vmem>>[vector<16xi32>, vector<16xi32>], vector<16xf32>,
        %parallel_loop3A_311 = arith.constant 16 : i32
        %parallel_loop3A_312 = arith.muli %parallel_loop3A_257, %parallel_loop3A_311 : i32
        %parallel_loop3A_313 = arith.index_cast %parallel_loop3A_312 : i32 to index
        %parallel_loop3A_314 = tpu.vector_load %arg20[%parallel_loop3A_313] {strides = array<i32>} : memref<1040xi32, #tpu.memory_space<vmem>>, vector<16xi32>,
        %parallel_loop3A_315 = arith.constant 16 : i32
        %parallel_loop3A_316 = arith.muli %parallel_loop3A_257, %parallel_loop3A_315 : i32
        %parallel_loop3A_317 = arith.index_cast %parallel_loop3A_316 : i32 to index
        %parallel_loop3A_318 = tpu.vector_load %arg17[%parallel_loop3A_317] {strides = array<i32>} : memref<1040xf32, #tpu.memory_space<vmem>>, vector<16xf32>,
        %parallel_loop3A_319 = vector.broadcast %parallel_loop3A_257 : i32 to vector<16xi32>
        %parallel_loop3A_320 = arith.addi %parallel_loop3A_314, %parallel_loop3A_319 : vector<16xi32>
        %parallel_loop3A_321 = arith.mulf %parallel_loop3A_318, %sub3A_135 : vector<16xf32>
        %parallel_loop3A_322 = arith.addf %gather3A, %parallel_loop3A_321 : vector<16xf32>
        tpu.vector_store_idx %arg23[%add3A_84, %parallel_loop3A_320], %parallel_loop3A_322 : memref<16x130xf32, #tpu.memory_space<vmem>>[vector<16xi32>, vector<16xi32>], vector<16xf32>,
      } {sc.loop_unroll_factor = 5 : i64, sc.parallel_access}
      %dma_start3A_139 = arith.constant 0 : i32
      %dma_start3A_140 = tpu.memref_slice %arg7[%add3A_50, %dma_start3A_139] : memref<32768x130xf32, #tpu.memory_space<hbm>> -> memref<16x130xf32, #tpu.memory_space<hbm>>
      %dma_start3A_141 = arith.constant 0 : i32
      %dma_start3A_142 = tpu.memref_slice %arg7[%add3A_50, %dma_start3A_141] : memref<32768x130xf32, #tpu.memory_space<hbm>> -> memref<16x130xf32, #tpu.memory_space<hbm>>
      tpu.enqueue_dma source(%arg23 : memref<16x130xf32, #tpu.memory_space<vmem>>) target(%dma_start3A_142 : memref<16x130xf32, #tpu.memory_space<hbm>>) target_semaphore(%arg31 : memref<!tpu.dma_semaphore, #tpu.memory_space<semaphore_mem>>)
      %mul3A_143 = arith.constant 2 : i32
      %mul3A_144 = arith.muli %scan3A_40, %mul3A_143 : i32
      %add3A_145 = arith.constant 1 : i32
      %add3A_146 = arith.addi %mul3A_144, %add3A_145 : i32
      %mul3A_147 = arith.constant 1024 : i32
      %mul3A_148 = arith.muli %add3A, %mul3A_147 : i32
      %mul3A_149 = arith.constant 16 : i32
      %mul3A_150 = arith.muli %add3A_146, %mul3A_149 : i32
      %add3A_151 = arith.addi %mul3A_148, %mul3A_150 : i32
      %broadcast_in_dim3A_152 = arith.constant 0 : i32
      %broadcast_in_dim3A_153 = vector.broadcast %broadcast_in_dim3A_152 : i32 to vector<16xi32>
      %dma_wait3A_154 = arith.constant 0 : i32
      %dma_wait3A_155 = arith.constant 0 : i32
      %dma_wait3A_156 = tpu.memref_slice %arg2[%dma_wait3A_154, %dma_wait3A_155] : memref<32768x64xf32, #tpu.memory_space<hbm>> -> memref<16x64xf32, #tpu.memory_space<hbm>>
      %dma_wait3A_157 = arith.constant 0 : i32
      %dma_wait3A_158 = arith.constant 0 : i32
      %dma_wait3A_159 = tpu.memref_slice %arg2[%dma_wait3A_157, %dma_wait3A_158] : memref<32768x64xf32, #tpu.memory_space<hbm>> -> memref<16x64xf32, #tpu.memory_space<hbm>>
      tpu.wait_dma2 semaphore(%arg26 : memref<!tpu.dma_semaphore, #tpu.memory_space<semaphore_mem>>) src(%dma_wait3A_159 : memref<16x64xf32, #tpu.memory_space<hbm>>) dst(%arg9 : memref<16x64xf32, #tpu.memory_space<vmem>>)
      %dma_wait3A_160 = arith.constant 0 : i32
      %dma_wait3A_161 = arith.constant 0 : i32
      %dma_wait3A_162 = tpu.memref_slice %arg3[%dma_wait3A_160, %dma_wait3A_161] : memref<32768x65xf32, #tpu.memory_space<hbm>> -> memref<16x65xf32, #tpu.memory_space<hbm>>
      %dma_wait3A_163 = arith.constant 0 : i32
      %dma_wait3A_164 = arith.constant 0 : i32
      %dma_wait3A_165 = tpu.memref_slice %arg3[%dma_wait3A_163, %dma_wait3A_164] : memref<32768x65xf32, #tpu.memory_space<hbm>> -> memref<16x65xf32, #tpu.memory_space<hbm>>
      tpu.wait_dma2 semaphore(%arg28 : memref<!tpu.dma_semaphore, #tpu.memory_space<semaphore_mem>>) src(%dma_wait3A_165 : memref<16x65xf32, #tpu.memory_space<hbm>>) dst(%arg11 : memref<16x65xf32, #tpu.memory_space<vmem>>)
      %dma_wait3A_166 = arith.constant 0 : i32
      %dma_wait3A_167 = arith.constant 0 : i32
      %dma_wait3A_168 = tpu.memref_slice %arg4[%dma_wait3A_166, %dma_wait3A_167] : memref<32768x1xf32, #tpu.memory_space<hbm>> -> memref<16x1xf32, #tpu.memory_space<hbm>>
      %dma_wait3A_169 = arith.constant 0 : i32
      %dma_wait3A_170 = arith.constant 0 : i32
      %dma_wait3A_171 = tpu.memref_slice %arg4[%dma_wait3A_169, %dma_wait3A_170] : memref<32768x1xf32, #tpu.memory_space<hbm>> -> memref<16x1xf32, #tpu.memory_space<hbm>>
      tpu.wait_dma2 semaphore(%arg30 : memref<!tpu.dma_semaphore, #tpu.memory_space<semaphore_mem>>) src(%dma_wait3A_171 : memref<16x1xf32, #tpu.memory_space<hbm>>) dst(%arg14 : memref<16x1xf32, #tpu.memory_space<vmem>>)
      %dma_wait3A_172 = arith.constant 0 : i32
      %dma_wait3A_173 = arith.constant 0 : i32
      %dma_wait3A_174 = tpu.memref_slice %arg5[%dma_wait3A_172, %dma_wait3A_173] : memref<32768x1xf32, #tpu.memory_space<hbm>> -> memref<16x1xf32, #tpu.memory_space<hbm>>
      %dma_wait3A_175 = arith.constant 0 : i32
      %dma_wait3A_176 = arith.constant 0 : i32
      %dma_wait3A_177 = tpu.memref_slice %arg5[%dma_wait3A_175, %dma_wait3A_176] : memref<32768x1xf32, #tpu.memory_space<hbm>> -> memref<16x1xf32, #tpu.memory_space<hbm>>
      tpu.wait_dma2 semaphore(%arg30 : memref<!tpu.dma_semaphore, #tpu.memory_space<semaphore_mem>>) src(%dma_wait3A_177 : memref<16x1xf32, #tpu.memory_space<hbm>>) dst(%arg15 : memref<16x1xf32, #tpu.memory_space<vmem>>)
      %lt3A_178 = arith.constant 63 : i32
      %lt3A_179 = arith.cmpi slt, %add3A_146, %lt3A_178 : i32
      %convert_element_type3A_180 = arith.extui %lt3A_179 : i1 to i32
      %cond3A_181 = arith.constant 0 : i32
      %cond3A_182 = arith.cmpi ne, %convert_element_type3A_180, %cond3A_181 : i32
      scf.if %cond3A_182 {
        %add3A_257 = arith.constant 1 : i32
        %add3A_258 = arith.addi %add3A_146, %add3A_257 : i32
        %mul3A_259 = arith.constant 1024 : i32
        %mul3A_260 = arith.muli %add3A, %mul3A_259 : i32
        %mul3A_261 = arith.constant 16 : i32
        %mul3A_262 = arith.muli %add3A_258, %mul3A_261 : i32
        %add3A_263 = arith.addi %mul3A_260, %mul3A_262 : i32
        %dma_start3A_264 = arith.constant 0 : i32
        %dma_start3A_265 = tpu.memref_slice %arg2[%add3A_263, %dma_start3A_264] : memref<32768x64xf32, #tpu.memory_space<hbm>> -> memref<16x64xf32, #tpu.memory_space<hbm>>
        %dma_start3A_266 = arith.constant 0 : i32
        %dma_start3A_267 = tpu.memref_slice %arg2[%add3A_263, %dma_start3A_266] : memref<32768x64xf32, #tpu.memory_space<hbm>> -> memref<16x64xf32, #tpu.memory_space<hbm>>
        tpu.enqueue_dma source(%dma_start3A_267 : memref<16x64xf32, #tpu.memory_space<hbm>>) target(%arg8 : memref<16x64xf32, #tpu.memory_space<vmem>>) target_semaphore(%arg25 : memref<!tpu.dma_semaphore, #tpu.memory_space<semaphore_mem>>)
        %dma_start3A_268 = arith.constant 0 : i32
        %dma_start3A_269 = tpu.memref_slice %arg3[%add3A_263, %dma_start3A_268] : memref<32768x65xf32, #tpu.memory_space<hbm>> -> memref<16x65xf32, #tpu.memory_space<hbm>>
        %dma_start3A_270 = arith.constant 0 : i32
        %dma_start3A_271 = tpu.memref_slice %arg3[%add3A_263, %dma_start3A_270] : memref<32768x65xf32, #tpu.memory_space<hbm>> -> memref<16x65xf32, #tpu.memory_space<hbm>>
        tpu.enqueue_dma source(%dma_start3A_271 : memref<16x65xf32, #tpu.memory_space<hbm>>) target(%arg10 : memref<16x65xf32, #tpu.memory_space<vmem>>) target_semaphore(%arg27 : memref<!tpu.dma_semaphore, #tpu.memory_space<semaphore_mem>>)
        %dma_start3A_272 = arith.constant 0 : i32
        %dma_start3A_273 = tpu.memref_slice %arg4[%add3A_263, %dma_start3A_272] : memref<32768x1xf32, #tpu.memory_space<hbm>> -> memref<16x1xf32, #tpu.memory_space<hbm>>
        %dma_start3A_274 = arith.constant 0 : i32
        %dma_start3A_275 = tpu.memref_slice %arg4[%add3A_263, %dma_start3A_274] : memref<32768x1xf32, #tpu.memory_space<hbm>> -> memref<16x1xf32, #tpu.memory_space<hbm>>
        tpu.enqueue_dma source(%dma_start3A_275 : memref<16x1xf32, #tpu.memory_space<hbm>>) target(%arg12 : memref<16x1xf32, #tpu.memory_space<vmem>>) target_semaphore(%arg29 : memref<!tpu.dma_semaphore, #tpu.memory_space<semaphore_mem>>)
        %dma_start3A_276 = arith.constant 0 : i32
        %dma_start3A_277 = tpu.memref_slice %arg5[%add3A_263, %dma_start3A_276] : memref<32768x1xf32, #tpu.memory_space<hbm>> -> memref<16x1xf32, #tpu.memory_space<hbm>>
        %dma_start3A_278 = arith.constant 0 : i32
        %dma_start3A_279 = tpu.memref_slice %arg5[%add3A_263, %dma_start3A_278] : memref<32768x1xf32, #tpu.memory_space<hbm>> -> memref<16x1xf32, #tpu.memory_space<hbm>>
        tpu.enqueue_dma source(%dma_start3A_279 : memref<16x1xf32, #tpu.memory_space<hbm>>) target(%arg13 : memref<16x1xf32, #tpu.memory_space<vmem>>) target_semaphore(%arg29 : memref<!tpu.dma_semaphore, #tpu.memory_space<semaphore_mem>>)
      } else {
      }
      %ge3A_183 = arith.constant 2 : i32
      %ge3A_184 = arith.cmpi sge, %add3A_146, %ge3A_183 : i32
      %convert_element_type3A_185 = arith.extui %ge3A_184 : i1 to i32
      %cond3A_186 = arith.constant 0 : i32
      %cond3A_187 = arith.cmpi ne, %convert_element_type3A_185, %cond3A_186 : i32
      scf.if %cond3A_187 {
        %dma_wait3A_257 = arith.constant 0 : i32
        %dma_wait3A_258 = arith.constant 0 : i32
        %dma_wait3A_259 = tpu.memref_slice %arg7[%dma_wait3A_257, %dma_wait3A_258] : memref<32768x130xf32, #tpu.memory_space<hbm>> -> memref<16x130xf32, #tpu.memory_space<hbm>>
        %dma_wait3A_260 = arith.constant 0 : i32
        %dma_wait3A_261 = arith.constant 0 : i32
        %dma_wait3A_262 = tpu.memref_slice %arg7[%dma_wait3A_260, %dma_wait3A_261] : memref<32768x130xf32, #tpu.memory_space<hbm>> -> memref<16x130xf32, #tpu.memory_space<hbm>>
        tpu.wait_dma2 semaphore(%arg32 : memref<!tpu.dma_semaphore, #tpu.memory_space<semaphore_mem>>) src(%arg24 : memref<16x130xf32, #tpu.memory_space<vmem>>) dst(%dma_wait3A_262 : memref<16x130xf32, #tpu.memory_space<hbm>>)
      } else {
      }
      %add3A_188 = arith.constant 0 : i32
      %add3A_189 = vector.broadcast %add3A_188 : i32 to vector<16xi32>
      %add3A_190 = arith.addi %iota3A, %add3A_189 : vector<16xi32>
      %broadcast_in_dim3A_191 = arith.constant 0.000000e+00 : f32
      %broadcast_in_dim3A_192 = vector.broadcast %broadcast_in_dim3A_191 : f32 to vector<16xf32>
      %parallel_loop3A_193 = arith.constant 0 : i32
      %parallel_loop3A_194 = arith.constant 64 : i32
      %parallel_loop3A_195 = arith.constant 1 : i32
      %parallel_loop3A_196 = scf.for %parallel_loop3A_257 = %parallel_loop3A_193 to %parallel_loop3A_194 step %parallel_loop3A_195 iter_args(%parallel_loop3A_258 = %broadcast_in_dim3A_192) -> (vector<16xf32>)  : i32 {
        %parallel_loop3A_259 = vector.broadcast %parallel_loop3A_257 : i32 to vector<16xi32>
        %parallel_loop3A_260 = tpu.vector_load_idx %arg9[%add3A_190, %parallel_loop3A_259] : memref<16x64xf32, #tpu.memory_space<vmem>>[vector<16xi32>, vector<16xi32>], vector<16xf32>,
        %parallel_loop3A_261 = arith.constant 0.00999999977 : f32
        %parallel_loop3A_262 = vector.broadcast %parallel_loop3A_261 : f32 to vector<16xf32>
        %parallel_loop3A_263 = arith.addf %parallel_loop3A_260, %parallel_loop3A_262 : vector<16xf32>
        %parallel_loop3A_264 = arith.constant 16 : i32
        %parallel_loop3A_265 = arith.muli %parallel_loop3A_257, %parallel_loop3A_264 : i32
        %parallel_loop3A_266 = arith.index_cast %parallel_loop3A_265 : i32 to index
        %parallel_loop3A_267 = tpu.vector_load %arg16[%parallel_loop3A_266] {strides = array<i32>} : memref<1024xf32, #tpu.memory_space<vmem>>, vector<16xf32>,
        tpu.vector_store %arg16[%parallel_loop3A_266], %parallel_loop3A_263 {strides = array<i32>} : memref<1024xf32, #tpu.memory_space<vmem>>, vector<16xf32>,
        %parallel_loop3A_268 = arith.addf %parallel_loop3A_258, %parallel_loop3A_263 : vector<16xf32>
        scf.yield %parallel_loop3A_268 : vector<16xf32>
      } {sc.loop_unroll_factor = 4 : i64, sc.parallel_access}
      %sub3A_197 = arith.constant 9.99999974E-6 : f32
      %sub3A_198 = vector.broadcast %sub3A_197 : f32 to vector<16xf32>
      %sub3A_199 = arith.subf %sub3A_198, %parallel_loop3A_196 : vector<16xf32>
      %max3A_200 = arith.constant 0.000000e+00 : f32
      %max3A_201 = vector.broadcast %max3A_200 : f32 to vector<16xf32>
      %max3A_202 = arith.maximumf %max3A_201, %sub3A_199 : vector<16xf32>
      %mul3A_203 = arith.constant 1.562500e-02 : f32
      %mul3A_204 = vector.broadcast %mul3A_203 : f32 to vector<16xf32>
      %mul3A_205 = arith.mulf %max3A_202, %mul3A_204 : vector<16xf32>
      %add3A_206 = arith.addf %parallel_loop3A_196, %max3A_202 : vector<16xf32>
      %div3A_207 = arith.constant 1.000000e+00 : f32
      %div3A_208 = vector.broadcast %div3A_207 : f32 to vector<16xf32>
      %div3A_209 = arith.divf %div3A_208, %add3A_206 : vector<16xf32>
      %broadcast_in_dim3A_210 = arith.constant 0.000000e+00 : f32
      %broadcast_in_dim3A_211 = vector.broadcast %broadcast_in_dim3A_210 : f32 to vector<16xf32>
      %swap3A_212 = arith.constant 0 : index
      %swap3A_213 = tpu.vector_load %arg18[%swap3A_212] {strides = array<i32>} : memref<1040xf32, #tpu.memory_space<vmem>>, vector<16xf32>,
      tpu.vector_store %arg18[%swap3A_212], %broadcast_in_dim3A_211 {strides = array<i32>} : memref<1040xf32, #tpu.memory_space<vmem>>, vector<16xf32>,
      %swap3A_214 = arith.constant 1024 : index
      %swap3A_215 = tpu.vector_load %arg19[%swap3A_214] {strides = array<i32>} : memref<1040xi32, #tpu.memory_space<vmem>>, vector<16xi32>,
      tpu.vector_store %arg19[%swap3A_214], %broadcast_in_dim3A_153 {strides = array<i32>} : memref<1040xi32, #tpu.memory_space<vmem>>, vector<16xi32>,
      %broadcast_in_dim3A_216 = arith.constant 0.000000e+00 : f32
      %broadcast_in_dim3A_217 = vector.broadcast %broadcast_in_dim3A_216 : f32 to vector<16xf32>
      %parallel_loop3A_218 = arith.constant 0 : i32
      %parallel_loop3A_219 = arith.constant 64 : i32
      %parallel_loop3A_220 = arith.constant 1 : i32
      %parallel_loop3A_221 = scf.for %parallel_loop3A_257 = %parallel_loop3A_218 to %parallel_loop3A_219 step %parallel_loop3A_220 iter_args(%parallel_loop3A_258 = %broadcast_in_dim3A_217) -> (vector<16xf32>)  : i32 {
        %parallel_loop3A_259 = arith.constant 16 : i32
        %parallel_loop3A_260 = arith.muli %parallel_loop3A_257, %parallel_loop3A_259 : i32
        %parallel_loop3A_261 = arith.index_cast %parallel_loop3A_260 : i32 to index
        %parallel_loop3A_262 = tpu.vector_load %arg16[%parallel_loop3A_261] {strides = array<i32>} : memref<1024xf32, #tpu.memory_space<vmem>>, vector<16xf32>,
        %parallel_loop3A_263 = arith.addf %parallel_loop3A_258, %parallel_loop3A_262 : vector<16xf32>
        %parallel_loop3A_264 = arith.addf %parallel_loop3A_263, %mul3A_205 : vector<16xf32>
        %parallel_loop3A_265 = arith.mulf %parallel_loop3A_264, %div3A_209 : vector<16xf32>
        %parallel_loop3A_266 = arith.constant 1.000000e+00 : f32
        %parallel_loop3A_267 = vector.broadcast %parallel_loop3A_266 : f32 to vector<16xf32>
        %parallel_loop3A_268 = arith.minimumf %parallel_loop3A_267, %parallel_loop3A_265 : vector<16xf32>
        %parallel_loop3A_269 = arith.constant 1 : i32
        %parallel_loop3A_270 = arith.addi %parallel_loop3A_257, %parallel_loop3A_269 : i32
        %parallel_loop3A_271 = arith.constant 16 : i32
        %parallel_loop3A_272 = arith.muli %parallel_loop3A_270, %parallel_loop3A_271 : i32
        %parallel_loop3A_273 = arith.index_cast %parallel_loop3A_272 : i32 to index
        %parallel_loop3A_274 = tpu.vector_load %arg18[%parallel_loop3A_273] {strides = array<i32>} : memref<1040xf32, #tpu.memory_space<vmem>>, vector<16xf32>,
        tpu.vector_store %arg18[%parallel_loop3A_273], %parallel_loop3A_268 {strides = array<i32>} : memref<1040xf32, #tpu.memory_space<vmem>>, vector<16xf32>,
        %parallel_loop3A_275 = arith.constant 16 : i32
        %parallel_loop3A_276 = arith.muli %parallel_loop3A_257, %parallel_loop3A_275 : i32
        %parallel_loop3A_277 = arith.index_cast %parallel_loop3A_276 : i32 to index
        %parallel_loop3A_278 = tpu.vector_load %arg19[%parallel_loop3A_277] {strides = array<i32>} : memref<1040xi32, #tpu.memory_space<vmem>>, vector<16xi32>,
        tpu.vector_store %arg19[%parallel_loop3A_277], %broadcast_in_dim3A_153 {strides = array<i32>} : memref<1040xi32, #tpu.memory_space<vmem>>, vector<16xi32>,
        scf.yield %parallel_loop3A_264 : vector<16xf32>
      } {sc.loop_unroll_factor = 4 : i64, sc.parallel_access}
      %broadcast_in_dim3A_222 = arith.constant 0 : i32
      %broadcast_in_dim3A_223 = vector.broadcast %broadcast_in_dim3A_222 : i32 to vector<16xi32>
      %parallel_loop3A_224 = arith.constant 0 : i32
      %parallel_loop3A_225 = arith.constant 65 : i32
      %parallel_loop3A_226 = arith.constant 1 : i32
      %parallel_loop3A_227 = scf.for %parallel_loop3A_257 = %parallel_loop3A_224 to %parallel_loop3A_225 step %parallel_loop3A_226 iter_args(%parallel_loop3A_258 = %broadcast_in_dim3A_223) -> (vector<16xi32>)  : i32 {
        %parallel_loop3A_259 = vector.broadcast %parallel_loop3A_257 : i32 to vector<16xi32>
        %parallel_loop3A_260 = tpu.vector_load_idx %arg11[%add3A_190, %parallel_loop3A_259] : memref<16x65xf32, #tpu.memory_space<vmem>>[vector<16xi32>, vector<16xi32>], vector<16xf32>,
        %parallel_loop3A_261 = arith.constant 16 : i32
        %parallel_loop3A_262 = arith.muli %parallel_loop3A_257, %parallel_loop3A_261 : i32
        %parallel_loop3A_263 = arith.index_cast %parallel_loop3A_262 : i32 to index
        %parallel_loop3A_264 = tpu.vector_load %arg17[%parallel_loop3A_263] {strides = array<i32>} : memref<1040xf32, #tpu.memory_space<vmem>>, vector<16xf32>,
        tpu.vector_store %arg17[%parallel_loop3A_263], %parallel_loop3A_260 {strides = array<i32>} : memref<1040xf32, #tpu.memory_space<vmem>>, vector<16xf32>,
        %parallel_loop3A_265 = arith.constant 16 : i32
        %parallel_loop3A_266 = arith.muli %parallel_loop3A_257, %parallel_loop3A_265 : i32
        %parallel_loop3A_267 = arith.index_cast %parallel_loop3A_266 : i32 to index
        %parallel_loop3A_268 = tpu.vector_load %arg18[%parallel_loop3A_267] {strides = array<i32>} : memref<1040xf32, #tpu.memory_space<vmem>>, vector<16xf32>,
        %parallel_loop3A_269 = vector.broadcast %scan3A : f32 to vector<16xf32>
        %parallel_loop3A_270 = arith.subf %parallel_loop3A_268, %parallel_loop3A_269 : vector<16xf32>
        %parallel_loop3A_271 = vector.broadcast %div3A_2 : f32 to vector<16xf32>
        %parallel_loop3A_272 = arith.mulf %parallel_loop3A_270, %parallel_loop3A_271 : vector<16xf32>
        %parallel_loop3A_273 = arith.fptosi %parallel_loop3A_272 : vector<16xf32> to vector<16xi32>
        %parallel_loop3A_274 = arith.sitofp %parallel_loop3A_273 : vector<16xi32> to vector<16xf32>
        %parallel_loop3A_275 = arith.cmpf olt, %parallel_loop3A_274, %parallel_loop3A_272 : vector<16xf32>
        %parallel_loop3A_276 = arith.extui %parallel_loop3A_275 : vector<16xi1> to vector<16xi32>
        %parallel_loop3A_277 = arith.addi %parallel_loop3A_273, %parallel_loop3A_276 : vector<16xi32>
        %parallel_loop3A_278 = arith.constant 16 : i32
        %parallel_loop3A_279 = arith.muli %parallel_loop3A_257, %parallel_loop3A_278 : i32
        %parallel_loop3A_280 = arith.index_cast %parallel_loop3A_279 : i32 to index
        %parallel_loop3A_281 = tpu.vector_load %arg20[%parallel_loop3A_280] {strides = array<i32>} : memref<1040xi32, #tpu.memory_space<vmem>>, vector<16xi32>,
        tpu.vector_store %arg20[%parallel_loop3A_280], %parallel_loop3A_277 {strides = array<i32>} : memref<1040xi32, #tpu.memory_space<vmem>>, vector<16xi32>,
        %parallel_loop3A_282 = arith.constant 1 : i32
        %parallel_loop3A_283 = vector.broadcast %parallel_loop3A_282 : i32 to vector<16xi32>
        %parallel_loop3A_284 = arith.subi %parallel_loop3A_259, %parallel_loop3A_283 : vector<16xi32>
        %parallel_loop3A_285 = arith.constant 64 : i32
        %parallel_loop3A_286 = vector.broadcast %parallel_loop3A_285 : i32 to vector<16xi32>
        %parallel_loop3A_287 = arith.minsi %parallel_loop3A_258, %parallel_loop3A_286 : vector<16xi32>
        %parallel_loop3A_288 = arith.constant 16 : i32
        %parallel_loop3A_289 = vector.broadcast %parallel_loop3A_288 : i32 to vector<16xi32>
        %parallel_loop3A_290 = arith.muli %parallel_loop3A_287, %parallel_loop3A_289 : vector<16xi32>
        %parallel_loop3A_291 = arith.addi %parallel_loop3A_290, %iota3A : vector<16xi32>
        %parallel_loop3A_292 = arith.cmpi sgt, %parallel_loop3A_277, %parallel_loop3A_258 : vector<16xi32>
        tpu.vector_store_idx %arg19[%parallel_loop3A_291], %parallel_loop3A_284 masked %parallel_loop3A_292 : memref<1040xi32, #tpu.memory_space<vmem>>[vector<16xi32>], vector<16xi32>, vector<16xi1>
        scf.yield %parallel_loop3A_277 : vector<16xi32>
      } {sc.loop_unroll_factor = 4 : i64, sc.parallel_access}
      %min3A_228 = arith.constant 64 : i32
      %min3A_229 = vector.broadcast %min3A_228 : i32 to vector<16xi32>
      %min3A_230 = arith.minsi %parallel_loop3A_227, %min3A_229 : vector<16xi32>
      %mul3A_231 = arith.constant 16 : i32
      %mul3A_232 = vector.broadcast %mul3A_231 : i32 to vector<16xi32>
      %mul3A_233 = arith.muli %min3A_230, %mul3A_232 : vector<16xi32>
      %add3A_234 = arith.addi %mul3A_233, %iota3A : vector<16xi32>
      %broadcast_in_dim3A_235 = arith.constant 64 : i32
      %broadcast_in_dim3A_236 = vector.broadcast %broadcast_in_dim3A_235 : i32 to vector<16xi32>
      %le3A_237 = arith.constant 64 : i32
      %le3A_238 = vector.broadcast %le3A_237 : i32 to vector<16xi32>
      %le3A_239 = arith.cmpi sle, %parallel_loop3A_227, %le3A_238 : vector<16xi32>
      tpu.vector_store_idx %arg19[%add3A_234], %broadcast_in_dim3A_236 masked %le3A_239 : memref<1040xi32, #tpu.memory_space<vmem>>[vector<16xi32>], vector<16xi32>, vector<16xi1>
      %broadcast_in_dim3A_240 = arith.constant 0 : i32
      %broadcast_in_dim3A_241 = vector.broadcast %broadcast_in_dim3A_240 : i32 to vector<16xi32>
      %parallel_loop3A_242 = arith.constant 0 : i32
      %parallel_loop3A_243 = arith.constant 65 : i32
      %parallel_loop3A_244 = arith.constant 1 : i32
      %parallel_loop3A_245 = scf.for %parallel_loop3A_257 = %parallel_loop3A_242 to %parallel_loop3A_243 step %parallel_loop3A_244 iter_args(%parallel_loop3A_258 = %broadcast_in_dim3A_241) -> (vector<16xi32>)  : i32 {
        %parallel_loop3A_259 = arith.constant 16 : i32
        %parallel_loop3A_260 = arith.muli %parallel_loop3A_257, %parallel_loop3A_259 : i32
        %parallel_loop3A_261 = arith.index_cast %parallel_loop3A_260 : i32 to index
        %parallel_loop3A_262 = tpu.vector_load %arg19[%parallel_loop3A_261] {strides = array<i32>} : memref<1040xi32, #tpu.memory_space<vmem>>, vector<16xi32>,
        %parallel_loop3A_263 = arith.maxsi %parallel_loop3A_258, %parallel_loop3A_262 : vector<16xi32>
        %parallel_loop3A_264 = arith.constant 16 : i32
        %parallel_loop3A_265 = arith.muli %parallel_loop3A_257, %parallel_loop3A_264 : i32
        %parallel_loop3A_266 = arith.index_cast %parallel_loop3A_265 : i32 to index
        %parallel_loop3A_267 = tpu.vector_load %arg21[%parallel_loop3A_266] {strides = array<i32>} : memref<1040xi32, #tpu.memory_space<vmem>>, vector<16xi32>,
        tpu.vector_store %arg21[%parallel_loop3A_266], %parallel_loop3A_263 {strides = array<i32>} : memref<1040xi32, #tpu.memory_space<vmem>>, vector<16xi32>,
        scf.yield %parallel_loop3A_263 : vector<16xi32>
      } {sc.loop_unroll_factor = 8 : i64, sc.parallel_access}
      %gather3A_246 = tpu.vector_load_idx %arg14[%add3A_190, %broadcast_in_dim3A_153] : memref<16x1xf32, #tpu.memory_space<vmem>>[vector<16xi32>, vector<16xi32>], vector<16xf32>,
      %gather3A_247 = tpu.vector_load_idx %arg15[%add3A_190, %broadcast_in_dim3A_153] : memref<16x1xf32, #tpu.memory_space<vmem>>[vector<16xi32>, vector<16xi32>], vector<16xf32>,
      %sub3A_248 = arith.subf %gather3A_247, %gather3A_246 : vector<16xf32>
      %parallel_loop3A_249 = arith.constant 0 : i32
      %parallel_loop3A_250 = arith.constant 65 : i32
      %parallel_loop3A_251 = arith.constant 1 : i32
      scf.for %parallel_loop3A_257 = %parallel_loop3A_249 to %parallel_loop3A_250 step %parallel_loop3A_251  : i32 {
        %parallel_loop3A_258 = arith.constant 16 : i32
        %parallel_loop3A_259 = arith.muli %parallel_loop3A_257, %parallel_loop3A_258 : i32
        %parallel_loop3A_260 = arith.index_cast %parallel_loop3A_259 : i32 to index
        %parallel_loop3A_261 = tpu.vector_load %arg21[%parallel_loop3A_260] {strides = array<i32>} : memref<1040xi32, #tpu.memory_space<vmem>>, vector<16xi32>,
        %parallel_loop3A_262 = arith.constant 1 : i32
        %parallel_loop3A_263 = vector.broadcast %parallel_loop3A_262 : i32 to vector<16xi32>
        %parallel_loop3A_264 = arith.addi %parallel_loop3A_261, %parallel_loop3A_263 : vector<16xi32>
        %parallel_loop3A_265 = arith.constant 64 : i32
        %parallel_loop3A_266 = vector.broadcast %parallel_loop3A_265 : i32 to vector<16xi32>
        %parallel_loop3A_267 = arith.minsi %parallel_loop3A_264, %parallel_loop3A_266 : vector<16xi32>
        %parallel_loop3A_268 = arith.constant 16 : i32
        %parallel_loop3A_269 = vector.broadcast %parallel_loop3A_268 : i32 to vector<16xi32>
        %parallel_loop3A_270 = arith.muli %parallel_loop3A_261, %parallel_loop3A_269 : vector<16xi32>
        %parallel_loop3A_271 = arith.addi %parallel_loop3A_270, %iota3A : vector<16xi32>
        %parallel_loop3A_272 = arith.constant 16 : i32
        %parallel_loop3A_273 = vector.broadcast %parallel_loop3A_272 : i32 to vector<16xi32>
        %parallel_loop3A_274 = arith.muli %parallel_loop3A_267, %parallel_loop3A_273 : vector<16xi32>
        %parallel_loop3A_275 = arith.addi %parallel_loop3A_274, %iota3A : vector<16xi32>
        %parallel_loop3A_276 = tpu.vector_load_idx %arg18[%parallel_loop3A_271] : memref<1040xf32, #tpu.memory_space<vmem>>[vector<16xi32>], vector<16xf32>,
        %parallel_loop3A_277 = tpu.vector_load_idx %arg18[%parallel_loop3A_275] : memref<1040xf32, #tpu.memory_space<vmem>>[vector<16xi32>], vector<16xf32>,
        %parallel_loop3A_278 = tpu.vector_load_idx %arg17[%parallel_loop3A_271] : memref<1040xf32, #tpu.memory_space<vmem>>[vector<16xi32>], vector<16xf32>,
        %parallel_loop3A_279 = tpu.vector_load_idx %arg17[%parallel_loop3A_275] : memref<1040xf32, #tpu.memory_space<vmem>>[vector<16xi32>], vector<16xf32>,
        %parallel_loop3A_280 = arith.constant 16 : i32
        %parallel_loop3A_281 = arith.muli %parallel_loop3A_257, %parallel_loop3A_280 : i32
        %parallel_loop3A_282 = arith.index_cast %parallel_loop3A_281 : i32 to index
        %parallel_loop3A_283 = tpu.vector_load %arg22[%parallel_loop3A_282] {strides = array<i32>} : memref<1040xf32, #tpu.memory_space<vmem>>, vector<16xf32>,
        %parallel_loop3A_284 = arith.subf %parallel_loop3A_277, %parallel_loop3A_276 : vector<16xf32>
        %parallel_loop3A_285 = arith.constant 9.99999996E-13 : f32
        %parallel_loop3A_286 = vector.broadcast %parallel_loop3A_285 : f32 to vector<16xf32>
        %parallel_loop3A_287 = arith.cmpf ogt, %parallel_loop3A_284, %parallel_loop3A_286 : vector<16xf32>
        %parallel_loop3A_288 = arith.constant 1.000000e+00 : f32
        %parallel_loop3A_289 = vector.broadcast %parallel_loop3A_288 : f32 to vector<16xf32>
        %parallel_loop3A_290 = arith.select %parallel_loop3A_287, %parallel_loop3A_284, %parallel_loop3A_289 : vector<16xi1>, vector<16xf32>
        %parallel_loop3A_291 = arith.subf %parallel_loop3A_283, %parallel_loop3A_276 : vector<16xf32>
        %parallel_loop3A_292 = arith.divf %parallel_loop3A_291, %parallel_loop3A_290 : vector<16xf32>
        %parallel_loop3A_293 = arith.constant 0.000000e+00 : f32
        %parallel_loop3A_294 = vector.broadcast %parallel_loop3A_293 : f32 to vector<16xf32>
        %parallel_loop3A_295 = arith.select %parallel_loop3A_287, %parallel_loop3A_292, %parallel_loop3A_294 : vector<16xi1>, vector<16xf32>
        %parallel_loop3A_296 = arith.constant 0.000000e+00 : f32
        %parallel_loop3A_297 = arith.constant 1.000000e+00 : f32
        %parallel_loop3A_298 = vector.broadcast %parallel_loop3A_296 : f32 to vector<16xf32>
        %parallel_loop3A_299 = arith.maximumf %parallel_loop3A_298, %parallel_loop3A_295 : vector<16xf32>
        %parallel_loop3A_300 = vector.broadcast %parallel_loop3A_297 : f32 to vector<16xf32>
        %parallel_loop3A_301 = arith.minimumf %parallel_loop3A_300, %parallel_loop3A_299 : vector<16xf32>
        %parallel_loop3A_302 = arith.subf %parallel_loop3A_279, %parallel_loop3A_278 : vector<16xf32>
        %parallel_loop3A_303 = arith.mulf %parallel_loop3A_301, %parallel_loop3A_302 : vector<16xf32>
        %parallel_loop3A_304 = arith.addf %parallel_loop3A_278, %parallel_loop3A_303 : vector<16xf32>
        %parallel_loop3A_305 = arith.constant 1 : i32
        %parallel_loop3A_306 = arith.addi %parallel_loop3A_257, %parallel_loop3A_305 : i32
        %parallel_loop3A_307 = vector.broadcast %parallel_loop3A_306 : i32 to vector<16xi32>
        %parallel_loop3A_308 = arith.addi %parallel_loop3A_261, %parallel_loop3A_307 : vector<16xi32>
        %parallel_loop3A_309 = arith.mulf %parallel_loop3A_304, %sub3A_248 : vector<16xf32>
        %parallel_loop3A_310 = arith.addf %gather3A_246, %parallel_loop3A_309 : vector<16xf32>
        tpu.vector_store_idx %arg24[%add3A_190, %parallel_loop3A_308], %parallel_loop3A_310 : memref<16x130xf32, #tpu.memory_space<vmem>>[vector<16xi32>, vector<16xi32>], vector<16xf32>,
        %parallel_loop3A_311 = arith.constant 16 : i32
        %parallel_loop3A_312 = arith.muli %parallel_loop3A_257, %parallel_loop3A_311 : i32
        %parallel_loop3A_313 = arith.index_cast %parallel_loop3A_312 : i32 to index
        %parallel_loop3A_314 = tpu.vector_load %arg20[%parallel_loop3A_313] {strides = array<i32>} : memref<1040xi32, #tpu.memory_space<vmem>>, vector<16xi32>,
        %parallel_loop3A_315 = arith.constant 16 : i32
        %parallel_loop3A_316 = arith.muli %parallel_loop3A_257, %parallel_loop3A_315 : i32
        %parallel_loop3A_317 = arith.index_cast %parallel_loop3A_316 : i32 to index
        %parallel_loop3A_318 = tpu.vector_load %arg17[%parallel_loop3A_317] {strides = array<i32>} : memref<1040xf32, #tpu.memory_space<vmem>>, vector<16xf32>,
        %parallel_loop3A_319 = vector.broadcast %parallel_loop3A_257 : i32 to vector<16xi32>
        %parallel_loop3A_320 = arith.addi %parallel_loop3A_314, %parallel_loop3A_319 : vector<16xi32>
        %parallel_loop3A_321 = arith.mulf %parallel_loop3A_318, %sub3A_248 : vector<16xf32>
        %parallel_loop3A_322 = arith.addf %gather3A_246, %parallel_loop3A_321 : vector<16xf32>
        tpu.vector_store_idx %arg24[%add3A_190, %parallel_loop3A_320], %parallel_loop3A_322 : memref<16x130xf32, #tpu.memory_space<vmem>>[vector<16xi32>, vector<16xi32>], vector<16xf32>,
      } {sc.loop_unroll_factor = 5 : i64, sc.parallel_access}
      %dma_start3A_252 = arith.constant 0 : i32
      %dma_start3A_253 = tpu.memref_slice %arg7[%add3A_151, %dma_start3A_252] : memref<32768x130xf32, #tpu.memory_space<hbm>> -> memref<16x130xf32, #tpu.memory_space<hbm>>
      %dma_start3A_254 = arith.constant 0 : i32
      %dma_start3A_255 = tpu.memref_slice %arg7[%add3A_151, %dma_start3A_254] : memref<32768x130xf32, #tpu.memory_space<hbm>> -> memref<16x130xf32, #tpu.memory_space<hbm>>
      tpu.enqueue_dma source(%arg24 : memref<16x130xf32, #tpu.memory_space<vmem>>) target(%dma_start3A_255 : memref<16x130xf32, #tpu.memory_space<hbm>>) target_semaphore(%arg32 : memref<!tpu.dma_semaphore, #tpu.memory_space<semaphore_mem>>)
      %scan3A_256 = arith.constant 0 : i32
      scf.yield %scan3A_256 : i32
    }
    %scan3A_28 = arith.constant 32 : i32
    %dma_wait3A = arith.constant 0 : i32
    %dma_wait3A_29 = arith.constant 0 : i32
    %dma_wait3A_30 = tpu.memref_slice %arg7[%dma_wait3A, %dma_wait3A_29] : memref<32768x130xf32, #tpu.memory_space<hbm>> -> memref<16x130xf32, #tpu.memory_space<hbm>>
    %dma_wait3A_31 = arith.constant 0 : i32
    %dma_wait3A_32 = arith.constant 0 : i32
    %dma_wait3A_33 = tpu.memref_slice %arg7[%dma_wait3A_31, %dma_wait3A_32] : memref<32768x130xf32, #tpu.memory_space<hbm>> -> memref<16x130xf32, #tpu.memory_space<hbm>>
    tpu.wait_dma2 semaphore(%arg31 : memref<!tpu.dma_semaphore, #tpu.memory_space<semaphore_mem>>) src(%arg23 : memref<16x130xf32, #tpu.memory_space<vmem>>) dst(%dma_wait3A_33 : memref<16x130xf32, #tpu.memory_space<hbm>>)
    %dma_wait3A_34 = arith.constant 0 : i32
    %dma_wait3A_35 = arith.constant 0 : i32
    %dma_wait3A_36 = tpu.memref_slice %arg7[%dma_wait3A_34, %dma_wait3A_35] : memref<32768x130xf32, #tpu.memory_space<hbm>> -> memref<16x130xf32, #tpu.memory_space<hbm>>
    %dma_wait3A_37 = arith.constant 0 : i32
    %dma_wait3A_38 = arith.constant 0 : i32
    %dma_wait3A_39 = tpu.memref_slice %arg7[%dma_wait3A_37, %dma_wait3A_38] : memref<32768x130xf32, #tpu.memory_space<hbm>> -> memref<16x130xf32, #tpu.memory_space<hbm>>
    tpu.wait_dma2 semaphore(%arg32 : memref<!tpu.dma_semaphore, #tpu.memory_space<semaphore_mem>>) src(%arg24 : memref<16x130xf32, #tpu.memory_space<vmem>>) dst(%dma_wait3A_39 : memref<16x130xf32, #tpu.memory_space<hbm>>)
    return
  }
}

</mosaic_0001>

<sc_bundles>
// kernel: kernel.3.cloned.1.call-start
scs
__scs_entry_jumppad:
0x0: {  	(pc) =	sbr.rel $0x88, $3  }
0x1: {  	(tag) =	ssettag $0x0;
	lr =	simm.s32 $0x1  }
0x2: {  	[smem:$0x3F9D] =	sst lr;
	_ =	strace $0xD0000000  }
0x3: {  	_ = 	snop  }
0x4: {  	_ = 	snop  }
0x5: {  	_ = 	snop  }
0x6: {  	_ = 	snop  }
0x7: {  	_ = 	snop  }
__scs_overlays_trampoline_lowered:
0x8: {  	[smem:$0x3FAC] =	sst s0  }
0x9: {  	[smem:$0x3FAD] =	sst s1  }
0xa: {  	[smem:$0x3FAE] =	sst s2  }
0xb: {  	[smem:$0x3FAF] =	sst s3  }
0xc: {  	[smem:$0x3FB0] =	sst s4  }
0xd: {  	[smem:$0x3FB1] =	sst s5  }
0xe: {  	[smem:$0x3FB2] =	sst s6  }
0xf: {  	[smem:$0x3FB3] =	sst s7  }
0x10: {  	[smem:$0x3FB4] =	sst s8  }
0x11: {  	[smem:$0x3FB5] =	sst s9;
	s0 =	simm.s32 @!p0 $0x0  }
0x12: {  	s1 =	sld [smem:$0x3F9B];
	s0 =	simm.s32 @p0 $0x1  }
0x13: {  	[smem:$0x3FB6] =	sst s0;
	s0 =	simm.s32 @!p1 $0x0  }
0x14: {  	s2 =	sld [smem:$0x3F9A];
	s0 =	simm.s32 @p1 $0x1  }
0x15: {  	[smem:$0x3FB7] =	sst s0;
	s0 =	simm.s32 @!p2 $0x0  }
0x16: {  	s3 =	sld [smem:$0x3FDB];
	s0 =	simm.s32 @p2 $0x1  }
0x17: {  	s4 =	simm.s32 $0x1BF5;
	[smem:$0x3FB9] =	sst s0  }
0x18: {  	s0 =	sld [smem:$0x3F9C];
	_ =	swait.ge [sflag:s4], $0x0  }
0x19: {  	s7 =	sld [smem:$0x3F9D]  }
0x1a: {  	s8 =	sadd.s32 $0xFFFFE003, lr  }
0x1b: {  	s9 =	sadd.s32 $0xFFFFFEF7, lr;
	s5 =	simm.s32 $0xFFFFFFFF;
	p2 =	slt.u32 s8, $0xFFFFF086  }
0x1c: {  	p1 =	slt.u32 s9, $0xF7A;
	s5 =	simm.s32 @!p2 $0x0  }
0x1d: {  	s5 =	simm.s32 @p1 $0x1;
	p0 =	seq.s32 s7, s2  }
0x1e: {  	s7 =	smul.u32 @!p0 $0xF7A, s2;
	p2 =	seq.s32 @!p0 s5, $0x0  }
0x1f: {  	s9 =	smul.u32 $0xF7A, s1;
	s8 =	simm.s32 @!p0 $0x1BF5;
	p2 =	por !p2, p0  }
0x20: {  	[sflag:s8] =	ssyncset.s32 @!p0 $0xFFFFF086;
	s6 =	sadd.s32 @!p0 s3, s7;
	s7 =	simm.s32 @!p0 $0x108  }
0x21: {  	s3 =	sadd.s32 s3, s9;
	s6 =	sadd.s32 @!p0 $0x88, s6;
	s7 =	simm.s32 @p2 $0x1082  }
0x22: {  	[simem:s7], [sflag:s8] =	dma.local @!p0 [hbm:s6], $0xF7A  }
0x23: {  	s9 =	sor.u32 $0xD0000000, s2;
	s6 =	simm.s32 $0x108;
	_ =	swait.ge @!p0 [sflag:s8], $0x0  }
0x24: {  	s3 =	sadd.s32 $0x88, s3;
	s6 =	simm.s32 @!p1 $0x1082;
	[sflag:s4] =	ssyncset.s32 $0xFFFFF086  }
0x25: {  	[simem:s6], [sflag:s4] =	dma.local [hbm:s3], $0xF7A  }
0x26: {  	[smem:$0x3F9D] =	sst s1;
	(tag) =	ssettag s2;
	_ =	strace s9  }
0x27: {  	s1 =	sld [smem:$0x3FAD]  }
0x28: {  	s2 =	sld [smem:$0x3FAE]  }
0x29: {  	s4 =	sld [smem:$0x3FB0]  }
0x2a: {  	p0 =	seq.s32 s5, $0x0;
	s5 =	sld [smem:$0x3FB1]  }
0x2b: {  	s6 =	sld [smem:$0x3FB2]  }
0x2c: {  	s7 =	sld [smem:$0x3FB3]  }
0x2d: {  	s3 =	simm.s32 $0x108;
	s8 =	sld [smem:$0x3FB4]  }
0x2e: {  	s3 =	simm.s32 @!p0 $0x1082;
	s9 =	sld [smem:$0x3FB5]  }
0x2f: {  	lr =	sadd.s32 s0, s3;
	s0 =	sld [smem:$0x3FAC]  }
0x30: {  	s3 =	sld [smem:$0x3FAF]  }
0x31: {  	[smem:$0x3FB8] =	sst s10  }
0x32: {  	s10 =	sld [smem:$0x3FB6];
	_ =	sdelay $0x3  }
0x33: {  	p0 =	seq.s32 s10, $0x1;
	s10 =	sld [smem:$0x3FB8];
	_ =	sdelay $0x3  }
0x34: {  	[smem:$0x3FB8] =	sst s10  }
0x35: {  	s10 =	sld [smem:$0x3FB7];
	_ =	sdelay $0x3  }
0x36: {  	p1 =	seq.s32 s10, $0x1;
	s10 =	sld [smem:$0x3FB8];
	_ =	sdelay $0x3  }
0x37: {  	[smem:$0x3FB8] =	sst s10  }
0x38: {  	s10 =	sld [smem:$0x3FB9]  }
0x39: {  	_ = 	snop;
	(pc) =	sbr.ind lr, $3  }
0x3a: {  	_ = 	snop  }
0x3b: {  	_ = 	snop  }
0x3c: {  	p2 =	seq.s32 s10, $0x1;
	s10 =	sld [smem:$0x3FB8]  }
0x3d: {  	_ =	shalt  }
0x3e: {  	_ =	shalt  }
0x3f: {  	_ =	shalt  }
0x40: {  	_ =	shalt  }
0x41: {  	_ =	shalt  }
0x42: {  	_ =	shalt  }
0x43: {  	_ =	shalt  }
0x44: {  	_ =	shalt  }
0x45: {  	_ =	shalt  }
0x46: {  	_ =	shalt  }
0x47: {  	_ =	shalt  }
0x48: {  	_ =	shalt  }
0x49: {  	_ =	shalt  }
0x4a: {  	_ =	shalt  }
0x4b: {  	_ =	shalt  }
0x4c: {  	_ =	shalt  }
0x4d: {  	_ =	shalt  }
0x4e: {  	_ =	shalt  }
0x4f: {  	_ =	shalt  }
0x50: {  	_ =	shalt  }
0x51: {  	_ =	shalt  }
0x52: {  	_ =	shalt  }
0x53: {  	_ =	shalt  }
0x54: {  	_ =	shalt  }
0x55: {  	_ =	shalt  }
0x56: {  	_ =	shalt  }
0x57: {  	_ =	shalt  }
0x58: {  	_ =	shalt  }
0x59: {  	_ =	shalt  }
0x5a: {  	_ =	shalt  }
0x5b: {  	_ =	shalt  }
0x5c: {  	_ =	shalt  }
0x5d: {  	_ =	shalt  }
0x5e: {  	_ =	shalt  }
0x5f: {  	_ =	shalt  }
0x60: {  	_ =	shalt  }
0x61: {  	_ =	shalt  }
0x62: {  	_ =	shalt  }
0x63: {  	_ =	shalt  }
0x64: {  	_ =	shalt  }
0x65: {  	_ =	shalt  }
0x66: {  	_ =	shalt  }
0x67: {  	_ =	shalt  }
0x68: {  	_ =	shalt  }
0x69: {  	_ =	shalt  }
0x6a: {  	_ =	shalt  }
0x6b: {  	_ =	shalt  }
0x6c: {  	_ =	shalt  }
0x6d: {  	_ =	shalt  }
0x6e: {  	_ =	shalt  }
0x6f: {  	_ =	shalt  }
0x70: {  	_ =	shalt  }
0x71: {  	_ =	shalt  }
0x72: {  	_ =	shalt  }
0x73: {  	_ =	shalt  }
0x74: {  	_ =	shalt  }
0x75: {  	_ =	shalt  }
0x76: {  	_ =	shalt  }
0x77: {  	_ =	shalt  }
0x78: {  	_ =	shalt  }
0x79: {  	_ =	shalt  }
0x7a: {  	_ =	shalt  }
0x7b: {  	_ =	shalt  }
0x7c: {  	_ =	shalt  }
0x7d: {  	_ =	shalt  }
0x7e: {  	_ =	shalt  }
0x7f: {  	_ =	shalt  }
0x80: {  	_ =	shalt  }
0x81: {  	_ =	shalt  }
0x82: {  	_ =	shalt  }
0x83: {  	_ =	shalt  }
0x84: {  	_ =	shalt  }
0x85: {  	_ =	shalt  }
0x86: {  	_ =	shalt  }
0x87: {  	_ =	shalt  }
.Lfunc_end0:
.L_simem_size_0:
called_computation_lowered:
.L_overlay_start_0:
0x88: {  	s2 =	sld [smem:$0x3FD9]  }
0x89: {  	s3 =	sld [smem:$0x3FFE];
	_ =	sdelay $0x1  }
0x8a: {  	s1 =	srdreg.scid  }
0x8b: {  	s0 =	sand.u32 $0x1, s1  }
0x8c: {  	s17 =	sshll.u32 s0, $0xA;
	s2 =	sadd.s32 s3, s2  }
0x8d: {  	s2 =	sadd.s32 s2, s17  }
0x8e: {  	[smem:$0x3FC4] =	sst s2  }
0x8f: {  	_ = 	snop  }
0x90: {  	s2 =	sld [smem:$0x3FD0];
	(tm) =	ssettm $0x1  }
0x91: {  	s18 =	sld [smem:$0x3FFB];
	_ =	sdelay $0x3  }
0x92: {  	_ =	strace s18  }
0x93: {  	s3 =	sld [smem:$0x3FFC];
	_ =	sdelay $0x3  }
0x94: {  	_ =	strace s3  }
0x95: {  	s3 =	sld [smem:$0x3FFD];
	_ =	sdelay $0x3  }
0x96: {  	_ =	strace s3  }
0x97: {  	_ =	strace $0x8FFFFFFF  }
0x98: {  	s19 =	sld [smem:$0x3FDB];
	_ =	sdelay $0x1  }
0x99: {  	s4 =	simm.s32 $_scs_section_size  }
0x9a: {  	s5 =	simm.s32 $_size__tile_overlayer_lowered;
	s6 =	simm.s32 $_tile_overlayer_lowered  }
0x9b: {  	s22 =	simm.s32 $0x1BFF;
	s21 =	sshll.u32 s6, $0x1;
	s3 =	sadd.s32 s4, s19  }
0x9c: {  	s7 =	simm.s32 $0x0;
	s20 =	sshll.u32 s5, $0x1;
	s5 =	sadd.s32 s21, s3  }
0x9d: {  	[timem:s7], [sflag:s22] =	dma.local [hbm:s5], s20  }
0x9e: {  	_ =	swait.ge [sflag:s22], s20  }
0x9f: {  	s4 =	ssub.s32 $0x0, s20;
	[sflag:s22] =	ssyncset.done $0x0  }
0xa0: {  	[sflag:s22] =	ssyncadd.s32 s4;
	_ =	sdelay $0x1  }
0xa1: {  	s23 =	simm.s32 $0x1B8B  }
0xa2: {  	_ =	swait.ge [sflag:s23], $0x1  }
0xa3: {  	[sflag:s23] =	ssyncset.done $0x0  }
0xa4: {  	s25 =	simm.s32 $0x1B8E;
	s24 =	sld [smem:$0x3FFE];
	[sflag:s23] =	ssyncadd.s32 $0xFFFFFFFF  }
0xa5: {  	s26 =	simm.s32 $execute0_lowered;
	[smem:$0x3FD2] =	sst s25  }
0xa6: {  	s5 =	sshll.u32 s26, $0x1;
	_ =	strace $0x80000046;
	[dreg:$0x1] =	wrdreg $0xFFFFFFFF  }
0xa7: {  	s28 =	simm.s32 $_size_execute0_lowered;
	s3 =	sadd.s32 s3, s5;
	[dreg:$0x0] =	wrdreg $0x0  }
0xa8: {  	s5 =	sshll.u32 s28, $0x1;
	[dreg:$0x2] =	wrdreg s3  }
0xa9: {  	[dreg:$0x3] =	wrdreg s5  }
0xaa: {  	[dreg:$0x4] =	wrdreg $0xC0  }
0xab: {  	_ =	task [dreg:s7], $0x5FFFF  }
0xac: {  	[dreg:$0x1] =	wrdreg $0xFFFFFFFF  }
0xad: {  	[dreg:$0x0] =	wrdreg $0x60  }
0xae: {  	[dreg:$0x2] =	wrdreg s2  }
0xaf: {  	[dreg:$0x3] =	wrdreg s24  }
0xb0: {  	[dreg:$0x4] =	wrdreg $0x9  }
0xb1: {  	_ =	task.clear_ibuf [dreg:s7], $0x5FFFF;
	_ =	strace $0x90000046  }
0xb2: {  	s29 =	simm.s32 $0x9;
	_ =	strace $0x80000048  }
0xb3: {  	_ =	swait.ge [sflag:s29], $0x1  }
0xb4: {  	[sflag:s29] =	ssyncadd.s32 $0xFFFFFFFF  }
0xb5: {  	_ =	strace $0x90000048  }
0xb6: {  	_ =	sfence  }
0xb7: {  	s30 =	sld [smem:$0x0];
	_ =	sdelay $0x2  }
0xb8: {  	s31 =	sshll.u32 s1, $0xD;
	s1 =	sshrl.u32 s1, $0x2  }
0xb9: {  	s3 =	sand.u32 $0x4000, s31;
	s1 =	sadd.s32 s1, s30  }
0xba: {  	s0 =	sor.u32 s3, s0;
	s1 =	sshll.u32 s1, $0x11  }
0xbb: {  	s0 =	sor.u32 s1, s0  }
0xbc: {  	s0 =	sadd.s32 $0x8F2B, s0  }
0xbd: {  	[sflag:s0] =	ssyncadd.remote.s32 $0x1  }
0xbe: {  	_ =	sfence.sel $0xFFFF  }
0xbf: {  	[dreg:$0x0] =	wrdreg $0xFFFFFFFF;
	(pc) =	sbr.abs _section_cstart, $3  }
0xc0: {  	[dreg:$0x1] =	wrdreg $0xFFFFFFFF  }
0xc1: {  	_ =	task.clear_ibuf [dreg:s7], $0x2FFFF;
	_ =	strace $0x9FFFFFFF  }
0xc2: {  	(tm) =	ssettm $0x7FFFFFFF  }
0xc3: {  	_ =	shalt  }
tec
execute0_lowered:
.L_overlay_start_1:
0x0: {  	(tag) =	ssettag $0x1  }
0x1: {  	s28 =	rddreg [dreg:$0x0]  }
0x2: {  	s0 =	rddreg [dreg:$0x1];
	s2 =	simm.s32 $0x0;
	v0 =	vimm.s32 $0xB80;
	vm0 =	vcmask $0x300  }
0x3: {  	s1 =	srdreg.scid;
	s3 =	stileid.u32;
	vm14 =	vcmask $0x704;
	s16 =	simm.s32 $0x3000;
	v0 =	vsel vm0, $0x0, v0  }
0x4: {  	vm15 =	vcmask $0xB08;
	s29 =	simm.s32 $0x4D00;
	s30 =	simm.s32 $0x4880;
	s31 =	simm.s32 $0x4400;
	v0 =	vsel vm14, $0x80, v0  }
0x5: {  	vm4 =	vcmask $0xF0C;
	s9 =	simm.s32 $0x6F00;
	[smem:$0x7FF] =	sst s2;
	s4 =	sadd.s32 $0x1600, s0;
	v0 =	vsel vm15, $0x100, v0  }
0x6: {  	vm5 =	vcmask $0x1310;
	s1 =	sand.u32 $0x1, s1;
	s5 =	sadd.s32 $0x81600, s0;
	s6 =	sadd.s32 $0x101600, s0;
	v0 =	vsel vm4, $0x180, v0  }
0x7: {  	vm6 =	vcmask $0x1714;
	s3 =	sshll.u32 s3, $0xB;
	s18 =	sadd.s32 $0x1400, s0;
	_ =	strace $0x80000047;
	v0 =	vsel vm5, $0x200, v0  }
0x8: {  	vm7 =	vcmask $0x1B18;
	s7 =	sshll.u32 s1, $0xA;
	s1 =	ssub.s32 $0x2, s1;
	[dreg:$0x4] =	wrdreg s18;
	v0 =	vsel vm6, $0x280, v0  }
0x9: {  	vm8 =	vcmask $0x1F1C;
	s18 =	simm.s32 $0x1000;
	s8 =	sor.u32 s7, s3;
	s20 =	sshrl.u32 s1, $0x1;
	v0 =	vsel vm7, $0x300, v0  }
0xa: {  	vm9 =	vcmask $0x2320;
	s21 =	sshll.u32 s8, $0x4;
	[dreg:$0x3] =	wrdreg s8;
	s25 =	sor.u32 $0x20, s8;
	v0 =	vsel vm8, $0x380, v0  }
0xb: {  	vm10 =	vcmask $0x2724;
	s7 =	simm.s32 $0x0;
	s22 =	sadd.s32 s28, s21;
	[dreg:$0x9] =	wrdreg s25;
	v0 =	vsel vm9, $0x800, v0  }
0xc: {  	vm11 =	vcmask $0x2B28;
	s19 =	sshll.u32 s8, $0x5;
	s23 =	sadd.s32 s4, s21;
	[dreg:$0x5] =	wrdreg s22;
	v1 =	vsel vm10, $0x880, v0  }
0xd: {  	vm12 =	vcmask $0x2F2C;
	vm13 =	vcmask $0x3330;
	s1 =	ssub.s32 s1, s20;
	s24 =	sadd.s32 s5, s21;
	[dreg:$0x6] =	wrdreg s23;
	v2 =	vsel vm11, $0x900, v1  }
0xe: {  	v5 =	vimm.s32 $0x3F;
	s8 =	simm.s32 $0x6;
	s3 =	sadd.s32 s6, s21;
	[dreg:$0x7] =	wrdreg s24;
	v0 =	vlaneseq.u32;
	v3 =	vsel vm12, $0x980, v2  }
0xf: {  	vm14 =	vcmask $0x3734;
	s0 =	sadd.s32 s19, s0;
	s26 =	smax.u32 s1, $0x1;
	[dreg:$0x8] =	wrdreg s3;
	v1 =	vmul.u32 $0x80, v0;
	v4 =	vsel vm13, $0xA00, v3  }
0x10: {  	vm15 =	vcmask $0x3B38;
	s25 =	simm.s32 $0x1800;
	s13 =	sadd.s32 $0x181600, s0;
	[dreg:$0xa] =	wrdreg s26;
	v2 =	vimm.s32 $0x0;
	v6 =	vsel vm14, $0xA80, v4  }
0x11: {  	s23 =	simm.s32 $0x5;
	s24 =	simm.s32 $0x800;
	s0 =	simm.s32 $0x5F00;
	v3 =	vor.u32 $0x40, v1;
	v4 =	vimm.s32 $0x40;
	v6 =	vsel vm15, $0xB00, v6  }
.LBB2_1:
0x12: {  	[dreg:$0xb] =	wrdreg s7  }
0x13: {  	s1 =	rddreg [dreg:$0x4];
	s3 =	simm.s32 $0x5A80;
	s15 =	simm.s32 $0x9  }
0x14: {  	[tilespmem:s3], [sflag:$0x9] =	stream.linear.gather [hbm4b:s1+s2], $0x480, $0x38;
	[tilespmem:$0x7F00] =	vst v63  }
0x15: {  	_ =	swait.ge [sflag:s15], $0x480  }
0x16: {  	[sflag:s15] =	ssyncset.done $0x0  }
0x17: {  	s17 =	rddreg [dreg:$0x5];
	[sflag:s15] =	ssyncadd.s32 $0xFFFFFB80  }
0x18: {  	[tilespmem:s2], [sflag:$0x1] =	stream.linear.gather [hbm4b:s17+s2], $0x800, $0x38;
	[tilespmem:$0x7F00] =	vst v63  }
0x19: {  	s19 =	rddreg [dreg:$0x6]  }
0x1a: {  	[tilespmem:s18], [sflag:$0x3] =	stream.linear.gather [hbm4b:s19+s2], $0x800, $0x38;
	[tilespmem:$0x7F00] =	vst v63  }
0x1b: {  	s21 =	simm.s32 $0x2000;
	s20 =	rddreg [dreg:$0x7]  }
0x1c: {  	[tilespmem:s21], [sflag:$0x5] =	stream.linear.gather [hbm4b:s20+s2], $0x800, $0x38;
	[tilespmem:$0x7F00] =	vst v63  }
0x1d: {  	s26 =	simm.s32 $0x2800;
	s22 =	rddreg [dreg:$0x8];
	s15 =	simm.s32 $0x0  }
0x1e: {  	[tilespmem:s26], [sflag:$0x5] =	stream.linear.gather [hbm4b:s22+s2], $0x800, $0x38;
	[tilespmem:$0x7F00] =	vst v63  }
.LBB2_2:
0x1f: {  	s1 =	simm.s32 $0x1  }
0x20: {  	_ =	swait.ge [sflag:s1], $0x800  }
0x21: {  	[sflag:s1] =	ssyncset.done $0x0  }
0x22: {  	s3 =	simm.s32 $0x3;
	[sflag:s1] =	ssyncadd.s32 $0xFFFFF800  }
0x23: {  	_ =	swait.ge [sflag:s3], $0x800  }
0x24: {  	[sflag:s3] =	ssyncset.done $0x0  }
0x25: {  	[sflag:s3] =	ssyncadd.s32 $0xFFFFF800  }
0x26: {  	_ =	swait.ge [sflag:s23], $0x800  }
0x27: {  	s17 =	sshll.u32 s15, $0x5;
	[sflag:s23] =	ssyncset.done $0x0;
	s7 =	rddreg [dreg:$0x3]  }
0x28: {  	[sflag:s23] =	ssyncadd.s32 $0xFFFFF800;
	s1 =	sor.u32 s17, s7  }
0x29: {  	_ =	swait.ge [sflag:s23], $0x800;
	s1 =	sshll.u32 s1, $0x4  }
0x2a: {  	[sflag:s23] =	ssyncset.done $0x0;
	s1 =	sor.u32 $0x100, s1  }
0x2b: {  	[sflag:s23] =	ssyncadd.s32 $0xFFFFF800;
	s3 =	sadd.s32 s28, s1  }
0x2c: {  	[tilespmem:s24], [sflag:$0x2] =	stream.linear.gather [hbm4b:s3+s2], $0x800, $0x38;
	[tilespmem:$0x7F00] =	vst v63  }
0x2d: {  	s7 =	simm.s32 $0x0;
	s10 =	sadd.s32 s4, s1  }
0x2e: {  	v7 =	vmov s7;
	[tilespmem:s25], [sflag:$0x4] =	stream.linear.gather [hbm4b:s10+s2], $0x800, $0x38;
	[tilespmem:$0x7F00] =	vst v63  }
0x2f: {  	s14 =	simm.s32 $0x1;
	v7 =	vand.u32 $0x7C, v7;
	s11 =	sadd.s32 s5, s1  }
0x30: {  	v8 =	vmov s14;
	v7 =	vbroadcast v7, $0x0;
	[tilespmem:s16], [sflag:$0x6] =	stream.linear.gather [hbm4b:s11+s2], $0x800, $0x38;
	[tilespmem:$0x7F00] =	vst v63  }
0x31: {  	s12 =	simm.s32 $0x3800;
	p0 =	seq.s32 s15, $0x0;
	v8 =	vand.u32 $0x7D, v8;
	s16 =	simm.s32 $0x2  }
0x32: {  	s19 =	simm.s32 $0x3;
	v8 =	vbroadcast v8, $0x0;
	s1 =	sadd.s32 s6, s1;
	s3 =	simm.s32 @!p0 $0x7;
	v7 =	vor.u32 v1, v7;
	v9 =	vmov s16  }
0x33: {  	[tilespmem:s12], [sflag:$0x6] =	stream.linear.gather [hbm4b:s1+s2], $0x800, $0x38;
	v9 =	vand.u32 $0x7E, v9;
	[tilespmem:$0x7F00] =	vst v63  }
0x34: {  	s20 =	simm.s32 $0x4;
	v10 =	vmov s19;
	v8 =	vor.u32 v1, v8;
	_ =	swait.ge @!p0 [sflag:s3], $0x1000;
	v9 =	vbroadcast v9, $0x0  }
0x35: {  	v11 =	vmov s20;
	v10 =	vand.u32 $0x7F, v10;
	[sflag:s3] =	ssyncset.done @!p0 $0x0  }
0x36: {  	s21 =	simm.s32 $0x5;
	v11 =	vand.u32 $0x7C, v11;
	v10 =	vbroadcast v10, $0x0;
	[sflag:s3] =	ssyncadd.s32 @!p0 $0xFFFFF000;
	v9 =	vor.u32 v1, v9  }
0x37: {  	v12 =	vmov s21;
	v11 =	vbroadcast v11, $0x0;
	v7 =	vld.idx.msk [tilespmem:v7+s2+$0x0], $0xffff  }
0x38: {  	s22 =	simm.s32 $0x6;
	v15 =	vor.u32 v1, v10;
	v10 =	vand.u32 $0x7D, v12  }
0x39: {  	v12 =	vmov s22;
	v13 =	vor.u32 v1, v11;
	v16 =	vbroadcast v10, $0x0;
	v10 =	vld.idx.msk [tilespmem:v8+s2+$0x0], $0xffff  }
0x3a: {  	s26 =	simm.s32 $0x7;
	v12 =	vand.u32 $0x7E, v12  }
0x3b: {  	v17 =	vmov s26;
	v12 =	vbroadcast v12, $0x0;
	v11 =	vor.u32 v1, v16;
	v8 =	vld.idx.msk [tilespmem:v9+s2+$0x0], $0xffff  }
0x3c: {  	v14 =	vimm.f32 $0.0e+00;
	v17 =	vand.u32 $0x7F, v17;
	s7 =	simm.s32 $0x8;
	v7 =	vadd.f32 $9.999999770e-03, v7  }
0x3d: {  	v12 =	vor.u32 v1, v12;
	v16 =	vmov s7;
	s10 =	sshll.u32 s15, $0x1;
	s1 =	simm.s32 $0x4020;
	s3 =	simm.s32 $0xC;
	v9 =	vld.idx.msk [tilespmem:v15+s2+$0x0], $0xffff;
	v15 =	vbroadcast v17, $0x0  }
.LBB2_3:
0x3e: {  	p1 =	slt.u32 s3, $0x3C;
	v16 =	vand.u32 $0x7C, v16;
	s11 =	sadd.s32 $0x1, s7;
	v17 =	vld.idx.msk [tilespmem:v13+s2+$0x0], $0xffff;
	[tilespmem:s1+$0xFFFFFFE0] =	vst v7;
	v7 =	vadd.f32 v7, v14;
	v13 =	vadd.f32 $9.999999770e-03, v10  }
0x3f: {  	v14 =	vbroadcast v16, $0x0;
	v10 =	vmov s11;
	v15 =	vor.u32 v1, v15  }
0x40: {  	s11 =	sadd.s32 $0x2, s7;
	v16 =	vand.u32 $0x7D, v10;
	v10 =	vld.idx.msk [tilespmem:v11+s2+$0x0], $0xffff;
	[tilespmem:s1+$0xFFFFFFF0] =	vst v13;
	v7 =	vadd.f32 v13, v7;
	v11 =	vadd.f32 $9.999999770e-03, v8  }
.Ltmp0:
0x41: {  	v8 =	vmov s11;
	v13 =	vor.u32 v1, v14;
	v14 =	vbroadcast v16, $0x0;
	(pc) =	sbr.rel @p1 .LBB2_3-.Ltmp0, $4  }
0x42: {  	s11 =	sadd.s32 $0x3, s7;
	s7 =	smov.u32 s3;
	v16 =	vand.u32 $0x7E, v8;
	v18 =	vadd.f32 $9.999999770e-03, v9;
	v8 =	vld.idx.msk [tilespmem:v12+s2+$0x0], $0xffff;
	[tilespmem:s1+$0x0] =	vst v11;
	v12 =	vadd.f32 v11, v7  }
0x43: {  	v19 =	vbroadcast v16, $0x0;
	v7 =	vmov s11;
	v11 =	vor.u32 v1, v14  }
0x44: {  	v20 =	vand.u32 $0x7F, v7;
	v7 =	vadd.f32 $9.999999770e-03, v17;
	v9 =	vld.idx.msk [tilespmem:v15+s2+$0x0], $0xffff;
	[tilespmem:s1+$0x10] =	vst v18;
	v14 =	vadd.f32 v18, v12  }
0x45: {  	s3 =	sadd.s32 $0x4, s3;
	v16 =	vmov s7;
	v12 =	vor.u32 v1, v19;
	v15 =	vbroadcast v20, $0x0;
	s1 =	sadd.s32 $0x40, s1  }
0x46: {  	_ =	sdelay $0x1  }
0x47: {  	v16 =	vand.u32 $0x7C, v16  }
0x48: {  	s3 =	sadd.s32 $0x1, s7;
	v14 =	vadd.f32 v7, v14;
	v10 =	vadd.f32 $9.999999770e-03, v10;
	v16 =	vbroadcast v16, $0x0  }
0x49: {  	v13 =	vld.idx.msk [tilespmem:v13+s2+$0x0], $0xffff;
	s21 =	sadd.s32 $0x2, s7;
	s22 =	sadd.s32 $0x3, s7;
	v17 =	vmov s3;
	v15 =	vor.u32 v1, v15;
	v8 =	vadd.f32 $9.999999770e-03, v8  }
0x4a: {  	v18 =	vmov s21;
	v19 =	vmov s22;
	v14 =	vadd.f32 v10, v14  }
0x4b: {  	v11 =	vld.idx.msk [tilespmem:v11+s2+$0x0], $0xffff;
	v17 =	vand.u32 $0x7D, v17;
	v18 =	vand.u32 $0x7E, v18;
	v16 =	vor.u32 v1, v16  }
0x4c: {  	v17 =	vbroadcast v17, $0x0;
	v9 =	vadd.f32 $9.999999770e-03, v9;
	v14 =	vadd.f32 v8, v14  }
0x4d: {  	v12 =	vld.idx.msk [tilespmem:v12+s2+$0x0], $0xffff;
	v19 =	vand.u32 $0x7F, v19;
	v18 =	vbroadcast v18, $0x0  }
0x4e: {  	v17 =	vor.u32 v1, v17;
	v13 =	vadd.f32 $9.999999770e-03, v13;
	v14 =	vadd.f32 v9, v14  }
0x4f: {  	v19 =	vbroadcast v19, $0x0;
	v15 =	vld.idx.msk [tilespmem:v15+s2+$0x0], $0xffff  }
0x50: {  	v18 =	vor.u32 v1, v18;
	v11 =	vadd.f32 $9.999999770e-03, v11;
	v14 =	vadd.f32 v13, v14  }
0x51: {  	v16 =	vld.idx.msk [tilespmem:v16+s2+$0x0], $0xffff  }
0x52: {  	v19 =	vor.u32 v1, v19;
	v12 =	vadd.f32 $9.999999770e-03, v12;
	v14 =	vadd.f32 v11, v14  }
0x53: {  	v17 =	vld.idx.msk [tilespmem:v17+s2+$0x0], $0xffff  }
0x54: {  	v15 =	vadd.f32 $9.999999770e-03, v15;
	v14 =	vadd.f32 v12, v14  }
0x55: {  	v18 =	vld.idx.msk [tilespmem:v18+s2+$0x0], $0xffff  }
0x56: {  	[tilespmem:s1+$0xFFFFFFE0] =	vst v7;
	v7 =	vadd.f32 $9.999999770e-03, v16;
	v14 =	vadd.f32 v15, v14  }
0x57: {  	[tilespmem:s1+$0xFFFFFFF0] =	vst v10;
	v10 =	vld.idx.msk [tilespmem:v19+s2+$0x0], $0xffff  }
0x58: {  	[tilespmem:s1+$0x0] =	vst v8;
	v8 =	vadd.f32 v7, v14;
	v14 =	vadd.f32 $9.999999770e-03, v17;
	_ =	sdelay $0x1  }
0x59: {  	s26 =	sadd.s32 $0x40, s1;
	[tilespmem:s1+$0x10] =	vst v9;
	v9 =	vadd.f32 $9.999999770e-03, v18;
	v8 =	vadd.f32 v14, v8  }
0x5a: {  	[tilespmem:s26+$0xFFFFFFE0] =	vst v13  }
0x5b: {  	[tilespmem:s26+$0xFFFFFFF0] =	vst v11;
	v10 =	vadd.f32 $9.999999770e-03, v10;
	v8 =	vadd.f32 v9, v8  }
0x5c: {  	s1 =	sadd.s32 $0x40, s26;
	[tilespmem:s26+$0x0] =	vst v12  }
0x5d: {  	[tilespmem:s1+$0xFFFFFFE0] =	vst v7;
	v7 =	vadd.f32 v10, v8  }
0x5e: {  	[tilespmem:s26+$0x10] =	vst v15  }
0x5f: {  	[tilespmem:s1+$0x0] =	vst v9;
	v8 =	vsub.f32 $9.999999740e-06, v7  }
0x60: {  	[tilespmem:s1+$0x10] =	vst v10  }
0x61: {  	[tilespmem:s1+$0xFFFFFFF0] =	vst v14;
	v8 =	vmax.f32 v8, $0.0e+00  }
0x62: {  	[tilespmem:$0x5100] =	vst v2;
	v9 =	vimm.f32 $0.0e+00;
	v7 =	vadd.f32 v8, v7  }
0x63: {  	s16 =	smov.u32 s28;
	s28 =	simm.s32 $0x4020;
	[tilespmem:$0x4880] =	vst v9  }
0x64: {  	v10 =	vld [tilespmem:s28+$0xFFFFFFE0];
	(erf) = vrcp.f32 v7;
	_ =	sdelay $0x4  }
0x65: {  	v11 =	vld [tilespmem:s28+$0xFFFFFFF0];
	v7 =	vmul.f32 $1.562500000e-02, v8;
	v8 =	vadd.f32 v10, v9;
	_ =	sdelay $0x2  }
0x66: {  	v9 =	vadd.f32 v8, v7  }
0x67: {  	v10 =	vld [tilespmem:s28+$0x0];
	v8 =	vpop (erf)  }
0x68: {  	v11 =	vadd.f32 v11, v9;
	v9 =	vmul.f32 v9, v8;
	_ =	sdelay $0x1  }
0x69: {  	s7 =	simm.s32 $0x48A0;
	v11 =	vadd.f32 v11, v7;
	v9 =	vmin.f32 v9, $1.000000000e+00  }
0x6a: {  	[tilespmem:s7+$0xFFFFFFF0] =	vst v9;
	v9 =	vld [tilespmem:s28+$0x10]  }
0x6b: {  	v12 =	vmul.f32 v11, v8;
	v11 =	vadd.f32 v10, v11  }
0x6c: {  	s11 =	simm.s32 $0x4D20;
	v10 =	vimm.s32 $0x0  }
0x6d: {  	s12 =	simm.s32 $0x0;
	s14 =	simm.s32 $0x4060;
	s3 =	simm.s32 $0x48A0;
	v12 =	vmin.f32 v12, $1.000000000e+00;
	v11 =	vadd.f32 v11, v7;
	[tilespmem:s11+$0xFFFFFFE0] =	vst v10  }
.LBB2_5:
0x6e: {  	v13 =	vld [tilespmem:s14+$0xFFFFFFE0];
	s12 =	sadd.s32 $0x4, s12;
	[tilespmem:s3+$0x0] =	vst v12  }
0x6f: {  	p1 =	slt.u32 s12, $0x3C;
	[tilespmem:s11+$0xFFFFFFF0] =	vst v10;
	v12 =	vmul.f32 v11, v8;
	v9 =	vadd.f32 v9, v11;
	_ =	sdelay $0x1  }
0x70: {  	v11 =	vmin.f32 v12, $1.000000000e+00;
	v9 =	vadd.f32 v9, v7  }
0x71: {  	v12 =	vld [tilespmem:s14+$0xFFFFFFF0];
	[tilespmem:s3+$0x10] =	vst v11  }
0x72: {  	v11 =	vadd.f32 v13, v9;
	[tilespmem:s11+$0x0] =	vst v10;
	v9 =	vmul.f32 v9, v8;
	_ =	sdelay $0x1  }
0x73: {  	v11 =	vadd.f32 v11, v7;
	v9 =	vmin.f32 v9, $1.000000000e+00  }
0x74: {  	s1 =	simm.s32 $0x51A0;
	s19 =	simm.s32 $0x4420;
	v13 =	vld [tilespmem:s14+$0x0];
	[tilespmem:s3+$0x20] =	vst v9  }
0x75: {  	v9 =	vmul.f32 v11, v8;
	v11 =	vadd.f32 v12, v11;
	[tilespmem:s11+$0x10] =	vst v10;
	_ =	sdelay $0x1  }
.Ltmp1:
0x76: {  	s3 =	sadd.s32 $0x40, s3;
	v9 =	vmin.f32 v9, $1.000000000e+00;
	v11 =	vadd.f32 v11, v7;
	(pc) =	sbr.rel @p1 .LBB2_5-.Ltmp1, $3  }
0x77: {  	s11 =	sadd.s32 $0x40, s11;
	[tilespmem:s3+$0xFFFFFFF0] =	vst v9;
	v9 =	vld [tilespmem:s14+$0x10]  }
0x78: {  	[tilespmem:s11+$0xFFFFFFE0] =	vst v10;
	v12 =	vmul.f32 v11, v8;
	v11 =	vadd.f32 v13, v11;
	_ =	sdelay $0x1  }
0x79: {  	s14 =	sadd.s32 $0x40, s14;
	v12 =	vmin.f32 v12, $1.000000000e+00;
	v11 =	vadd.f32 v11, v7  }
0x7a: {  	_ = 	snop  }
0x7b: {  	v9 =	vadd.f32 v9, v11;
	_ =	sdelay $0x1  }
0x7c: {  	v11 =	vmul.f32 v11, v8;
	v7 =	vadd.f32 v9, v7  }
0x7d: {  	[tilespmem:s3+$0x0] =	vst v12;
	s21 =	simm.s32 $0x2  }
0x7e: {  	s14 =	simm.s32 $0x0;
	[tilespmem:s11+$0xFFFFFFF0] =	vst v10;
	v9 =	vmin.f32 v11, $1.000000000e+00;
	v7 =	vmul.f32 v7, v8;
	v8 =	vor.u32 s21, v1  }
0x7f: {  	s12 =	simm.s32 $0x3;
	v11 =	vor.u32 s14, v1;
	[tilespmem:s3+$0x10] =	vst v9  }
0x80: {  	v9 =	vor.u32 s12, v1;
	[tilespmem:s11+$0x0] =	vst v10;
	v7 =	vmin.f32 v7, $1.000000000e+00  }
0x81: {  	s20 =	simm.s32 $0x1;
	[tilespmem:s3+$0x20] =	vst v7  }
0x82: {  	v7 =	vor.u32 s20, v1;
	[tilespmem:s11+$0x10] =	vst v10  }
0x83: {  	v8 =	vld.idx.msk [tilespmem:v8+s18+$0x0], $0xffff  }
0x84: {  	v11 =	vld.idx.msk [tilespmem:v11+s18+$0x0], $0xffff  }
0x85: {  	v9 =	vld.idx.msk [tilespmem:v9+s18+$0x0], $0xffff;
	_ =	sdelay $0x1  }
0x86: {  	v7 =	vld.idx.msk [tilespmem:v7+s18+$0x0], $0xffff  }
0x87: {  	[tilespmem:s19+$0x0] =	vst v8  }
0x88: {  	[tilespmem:s19+$0xFFFFFFE0] =	vst v11;
	v8 =	vld [tilespmem:s7+$0x0]  }
0x89: {  	[tilespmem:s19+$0x10] =	vst v9;
	v12 =	vld [tilespmem:s7+$0xFFFFFFE0]  }
0x8a: {  	v9 =	vld [tilespmem:s7+$0x10]  }
0x8b: {  	[tilespmem:s19+$0xFFFFFFF0] =	vst v7  }
0x8c: {  	s26 =	simm.s32 $0x6;
	v11 =	vld [tilespmem:s7+$0xFFFFFFF0]  }
0x8d: {  	vm0 =	vlt.s32 v10, $0x40;
	v13 =	vmov s21;
	v17 =	vmov s26  }
0x8e: {  	v18 =	vor.u32 s26, v1;
	s19 =	simm.s32 $0x7;
	v14 =	vadd.f32 $-7.692307700e-03, v8;
	v12 =	vadd.f32 $-7.692307700e-03, v12  }
0x8f: {  	v7 =	vnsel vm0, $0x40, v10;
	s7 =	simm.s32 $0x5;
	v16 =	vor.u32 s19, v1;
	v9 =	vadd.f32 $-7.692307700e-03, v9  }
0x90: {  	v15 =	vor.u32 s7, v1;
	v14 =	vmul.f32 $6.500000000e+01, v14;
	v12 =	vmul.f32 $6.500000000e+01, v12  }
0x91: {  	s11 =	simm.s32 $0x4;
	v8 =	vadd.s32 $0xFFFFFFFF, v13;
	v9 =	vmul.f32 $6.500000000e+01, v9;
	v11 =	vadd.f32 $-7.692307700e-03, v11  }
0x92: {  	v13 =	vor.u32 s11, v1;
	v19 =	vtrunc.f32 v14;
	v21 =	vtrunc.f32 v12  }
0x93: {  	v11 =	vmul.f32 $6.500000000e+01, v11;
	v20 =	vcvt.f32.s32 v19;
	vm0 =	vgt.f32 v14, v19  }
0x94: {  	v19 =	vtrunc.f32 v9;
	v23 =	vcvt.f32.s32 v21;
	v14 =	vsel vm0, $0x1, v2  }
0x95: {  	v18 =	vld.idx.msk [tilespmem:v18+s18+$0x0], $0xffff;
	vm3 =	vgt.f32 v12, v21;
	vm0 =	vgt.f32 v9, v19;
	v14 =	vadd.s32 v20, v14  }
0x96: {  	v16 =	vld.idx.msk [tilespmem:v16+s18+$0x0], $0xffff;
	v20 =	vcvt.f32.s32 v19;
	v19 =	vtrunc.f32 v11;
	v9 =	vsel vm0, $0x1, v2  }
0x97: {  	vm0 =	vlt.s32 v14, $0x40;
	v22 =	vcvt.f32.s32 v19;
	vm1 =	vgt.f32 v11, v19  }
0x98: {  	v15 =	vld.idx.msk [tilespmem:v15+s18+$0x0], $0xffff;
	v9 =	vadd.s32 v20, v9;
	v20 =	vnsel vm0, $0x40, v14;
	v12 =	vsel vm1, $0x1, v2  }
0x99: {  	s21 =	simm.s32 $0x4460;
	v20 =	vshll.u32 v20, $0x4;
	vm0 =	vgt.s32 v9, v14;
	vm2 =	vlt.s32 v9, $0x40  }
0x9a: {  	[tilespmem:s21+$0x0] =	vst v18;
	v21 =	vadd.s32 v22, v12;
	v12 =	vmov s12;
	v11 =	vor.u32 v0, v20  }
0x9b: {  	s26 =	simm.s32 $0x48E0;
	[tilespmem:s21+$0x10] =	vst v16;
	v22 =	vld.idx.msk [tilespmem:v13+s18+$0x0], $0xffff;
	v19 =	vnsel vm2, $0x40, v9;
	v20 =	vsel vm3, $0x1, v2;
	vm1 =	vlt.s32 v21, $0x40  }
0x9c: {  	v16 =	vld [tilespmem:s26+$0x0];
	[tilespmem:s1+$0x0] =	vst v14;
	v12 =	vadd.s32 $0xFFFFFFFF, v12;
	v20 =	vadd.s32 v23, v20;
	v13 =	vnsel vm1, $0x40, v21  }
0x9d: {  	[tilespmem:s21+$0xFFFFFFF0] =	vst v15;
	v18 =	vshll.u32 v19, $0x4;
	vm2 =	vlt.s32 v20, $0x40;
	v13 =	vshll.u32 v13, $0x4  }
0x9e: {  	[tilespmem:s1+$0x10] =	vst v9;
	vm1 =	vgt.s32 v21, v20;
	v19 =	vnsel vm2, $0x40, v20;
	vm2 =	vgt.s32 v14, v21  }
0x9f: {  	v23 =	vld [tilespmem:s26+$0x10];
	[tilespmem:v11+s29+$0x0] =	vst.idx.msk vm0, v12;
	v11 =	vshll.u32 v19, $0x4;
	v12 =	vor.u32 v0, v13;
	vm0 =	vgt.s32 v20, v10  }
0xa0: {  	[tilespmem:s21+$0xFFFFFFE0] =	vst v22;
	v10 =	vor.u32 v0, v18;
	v19 =	vmov s14;
	v18 =	vld [tilespmem:s26+$0xFFFFFFF0];
	v13 =	vor.u32 v0, v11  }
0xa1: {  	v7 =	vshll.u32 v7, $0x4;
	s12 =	simm.s32 $0x8;
	[tilespmem:s1+$0xFFFFFFF0] =	vst v21;
	v21 =	vadd.f32 $-7.692307700e-03, v16;
	v14 =	vadd.s32 $0xFFFFFFFF, v19;
	v19 =	vld [tilespmem:s26+$0xFFFFFFE0]  }
0xa2: {  	v7 =	vor.u32 v0, v7;
	v15 =	vor.u32 s12, v1;
	v16 =	vmov s20;
	s20 =	simm.s32 $0xB  }
0xa3: {  	[tilespmem:s1+$0xFFFFFFE0] =	vst v20;
	v16 =	vadd.s32 $0xFFFFFFFF, v16;
	s14 =	simm.s32 $0x9;
	v20 =	vor.u32 s20, v1;
	v21 =	vmul.f32 $6.500000000e+01, v21  }
0xa4: {  	s28 =	simm.s32 $0xA;
	s22 =	simm.s32 $0xC;
	v11 =	vadd.s32 $0xFFFFFFFF, v17;
	v17 =	vor.u32 s14, v1;
	v22 =	vadd.f32 $-7.692307700e-03, v23  }
.LBB2_7:
0xa5: {  	p1 =	slt.u32 s22, $0x3C;
	v23 =	vmov s28;
	v24 =	vor.u32 s28, v1;
	v18 =	vadd.f32 $-7.692307700e-03, v18;
	[tilespmem:v13+s29+$0x0] =	vst.idx.msk vm1, v16  }
0xa6: {  	v13 =	vadd.f32 $-7.692307700e-03, v19;
	v16 =	vtrunc.f32 v21;
	v19 =	vmul.f32 $6.500000000e+01, v22;
	[tilespmem:v12+s29+$0x0] =	vst.idx.msk vm2, v8;
	v8 =	vmovc v11  }
0xa7: {  	v11 =	vmul.f32 $6.500000000e+01, v18;
	v12 =	vcvt.f32.s32 v16;
	vm1 =	vgt.f32 v21, v16;
	[tilespmem:v7+s29+$0x0] =	vst.idx.msk vm0, v14;
	v7 =	vmovc v10  }
0xa8: {  	v10 =	vmul.f32 $6.500000000e+01, v13;
	v13 =	vsel vm1, $0x1, v2;
	v14 =	vtrunc.f32 v19  }
0xa9: {  	v16 =	vld.idx.msk [tilespmem:v20+s18+$0x0], $0xffff;
	v20 =	vadd.s32 v12, v13;
	v12 =	vcvt.f32.s32 v14;
	vm0 =	vgt.f32 v19, v14  }
0xaa: {  	v14 =	vtrunc.f32 v11;
	v13 =	vld.idx.msk [tilespmem:v24+s18+$0x0], $0xffff;
	v18 =	vsel vm0, $0x1, v2;
	vm0 =	vlt.s32 v20, $0x40  }
0xab: {  	v19 =	vtrunc.f32 v10;
	v21 =	vadd.s32 v12, v18;
	v12 =	vnsel vm0, $0x40, v20  }
0xac: {  	v18 =	vcvt.f32.s32 v14;
	v12 =	vshll.u32 v12, $0x4;
	vm0 =	vgt.s32 v21, v20  }
0xad: {  	vm1 =	vgt.f32 v11, v14;
	v22 =	vcvt.f32.s32 v19;
	v17 =	vld.idx.msk [tilespmem:v17+s18+$0x0], $0xffff;
	v11 =	vor.u32 v0, v12  }
0xae: {  	s21 =	sadd.s32 $0x40, s21;
	vm3 =	vgt.f32 v10, v19;
	v10 =	vsel vm1, $0x1, v2;
	vm2 =	vlt.s32 v21, $0x40;
	v14 =	vld.idx.msk [tilespmem:v15+s18+$0x0], $0xffff  }
0xaf: {  	v12 =	vnsel vm2, $0x40, v21;
	v15 =	vsel vm3, $0x1, v2;
	[tilespmem:s21+$0x10] =	vst v16;
	v16 =	vadd.s32 v18, v10  }
0xb0: {  	s26 =	sadd.s32 $0x40, s26;
	s1 =	sadd.s32 $0x40, s1;
	v22 =	vadd.s32 v22, v15;
	v10 =	vmov s19;
	s19 =	smov.u32 s20;
	[tilespmem:s21+$0x0] =	vst v13;
	vm1 =	vlt.s32 v16, $0x40  }
0xb1: {  	vm2 =	vlt.s32 v22, $0x40;
	v10 =	vadd.s32 $0xFFFFFFFF, v10;
	v24 =	vld [tilespmem:s26+$0x0];
	v13 =	vnsel vm1, $0x40, v16;
	[tilespmem:s1+$0x10] =	vst v21  }
0xb2: {  	v15 =	vshll.u32 v12, $0x4;
	v12 =	vnsel vm2, $0x40, v22;
	v13 =	vshll.u32 v13, $0x4;
	[tilespmem:v11+s29+$0x0] =	vst.idx.msk vm0, v10  }
0xb3: {  	vm1 =	vgt.s32 v16, v22;
	v10 =	vshll.u32 v12, $0x4;
	[tilespmem:s21+$0xFFFFFFF0] =	vst v17;
	v25 =	vld [tilespmem:s26+$0x10];
	v12 =	vor.u32 v0, v13  }
.Ltmp2:
0xb4: {  	vm2 =	vgt.s32 v20, v16;
	vm0 =	vgt.s32 v22, v9;
	v13 =	vor.u32 v0, v10;
	[tilespmem:s21+$0xFFFFFFE0] =	vst v14;
	v18 =	vld [tilespmem:s26+$0xFFFFFFF0];
	(pc) =	sbr.rel @p1 .LBB2_7-.Ltmp2, $4  }
0xb5: {  	v11 =	vadd.s32 $0xFFFFFFFF, v23;
	v9 =	vmovc v21;
	v10 =	vor.u32 v0, v15;
	v14 =	vmov s11;
	s11 =	smov.u32 s12;
	s12 =	smov.u32 s22;
	v19 =	vld [tilespmem:s26+$0xFFFFFFE0];
	[tilespmem:s1+$0xFFFFFFF0] =	vst v16  }
0xb6: {  	v15 =	vor.u32 s22, v1;
	v16 =	vmov s7;
	s7 =	smov.u32 s14;
	s14 =	sadd.s32 $0x1, s22;
	v21 =	vadd.f32 $-7.692307700e-03, v24;
	[tilespmem:s1+$0x0] =	vst v20  }
0xb7: {  	s20 =	sadd.s32 $0x3, s22;
	v14 =	vadd.s32 $0xFFFFFFFF, v14;
	v17 =	vor.u32 s14, v1;
	v16 =	vadd.s32 $0xFFFFFFFF, v16;
	[tilespmem:s1+$0xFFFFFFE0] =	vst v22  }
0xb8: {  	s28 =	sadd.s32 $0x2, s12;
	s22 =	sadd.s32 $0x4, s22;
	v20 =	vor.u32 s20, v1;
	v21 =	vmul.f32 $6.500000000e+01, v21;
	v22 =	vadd.f32 $-7.692307700e-03, v25  }
0xb9: {  	_ =	sdelay $0x1  }
0xba: {  	v23 =	vor.u32 s28, v1  }
0xbb: {  	v18 =	vadd.f32 $-7.692307700e-03, v18;
	v38 =	vmov s19;
	v44 =	vmov s11  }
0xbc: {  	v20 =	vld.idx.msk [tilespmem:v20+s18+$0x0], $0xffff;
	v30 =	vmov s7;
	v24 =	vtrunc.f32 v21;
	v22 =	vmul.f32 $6.500000000e+01, v22  }
0xbd: {  	v17 =	vld.idx.msk [tilespmem:v17+s18+$0x0], $0xffff;
	v19 =	vadd.f32 $-7.692307700e-03, v19;
	v45 =	vadd.s32 $0xFFFFFFFF, v30;
	v56 =	vadd.s32 $0xFFFFFFFF, v44  }
0xbe: {  	v15 =	vld.idx.msk [tilespmem:v15+s18+$0x0], $0xffff;
	v25 =	vcvt.f32.s32 v24;
	vm3 =	vgt.f32 v21, v24;
	v18 =	vmul.f32 $6.500000000e+01, v18  }
0xbf: {  	v21 =	vsel vm3, $0x1, v2;
	v57 =	vtrunc.f32 v22;
	v19 =	vmul.f32 $6.500000000e+01, v19;
	v23 =	vld.idx.msk [tilespmem:v23+s18+$0x0], $0xffff  }
0xc0: {  	s3 =	sadd.s32 $0x40, s21;
	v21 =	vadd.s32 v25, v21;
	v58 =	vcvt.f32.s32 v57;
	vm3 =	vgt.f32 v22, v57  }
0xc1: {  	s26 =	sadd.s32 $0x40, s26;
	v59 =	vtrunc.f32 v18;
	vm4 =	vlt.s32 v21, $0x40;
	v60 =	vsel vm3, $0x1, v2;
	[tilespmem:s3+$0x10] =	vst v20  }
0xc2: {  	v61 =	vtrunc.f32 v19;
	v62 =	vcvt.f32.s32 v59;
	vm9 =	vgt.f32 v18, v59;
	[tilespmem:s3+$0xFFFFFFF0] =	vst v17;
	v36 =	vld [tilespmem:s26+$0x10]  }
0xc3: {  	[tilespmem:s3+$0xFFFFFFE0] =	vst v15;
	v26 =	vnsel vm4, $0x40, v21;
	v28 =	vcvt.f32.s32 v61;
	vm6 =	vgt.f32 v19, v61;
	v41 =	vld [tilespmem:s26+$0xFFFFFFF0]  }
0xc4: {  	v33 =	vsel vm9, $0x1, v2;
	v42 =	vld [tilespmem:s26+$0xFFFFFFE0];
	v26 =	vshll.u32 v26, $0x4;
	v35 =	vsel vm6, $0x1, v2;
	[tilespmem:s3+$0x0] =	vst v23  }
0xc5: {  	v19 =	vadd.s32 v62, v33;
	v63 =	vor.u32 v0, v26;
	v20 =	vadd.s32 v28, v35;
	v27 =	vld [tilespmem:s26+$0x0]  }
0xc6: {  	vm10 =	vlt.s32 v19, $0x40;
	v26 =	vadd.s32 $0xFFFFFFFF, v38;
	vm15 =	vgt.s32 v21, v19  }
0xc7: {  	vm11 =	vlt.s32 v20, $0x40;
	v39 =	vnsel vm10, $0x40, v19;
	vm12 =	vgt.s32 v19, v20  }
0xc8: {  	vm13 =	vgt.s32 v20, v9;
	v23 =	vadd.s32 v58, v60;
	v9 =	vadd.f32 $-7.692307700e-03, v36  }
0xc9: {  	v40 =	vnsel vm11, $0x40, v20;
	v15 =	vadd.f32 $-7.692307700e-03, v41;
	v28 =	vadd.f32 $-7.692307700e-03, v42  }
0xca: {  	v17 =	vshll.u32 v39, $0x4;
	v9 =	vmul.f32 $6.500000000e+01, v9;
	v37 =	vadd.f32 $-7.692307700e-03, v27  }
0xcb: {  	[tilespmem:v12+s29+$0x0] =	vst.idx.msk vm2, v8;
	vm3 =	vgt.s32 v23, v21;
	v8 =	vmul.f32 $6.500000000e+01, v15;
	v48 =	vmul.f32 $6.500000000e+01, v28  }
0xcc: {  	vm5 =	vlt.s32 v23, $0x40;
	v47 =	vtrunc.f32 v9;
	v25 =	vmul.f32 $6.500000000e+01, v37  }
0xcd: {  	v17 =	vor.u32 v0, v17;
	v49 =	vtrunc.f32 v8;
	v50 =	vtrunc.f32 v48  }
0xce: {  	[tilespmem:v13+s29+$0x0] =	vst.idx.msk vm1, v16;
	v27 =	vshll.u32 v40, $0x4;
	vm1 =	vgt.f32 v9, v47;
	v29 =	vtrunc.f32 v25  }
0xcf: {  	[tilespmem:v7+s29+$0x0] =	vst.idx.msk vm0, v14;
	v7 =	vcvt.f32.s32 v47;
	vm14 =	vgt.f32 v25, v29;
	v29 =	vcvt.f32.s32 v29  }
0xd0: {  	s1 =	sadd.s32 $0x40, s1;
	v43 =	vor.u32 v0, v27;
	v9 =	vsel vm1, $0x1, v2;
	v25 =	vsel vm14, $0x1, v2  }
0xd1: {  	[tilespmem:s1+$0x0] =	vst v21;
	vm1 =	vgt.f32 v48, v50;
	v7 =	vadd.s32 v7, v9;
	v46 =	vadd.s32 v29, v25  }
0xd2: {  	[tilespmem:s1+$0xFFFFFFF0] =	vst v19;
	v9 =	vcvt.f32.s32 v49;
	v54 =	vsel vm1, $0x1, v2;
	vm0 =	vlt.s32 v46, $0x40  }
0xd3: {  	[tilespmem:s1+$0xFFFFFFE0] =	vst v20;
	v51 =	vnsel vm0, $0x40, v46;
	vm0 =	vgt.f32 v8, v49;
	v8 =	vcvt.f32.s32 v50  }
0xd4: {  	[tilespmem:s1+$0x10] =	vst v23;
	v52 =	vshll.u32 v51, $0x4;
	v53 =	vsel vm0, $0x1, v2;
	vm0 =	vgt.s32 v7, v46  }
0xd5: {  	v34 =	vnsel vm5, $0x40, v23;
	[tilespmem:v10+s29+$0x0] =	vst.idx.msk vm13, v56;
	v55 =	vor.u32 v0, v52;
	v8 =	vadd.s32 v8, v54  }
0xd6: {  	[tilespmem:v17+s29+$0x0] =	vst.idx.msk vm15, v11;
	v11 =	vmov s20;
	v9 =	vadd.s32 v9, v53;
	vm2 =	vlt.s32 v8, $0x40  }
0xd7: {  	s1 =	sadd.s32 $0x40, s1;
	[tilespmem:v63+s29+$0x0] =	vst.idx.msk vm3, v26;
	v10 =	vadd.s32 $0xFFFFFFFF, v11;
	vm1 =	vlt.s32 v9, $0x40;
	v58 =	vnsel vm2, $0x40, v8  }
0xd8: {  	[tilespmem:s1+$0x10] =	vst v7;
	v57 =	vnsel vm1, $0x40, v9;
	vm1 =	vgt.s32 v9, v8;
	v11 =	vshll.u32 v58, $0x4  }
0xd9: {  	[tilespmem:v43+s29+$0x0] =	vst.idx.msk vm12, v45;
	vm2 =	vgt.s32 v46, v9;
	v59 =	vshll.u32 v57, $0x4;
	v11 =	vor.u32 v0, v11  }
0xda: {  	v60 =	vshll.u32 v34, $0x4;
	[tilespmem:v55+s29+$0x0] =	vst.idx.msk vm0, v10;
	v10 =	vor.u32 v0, v59;
	vm0 =	vgt.s32 v8, v23  }
0xdb: {  	v61 =	vor.u32 v0, v60;
	[tilespmem:s1+$0x0] =	vst v46  }
0xdc: {  	[tilespmem:s1+$0xFFFFFFF0] =	vst v9;
	v9 =	vmov s14  }
0xdd: {  	v62 =	vmov s28;
	[tilespmem:s1+$0xFFFFFFE0] =	vst v8;
	v8 =	vadd.s32 $0xFFFFFFFF, v9  }
0xde: {  	v63 =	vmov s12;
	v9 =	vadd.s32 $0xFFFFFFFF, v62;
	[tilespmem:v11+s29+$0x0] =	vst.idx.msk vm1, v8  }
0xdf: {  	v8 =	vadd.s32 $0xFFFFFFFF, v63;
	[tilespmem:v10+s29+$0x0] =	vst.idx.msk vm2, v9  }
0xe0: {  	[tilespmem:v61+s29+$0x0] =	vst.idx.msk vm0, v8  }
0xe1: {  	v8 =	vld [tilespmem:$0x4C80];
	_ =	sdelay $0x4  }
0xe2: {  	v8 =	vadd.f32 $-7.692307700e-03, v8;
	_ =	sdelay $0x1  }
0xe3: {  	v8 =	vmul.f32 $6.500000000e+01, v8;
	_ =	sdelay $0x1  }
0xe4: {  	v9 =	vtrunc.f32 v8  }
0xe5: {  	v10 =	vcvt.f32.s32 v9;
	vm0 =	vgt.f32 v8, v9  }
0xe6: {  	v8 =	vsel vm0, $0x1, v2  }
0xe7: {  	vm0 =	vlt.s32 v7, $0x40;
	v8 =	vadd.s32 v10, v8  }
0xe8: {  	v10 =	vnsel vm0, $0x40, v7;
	vm0 =	vlt.s32 v8, $0x40  }
0xe9: {  	v9 =	vld.idx.msk [tilespmem:v3+s18+$0x0], $0xffff;
	v10 =	vshll.u32 v10, $0x4;
	vm1 =	vgt.s32 v8, v7;
	v7 =	vnsel vm0, $0x40, v8  }
0xea: {  	v10 =	vor.u32 v0, v10;
	vm0 =	vlt.s32 v8, $0x41;
	v7 =	vshll.u32 v7, $0x4  }
0xeb: {  	v7 =	vor.u32 v0, v7;
	_ =	sdelay $0x1  }
0xec: {  	[tilespmem:$0x5580] =	vst v8  }
0xed: {  	[tilespmem:$0x4800] =	vst v9  }
0xee: {  	[tilespmem:v10+s29+$0x0] =	vst.idx.msk vm1, v5  }
0xef: {  	s28 =	simm.s32 $0x4D40;
	[tilespmem:v7+s29+$0x0] =	vst.idx.msk vm0, v4  }
0xf0: {  	v7 =	vld [tilespmem:s28+$0xFFFFFFC0];
	_ =	sdelay $0x1  }
0xf1: {  	v8 =	vld [tilespmem:s28+$0xFFFFFFD0];
	_ =	sdelay $0x1  }
0xf2: {  	v9 =	vimm.s32 $0x0;
	v10 =	vld [tilespmem:s28+$0xFFFFFFE0]  }
0xf3: {  	vm0 =	vgt.s32 v9, v7  }
0xf4: {  	v11 =	vld [tilespmem:s28+$0xFFFFFFF0];
	v9 =	vsel vm0, v9, v7  }
0xf5: {  	vm0 =	vgt.s32 v9, v8  }
0xf6: {  	v12 =	vld [tilespmem:s28+$0x0];
	v8 =	vsel vm0, v9, v8  }
0xf7: {  	vm0 =	vgt.s32 v8, v10  }
0xf8: {  	s1 =	simm.s32 $0x5640;
	v7 =	vld [tilespmem:s28+$0x10];
	v10 =	vsel vm0, v8, v10  }
0xf9: {  	[tilespmem:s1+$0xFFFFFFC0] =	vst v9;
	vm0 =	vgt.s32 v10, v11  }
0xfa: {  	[tilespmem:s1+$0xFFFFFFD0] =	vst v8;
	v8 =	vld [tilespmem:s28+$0x20];
	v9 =	vsel vm0, v10, v11  }
0xfb: {  	[tilespmem:s1+$0xFFFFFFE0] =	vst v10;
	vm0 =	vgt.s32 v9, v12  }
0xfc: {  	[tilespmem:s1+$0xFFFFFFF0] =	vst v9;
	v10 =	vsel vm0, v9, v12;
	v9 =	vld [tilespmem:s28+$0x30]  }
0xfd: {  	s7 =	simm.s32 $0x4DC0;
	s3 =	simm.s32 $0x0;
	[tilespmem:s1+$0x0] =	vst v10;
	vm0 =	vgt.s32 v10, v7  }
.LBB2_9:
0xfe: {  	v11 =	vld [tilespmem:s7+$0xFFFFFFC0];
	s3 =	sadd.s32 $0x8, s3;
	v7 =	vsel vm0, v10, v7  }
0xff: {  	p1 =	slt.u32 s3, $0x38;
	[tilespmem:s1+$0x10] =	vst v7;
	vm0 =	vgt.s32 v7, v8  }
0x100: {  	v10 =	vld [tilespmem:s7+$0xFFFFFFD0];
	v7 =	vsel vm0, v7, v8  }
0x101: {  	[tilespmem:s1+$0x20] =	vst v7;
	vm0 =	vgt.s32 v7, v9  }
0x102: {  	v8 =	vld [tilespmem:s7+$0xFFFFFFE0];
	v7 =	vsel vm0, v7, v9  }
0x103: {  	vm0 =	vgt.s32 v7, v11;
	[tilespmem:s1+$0x30] =	vst v7  }
0x104: {  	s1 =	sadd.s32 $0x80, s1;
	v7 =	vsel vm0, v7, v11;
	v9 =	vld [tilespmem:s7+$0xFFFFFFF0]  }
0x105: {  	[tilespmem:s1+$0xFFFFFFC0] =	vst v7;
	vm0 =	vgt.s32 v7, v10  }
0x106: {  	v7 =	vsel vm0, v7, v10;
	v10 =	vld [tilespmem:s7+$0x0]  }
0x107: {  	[tilespmem:s1+$0xFFFFFFD0] =	vst v7;
	vm0 =	vgt.s32 v7, v8  }
0x108: {  	v8 =	vsel vm0, v7, v8;
	v7 =	vld [tilespmem:s7+$0x10]  }
.Ltmp3:
0x109: {  	[tilespmem:s1+$0xFFFFFFE0] =	vst v8;
	vm0 =	vgt.s32 v8, v9;
	(pc) =	sbr.rel @p1 .LBB2_9-.Ltmp3, $4  }
0x10a: {  	v9 =	vsel vm0, v8, v9;
	v8 =	vld [tilespmem:s7+$0x20]  }
0x10b: {  	[tilespmem:s1+$0xFFFFFFF0] =	vst v9;
	vm0 =	vgt.s32 v9, v10  }
0x10c: {  	v10 =	vsel vm0, v9, v10;
	v9 =	vld [tilespmem:s7+$0x30]  }
0x10d: {  	s7 =	sadd.s32 $0x80, s7;
	[tilespmem:s1+$0x0] =	vst v10;
	vm0 =	vgt.s32 v10, v7  }
0x10e: {  	v7 =	vsel vm0, v10, v7  }
0x10f: {  	vm0 =	vgt.s32 v7, v8  }
0x110: {  	v8 =	vsel vm0, v7, v8  }
0x111: {  	[tilespmem:s1+$0x10] =	vst v7;
	vm0 =	vgt.s32 v8, v9  }
0x112: {  	[tilespmem:s1+$0x20] =	vst v8;
	v7 =	vsel vm0, v8, v9  }
0x113: {  	[tilespmem:s1+$0x30] =	vst v7  }
0x114: {  	v8 =	vld [tilespmem:$0x5100];
	_ =	sdelay $0x4  }
0x115: {  	vm0 =	vgt.s32 v7, v8  }
0x116: {  	v7 =	vsel vm0, v7, v8  }
0x117: {  	s12 =	simm.s32 $0x5620;
	[tilespmem:$0x5A00] =	vst v7  }
0x118: {  	v9 =	vld [tilespmem:s12+$0x20];
	_ =	sdelay $0x1  }
0x119: {  	v11 =	vld [tilespmem:s12+$0x10]  }
0x11a: {  	v10 =	vld [tilespmem:s12+$0xFFFFFFF0];
	_ =	sdelay $0x1  }
0x11b: {  	v7 =	vadd.s32 $0x1, v9  }
0x11c: {  	v8 =	vshll.u32 v9, $0x4;
	vm11 =	vlt.s32 v7, $0x40  }
0x11d: {  	v13 =	vshll.u32 v11, $0x4;
	v14 =	vadd.s32 $0x1, v11;
	v7 =	vnsel vm11, $0x40, v7  }
0x11e: {  	v16 =	vadd.s32 $0x1, v10;
	v12 =	vor.u32 v0, v8;
	v7 =	vshll.u32 v7, $0x4  }
0x11f: {  	v8 =	vshll.u32 v10, $0x4;
	vm12 =	vlt.s32 v14, $0x40;
	v15 =	vor.u32 v0, v7  }
0x120: {  	vm1 =	vlt.s32 v16, $0x40;
	v13 =	vor.u32 v0, v13;
	v14 =	vnsel vm12, $0x40, v14  }
0x121: {  	v17 =	vld [tilespmem:s12+$0x0];
	v18 =	vor.u32 v0, v8;
	v8 =	vnsel vm1, $0x40, v16;
	v14 =	vshll.u32 v14, $0x4  }
0x122: {  	v16 =	vld [tilespmem:s12+$0xFFFFFFE0];
	v8 =	vshll.u32 v8, $0x4;
	v14 =	vor.u32 v0, v14  }
0x123: {  	v20 =	vor.u32 v0, v8;
	v19 =	vld.idx.msk [tilespmem:v12+s30+$0x0], $0xffff  }
0x124: {  	v8 =	vld.idx.msk [tilespmem:v15+s30+$0x0], $0xffff  }
0x125: {  	v22 =	vld.idx.msk [tilespmem:v13+s30+$0x0], $0xffff  }
0x126: {  	v21 =	vadd.s32 $0x1, v17;
	v23 =	vld.idx.msk [tilespmem:v18+s30+$0x0], $0xffff  }
0x127: {  	v25 =	vshll.u32 v17, $0x4;
	vm13 =	vlt.s32 v21, $0x40;
	v26 =	vld.idx.msk [tilespmem:v14+s30+$0x0], $0xffff  }
0x128: {  	v25 =	vor.u32 v0, v25;
	v21 =	vnsel vm13, $0x40, v21;
	v24 =	vadd.s32 $0x1, v16;
	v28 =	vld.idx.msk [tilespmem:v20+s30+$0x0], $0xffff  }
0x129: {  	s20 =	simm.s32 $0x5AA0;
	v21 =	vshll.u32 v21, $0x4;
	vm14 =	vlt.s32 v24, $0x40;
	v8 =	vsub.f32 v8, v19  }
0x12a: {  	v33 =	vld [tilespmem:s20+$0x20];
	v21 =	vor.u32 v0, v21;
	v27 =	vshll.u32 v16, $0x4;
	v24 =	vnsel vm14, $0x40, v24  }
0x12b: {  	v35 =	vld [tilespmem:s20+$0x10];
	v27 =	vor.u32 v0, v27;
	v24 =	vshll.u32 v24, $0x4;
	vm2 =	vgt.f32 v8, $9.999999960e-13  }
0x12c: {  	s11 =	simm.s32 $0x3;
	v36 =	vld [tilespmem:s20+$0xFFFFFFF0];
	v24 =	vor.u32 v0, v24;
	v26 =	vsub.f32 v26, v22;
	v8 =	vnsel vm2, $0x3F800000, v8  }
0x12d: {  	s19 =	simm.s32 $0x5;
	s7 =	simm.s32 $0x2;
	v17 =	vadd.s32 s11, v17;
	v30 =	vld.idx.msk [tilespmem:v25+s30+$0x0], $0xffff;
	v28 =	vsub.f32 v28, v23;
	(erf) = vrcp.f32 v8  }
0x12e: {  	v9 =	vadd.s32 s19, v9;
	v10 =	vadd.s32 s7, v10;
	v12 =	vld.idx.msk [tilespmem:v12+s31+$0x0], $0xffff;
	vm3 =	vgt.f32 v26, $9.999999960e-13  }
0x12f: {  	v37 =	vand.u32 $0x7F, v9;
	v60 =	vld.idx.msk [tilespmem:v21+s30+$0x0], $0xffff;
	vm4 =	vgt.f32 v28, $9.999999960e-13;
	v26 =	vnsel vm3, $0x3F800000, v26  }
0x130: {  	v9 =	vshll.u32 v9, $0x3;
	s12 =	simm.s32 $0x4;
	v31 =	vld.idx.msk [tilespmem:v27+s30+$0x0], $0xffff;
	v28 =	vnsel vm4, $0x3F800000, v28;
	(erf) = vrcp.f32 v26  }
0x131: {  	v62 =	vshll.u32 v10, $0x3;
	v11 =	vadd.s32 s12, v11;
	v61 =	vld.idx.msk [tilespmem:v24+s30+$0x0], $0xffff;
	(erf) = vrcp.f32 v28  }
0x132: {  	v10 =	vand.u32 $0x7F, v10;
	v9 =	vand.u32 $0xFFFFFC00, v9;
	v34 =	vshll.u32 v11, $0x3;
	v15 =	vld.idx.msk [tilespmem:v15+s31+$0x0], $0xffff  }
0x133: {  	s14 =	simm.s32 $0x2800;
	v9 =	vor.u32 v37, v9;
	v11 =	vand.u32 $0x7F, v11;
	v34 =	vand.u32 $0xFFFFFC00, v34  }
0x134: {  	v29 =	vld.idx.msk [tilespmem:v1+s14+$0x0], $0xffff;
	s19 =	simm.s32 $0x1;
	v9 =	vadd.s32 v6, v9;
	v11 =	vor.u32 v11, v34;
	v63 =	vsub.f32 v60, v30  }
0x135: {  	v13 =	vld.idx.msk [tilespmem:v13+s31+$0x0], $0xffff;
	v16 =	vadd.s32 s19, v16;
	v19 =	vsub.f32 v33, v19;
	v22 =	vsub.f32 v35, v22  }
0x136: {  	v18 =	vld.idx.msk [tilespmem:v18+s31+$0x0], $0xffff;
	v11 =	vadd.s32 v6, v11;
	v23 =	vsub.f32 v36, v23;
	v26 =	vsub.f32 v61, v31;
	v38 =	vpop (erf)  }
0x137: {  	v14 =	vld.idx.msk [tilespmem:v14+s31+$0x0], $0xffff;
	v15 =	vsub.f32 v15, v12;
	v28 =	vand.u32 $0xFFFFFC00, v62;
	v19 =	vmul.f32 v38, v19  }
0x138: {  	s3 =	simm.s32 $0x2000;
	v20 =	vld.idx.msk [tilespmem:v20+s31+$0x0], $0xffff;
	vm15 =	vgt.f32 v63, $9.999999960e-13;
	v10 =	vor.u32 v10, v28;
	vm5 =	vgt.f32 v26, $9.999999960e-13  }
0x139: {  	v7 =	vld.idx.msk [tilespmem:v1+s3+$0x0], $0xffff;
	v28 =	vnsel vm15, $0x3F800000, v63;
	v26 =	vnsel vm5, $0x3F800000, v26;
	v39 =	vpop (erf);
	v19 =	vmax.f32 v19, $0.0e+00  }
0x13a: {  	(erf) = vrcp.f32 v28;
	v22 =	vmul.f32 v39, v22;
	v40 =	vpop (erf);
	v19 =	vmin.f32 v19, $1.000000000e+00  }
0x13b: {  	(erf) = vrcp.f32 v26;
	v23 =	vmul.f32 v40, v23;
	v19 =	vnsel vm2, $0x0, v19  }
0x13c: {  	v41 =	vld [tilespmem:s20+$0x0];
	v14 =	vsub.f32 v14, v13;
	v15 =	vmul.f32 v19, v15;
	v19 =	vmax.f32 v22, $0.0e+00  }
0x13d: {  	v20 =	vsub.f32 v20, v18;
	v23 =	vmax.f32 v23, $0.0e+00;
	v19 =	vmin.f32 v19, $1.000000000e+00  }
0x13e: {  	v8 =	vsub.f32 v29, v7;
	v22 =	vld [tilespmem:s20+$0xFFFFFFE0];
	v23 =	vmin.f32 v23, $1.000000000e+00;
	v19 =	vnsel vm3, $0x0, v19  }
0x13f: {  	v12 =	vadd.f32 v15, v12;
	v15 =	vnsel vm4, $0x0, v23;
	v14 =	vmul.f32 v19, v14  }
0x140: {  	v21 =	vld.idx.msk [tilespmem:v21+s31+$0x0], $0xffff;
	v10 =	vadd.s32 v6, v10;
	v19 =	vshll.u32 v16, $0x3;
	v15 =	vmul.f32 v15, v20  }
0x141: {  	v23 =	vld.idx.msk [tilespmem:v25+s31+$0x0], $0xffff;
	v20 =	vsub.f32 v41, v30;
	v12 =	vmul.f32 v12, v8;
	v13 =	vadd.f32 v14, v13  }
0x142: {  	v16 =	vand.u32 $0x7F, v16;
	v19 =	vand.u32 $0xFFFFFC00, v19;
	v14 =	vld.idx.msk [tilespmem:v27+s31+$0x0], $0xffff;
	v15 =	vadd.f32 v15, v18  }
0x143: {  	v42 =	vpop (erf);
	v22 =	vsub.f32 v22, v31;
	v18 =	vld.idx.msk [tilespmem:v24+s31+$0x0], $0xffff;
	v12 =	vadd.f32 v12, v7;
	v13 =	vmul.f32 v13, v8  }
0x144: {  	v43 =	vpop (erf);
	v20 =	vmul.f32 v42, v20;
	v19 =	vor.u32 v16, v19;
	v15 =	vmul.f32 v15, v8  }
0x145: {  	s14 =	simm.s32 $0x51A0;
	v32 =	vshll.u32 v17, $0x3;
	v22 =	vmul.f32 v43, v22;
	[tilespmem:v9+s0+$0x0] =	vst.idx.msk $0xffff, v12;
	v9 =	vadd.f32 v13, v7  }
0x146: {  	s21 =	simm.s32 $0x5670;
	v12 =	vand.u32 $0x7F, v17;
	v13 =	vmax.f32 v20, $0.0e+00;
	v17 =	vld [tilespmem:s14+$0x20];
	v15 =	vadd.f32 v15, v7  }
0x147: {  	s1 =	simm.s32 $0x4420;
	v20 =	vsub.f32 v21, v23;
	v21 =	vmax.f32 v22, $0.0e+00;
	v22 =	vld [tilespmem:s21+$0xFFFFFFE0];
	v13 =	vmin.f32 v13, $1.000000000e+00;
	[tilespmem:v11+s0+$0x0] =	vst.idx.msk $0xffff, v9  }
0x148: {  	v9 =	vld [tilespmem:s1+$0x20];
	v11 =	vsub.f32 v18, v14;
	v18 =	vmin.f32 v21, $1.000000000e+00;
	[tilespmem:v10+s0+$0x0] =	vst.idx.msk $0xffff, v15;
	v10 =	vnsel vm15, $0x0, v13  }
0x149: {  	v13 =	vand.u32 $0xFFFFFC00, v32;
	v21 =	vld [tilespmem:s14+$0x10];
	v15 =	vnsel vm5, $0x0, v18;
	v10 =	vmul.f32 v10, v20  }
0x14a: {  	v19 =	vadd.s32 v6, v19;
	v18 =	vld [tilespmem:s14+$0xFFFFFFF0];
	v12 =	vor.u32 v12, v13;
	v11 =	vmul.f32 v15, v11  }
0x14b: {  	v20 =	vadd.s32 v6, v12;
	v12 =	vadd.s32 s12, v17;
	v10 =	vadd.f32 v10, v23  }
0x14c: {  	v45 =	vadd.s32 $0x1, v22;
	v11 =	vadd.f32 v11, v14;
	v16 =	vshll.u32 v12, $0x3  }
0x14d: {  	v15 =	vand.u32 $0x7F, v12;
	vm6 =	vlt.s32 v45, $0x40;
	v13 =	vmul.f32 v9, v8  }
0x14e: {  	v17 =	vld [tilespmem:s1+$0xFFFFFFF0];
	v23 =	vmul.f32 v10, v8;
	v25 =	vnsel vm6, $0x40, v45;
	v16 =	vand.u32 $0xFFFFFC00, v16  }
0x14f: {  	v10 =	vadd.s32 s11, v21;
	v12 =	vadd.s32 s19, v18;
	v25 =	vshll.u32 v25, $0x4  }
0x150: {  	v14 =	vld [tilespmem:s21+$0x20];
	v15 =	vor.u32 v15, v16;
	v11 =	vmul.f32 v11, v8;
	v18 =	vand.u32 $0x7F, v10  }
0x151: {  	v9 =	vld [tilespmem:s21+$0x0];
	v10 =	vshll.u32 v10, $0x3;
	v21 =	vand.u32 $0x7F, v12;
	v12 =	vshll.u32 v12, $0x3  }
0x152: {  	v23 =	vadd.f32 v23, v7;
	v15 =	vadd.s32 v6, v15;
	v10 =	vand.u32 $0xFFFFFC00, v10  }
0x153: {  	v44 =	vmul.f32 v17, v8;
	v12 =	vand.u32 $0xFFFFFC00, v12;
	v17 =	vld [tilespmem:s21+$0xFFFFFFF0];
	v11 =	vadd.f32 v11, v7  }
0x154: {  	v48 =	vld [tilespmem:s21+$0x10];
	v18 =	vor.u32 v18, v10;
	v10 =	vshll.u32 v22, $0x4;
	v21 =	vor.u32 v21, v12  }
0x155: {  	v49 =	vshll.u32 v14, $0x4;
	v12 =	vor.u32 v0, v10;
	v10 =	vadd.s32 $0x1, v14  }
0x156: {  	s12 =	simm.s32 $0x8;
	v46 =	vadd.s32 $0x1, v9;
	v47 =	vshll.u32 v9, $0x4;
	vm7 =	vlt.s32 v10, $0x40  }
0x157: {  	s22 =	simm.s32 $0xA;
	v50 =	vadd.s32 s12, v9;
	v29 =	vor.u32 v0, v49;
	v10 =	vnsel vm7, $0x40, v10  }
0x158: {  	v9 =	vadd.s32 s22, v14;
	v14 =	vshll.u32 v17, $0x4;
	v51 =	vshll.u32 v10, $0x4  }
0x159: {  	v10 =	vadd.s32 v6, v21;
	v21 =	vadd.s32 $0x1, v48;
	v52 =	vadd.s32 $0x1, v17  }
0x15a: {  	s19 =	simm.s32 $0x5AF0;
	v32 =	vor.u32 v0, v51;
	v33 =	vor.u32 v0, v14;
	vm9 =	vlt.s32 v21, $0x40  }
0x15b: {  	v62 =	vld [tilespmem:s19+$0x10];
	v14 =	vshll.u32 v48, $0x4;
	vm10 =	vlt.s32 v52, $0x40;
	v21 =	vnsel vm9, $0x40, v21  }
0x15c: {  	v63 =	vld [tilespmem:s19+$0x0];
	s21 =	simm.s32 $0x9;
	v53 =	vor.u32 v0, v14;
	v14 =	vshll.u32 v21, $0x4;
	v21 =	vnsel vm10, $0x40, v52  }
0x15d: {  	v16 =	vld [tilespmem:s19+$0xFFFFFFE0];
	v28 =	vadd.s32 s21, v48;
	v54 =	vor.u32 v0, v14;
	v14 =	vshll.u32 v21, $0x4  }
0x15e: {  	s20 =	simm.s32 $0x6;
	[tilespmem:v20+s0+$0x0] =	vst.idx.msk $0xffff, v23;
	v20 =	vor.u32 v0, v25;
	v36 =	vld.idx.msk [tilespmem:v29+s30+$0x0], $0xffff;
	v38 =	vor.u32 v0, v14  }
0x15f: {  	v22 =	vadd.s32 s20, v22;
	v39 =	vshll.u32 v28, $0x3;
	v28 =	vand.u32 $0x7F, v28;
	v37 =	vld.idx.msk [tilespmem:v32+s30+$0x0], $0xffff  }
0x160: {  	v43 =	vshll.u32 v22, $0x3;
	vm8 =	vlt.s32 v46, $0x40;
	v31 =	vshll.u32 v50, $0x3;
	v41 =	vld.idx.msk [tilespmem:v33+s30+$0x0], $0xffff  }
0x161: {  	v27 =	vor.u32 v0, v47;
	v39 =	vand.u32 $0xFFFFFC00, v39;
	v42 =	vand.u32 $0x7F, v9;
	v55 =	vld.idx.msk [tilespmem:v53+s30+$0x0], $0xffff  }
0x162: {  	v9 =	vshll.u32 v9, $0x3;
	v30 =	vand.u32 $0x7F, v50;
	v26 =	vnsel vm8, $0x40, v46;
	v40 =	vld.idx.msk [tilespmem:v54+s30+$0x0], $0xffff  }
0x163: {  	s11 =	simm.s32 $0x7;
	v28 =	vor.u32 v28, v39;
	v9 =	vand.u32 $0xFFFFFC00, v9;
	v26 =	vshll.u32 v26, $0x4;
	v56 =	vld.idx.msk [tilespmem:v38+s30+$0x0], $0xffff  }
0x164: {  	v23 =	vld [tilespmem:s14+$0x0];
	v17 =	vadd.s32 s11, v17;
	v26 =	vor.u32 v0, v26;
	v37 =	vsub.f32 v37, v36  }
0x165: {  	v50 =	vld [tilespmem:s19+$0xFFFFFFF0];
	v58 =	vor.u32 v42, v9;
	v9 =	vand.u32 $0x7F, v22;
	v22 =	vand.u32 $0xFFFFFC00, v43  }
0x166: {  	v9 =	vor.u32 v9, v22;
	v22 =	vld [tilespmem:s19+$0x20];
	v21 =	vshll.u32 v17, $0x3;
	vm11 =	vgt.f32 v37, $9.999999960e-13  }
0x167: {  	v60 =	vld.idx.msk [tilespmem:v20+s30+$0x0], $0xffff;
	v14 =	vand.u32 $0x7F, v17;
	v37 =	vnsel vm11, $0x3F800000, v37;
	v40 =	vsub.f32 v40, v55  }
0x168: {  	v57 =	vld.idx.msk [tilespmem:v27+s30+$0x0], $0xffff;
	v17 =	vand.u32 $0xFFFFFC00, v21;
	(erf) = vrcp.f32 v37;
	v39 =	vsub.f32 v56, v41  }
0x169: {  	v17 =	vor.u32 v14, v17;
	v14 =	vadd.f32 v44, v7;
	v44 =	vld.idx.msk [tilespmem:v26+s30+$0x0], $0xffff;
	vm12 =	vgt.f32 v40, $9.999999960e-13  }
0x16a: {  	v18 =	vadd.s32 v6, v18;
	v59 =	vld.idx.msk [tilespmem:v12+s30+$0x0], $0xffff;
	v40 =	vnsel vm12, $0x3F800000, v40;
	vm13 =	vgt.f32 v39, $9.999999960e-13  }
0x16b: {  	v23 =	vadd.s32 s7, v23;
	v29 =	vld.idx.msk [tilespmem:v29+s31+$0x0], $0xffff;
	(erf) = vrcp.f32 v40;
	v39 =	vnsel vm13, $0x3F800000, v39  }
0x16c: {  	v45 =	vand.u32 $0x7F, v23;
	v23 =	vshll.u32 v23, $0x3;
	v21 =	vld [tilespmem:s1+$0x10];
	(erf) = vrcp.f32 v39  }
0x16d: {  	v31 =	vand.u32 $0xFFFFFC00, v31;
	v51 =	vadd.f32 v13, v7;
	v27 =	vld.idx.msk [tilespmem:v27+s31+$0x0], $0xffff;
	v23 =	vand.u32 $0xFFFFFC00, v23  }
0x16e: {  	v13 =	vadd.s32 v6, v58;
	v23 =	vor.u32 v45, v23;
	v32 =	vld.idx.msk [tilespmem:v32+s31+$0x0], $0xffff;
	v44 =	vsub.f32 v44, v57  }
0x16f: {  	v23 =	vadd.s32 v6, v23;
	v33 =	vld.idx.msk [tilespmem:v33+s31+$0x0], $0xffff;
	v22 =	vsub.f32 v22, v36;
	v43 =	vsub.f32 v60, v59  }
0x170: {  	v26 =	vld.idx.msk [tilespmem:v26+s31+$0x0], $0xffff;
	v16 =	vsub.f32 v16, v59;
	v17 =	vadd.s32 v6, v17;
	vm14 =	vgt.f32 v44, $9.999999960e-13  }
0x171: {  	v35 =	vld.idx.msk [tilespmem:v53+s31+$0x0], $0xffff;
	v25 =	vsub.f32 v63, v57;
	v21 =	vmul.f32 v21, v8;
	v48 =	vnsel vm14, $0x3F800000, v44;
	v49 =	vpop (erf)  }
0x172: {  	vm15 =	vgt.f32 v43, $9.999999960e-13;
	v34 =	vld.idx.msk [tilespmem:v54+s31+$0x0], $0xffff;
	(erf) = vrcp.f32 v48;
	v22 =	vmul.f32 v49, v22  }
0x173: {  	v52 =	vnsel vm15, $0x3F800000, v43;
	v53 =	vld.idx.msk [tilespmem:v38+s31+$0x0], $0xffff;
	v36 =	vsub.f32 v50, v41;
	v24 =	vsub.f32 v62, v55  }
0x174: {  	v32 =	vsub.f32 v32, v29;
	(erf) = vrcp.f32 v52;
	v22 =	vmax.f32 v22, $0.0e+00;
	v54 =	vpop (erf)  }
0x175: {  	v60 =	vsub.f32 v26, v27;
	v22 =	vmin.f32 v22, $1.000000000e+00;
	v24 =	vmul.f32 v54, v24;
	v55 =	vpop (erf)  }
0x176: {  	v20 =	vld.idx.msk [tilespmem:v20+s31+$0x0], $0xffff;
	v21 =	vadd.f32 v21, v7;
	v22 =	vnsel vm11, $0x0, v22;
	v36 =	vmul.f32 v55, v36  }
0x177: {  	v57 =	vld.idx.msk [tilespmem:v12+s31+$0x0], $0xffff;
	v56 =	vsub.f32 v34, v35;
	v22 =	vmul.f32 v22, v32;
	v24 =	vmax.f32 v24, $0.0e+00  }
0x178: {  	v61 =	vld [tilespmem:s1+$0x0];
	v58 =	vsub.f32 v53, v33;
	v12 =	vmax.f32 v36, $0.0e+00;
	v24 =	vmin.f32 v24, $1.000000000e+00  }
0x179: {  	[tilespmem:v19+s0+$0x0] =	vst.idx.msk $0xffff, v11;
	v22 =	vadd.f32 v22, v29;
	v12 =	vmin.f32 v12, $1.000000000e+00;
	v24 =	vnsel vm12, $0x0, v24  }
0x17a: {  	v62 =	vadd.s32 v6, v28;
	[tilespmem:v18+s0+$0x0] =	vst.idx.msk $0xffff, v21;
	v12 =	vnsel vm13, $0x0, v12;
	v19 =	vmul.f32 v24, v56  }
0x17b: {  	v21 =	vor.u32 v30, v31;
	v11 =	vpop (erf);
	v22 =	vmul.f32 v22, v8;
	v12 =	vmul.f32 v12, v58  }
0x17c: {  	v59 =	vld [tilespmem:s14+$0xFFFFFFE0];
	v20 =	vsub.f32 v20, v57;
	v11 =	vmul.f32 v11, v25;
	v19 =	vadd.f32 v19, v35  }
0x17d: {  	v40 =	vmul.f32 v61, v8;
	v61 =	vpop (erf);
	v22 =	vadd.f32 v22, v7;
	v12 =	vadd.f32 v12, v33  }
0x17e: {  	v11 =	vmax.f32 v11, $0.0e+00;
	v16 =	vmul.f32 v61, v16;
	v19 =	vmul.f32 v19, v8  }
0x17f: {  	s7 =	simm.s32 $0x51F0;
	v40 =	vadd.f32 v40, v7;
	v11 =	vmin.f32 v11, $1.000000000e+00;
	v12 =	vmul.f32 v12, v8;
	[tilespmem:v13+s0+$0x0] =	vst.idx.msk $0xffff, v22;
	v13 =	vld [tilespmem:s1+$0xFFFFFFE0]  }
0x180: {  	s26 =	simm.s32 $0x0;
	[tilespmem:v10+s0+$0x0] =	vst.idx.msk $0xffff, v14;
	v11 =	vnsel vm14, $0x0, v11;
	v10 =	vmax.f32 v16, $0.0e+00;
	v14 =	vadd.f32 v19, v7;
	v16 =	vld [tilespmem:s7+$0x20]  }
0x181: {  	v10 =	vmin.f32 v10, $1.000000000e+00;
	v22 =	vadd.s32 s26, v59;
	s1 =	simm.s32 $0x4470;
	v18 =	vadd.f32 v12, v7  }
0x182: {  	v11 =	vmul.f32 v11, v60;
	v10 =	vnsel vm15, $0x0, v10;
	v19 =	vshll.u32 v22, $0x3;
	v12 =	vld [tilespmem:s1+$0x20];
	[tilespmem:v62+s0+$0x0] =	vst.idx.msk $0xffff, v14  }
0x183: {  	v24 =	vand.u32 $0x7F, v22;
	v10 =	vmul.f32 v10, v20;
	v14 =	vand.u32 $0xFFFFFC00, v19;
	[tilespmem:v17+s0+$0x0] =	vst.idx.msk $0xffff, v18;
	v19 =	vld [tilespmem:s7+$0x10]  }
0x184: {  	v22 =	vadd.f32 v11, v27;
	v17 =	vld [tilespmem:s7+$0xFFFFFFF0];
	v63 =	vmul.f32 v13, v8;
	v13 =	vor.u32 v24, v14  }
0x185: {  	[tilespmem:v15+s0+$0x0] =	vst.idx.msk $0xffff, v51;
	v18 =	vadd.s32 v6, v21;
	v14 =	vld [tilespmem:s1+$0x10];
	v21 =	vadd.s32 s21, v16;
	v13 =	vadd.s32 v6, v13  }
0x186: {  	s28 =	simm.s32 $0x56C0;
	s14 =	simm.s32 $0x5;
	[tilespmem:v23+s0+$0x0] =	vst.idx.msk $0xffff, v40;
	s26 =	simm.s32 $0x5;
	v10 =	vadd.f32 v10, v57;
	v20 =	vld [tilespmem:s1+$0xFFFFFFF0];
	v11 =	vshll.u32 v21, $0x3;
	v15 =	vadd.f32 v63, v7  }
.LBB2_11:
0x187: {  	v23 =	vld [tilespmem:s28+$0xFFFFFFE0];
	v16 =	vmul.f32 v12, v8;
	v12 =	vand.u32 $0x7F, v21;
	s22 =	smov.u32 s26;
	s26 =	sadd.s32 $0x5, s26  }
0x188: {  	v21 =	vld [tilespmem:s28+$0x0];
	p1 =	slt.u32 s26, $0x3C;
	v22 =	vmul.f32 v22, v8;
	v19 =	vadd.s32 s12, v19  }
0x189: {  	v24 =	vld [tilespmem:s28+$0x20];
	v17 =	vadd.s32 s20, v17;
	v25 =	vand.u32 $0x7F, v19;
	v19 =	vshll.u32 v19, $0x3  }
0x18a: {  	v26 =	vld [tilespmem:s28+$0xFFFFFFF0];
	v27 =	vand.u32 $0x7F, v17;
	v17 =	vshll.u32 v17, $0x3;
	v19 =	vand.u32 $0xFFFFFC00, v19;
	[tilespmem:v13+s0+$0x0] =	vst.idx.msk $0xffff, v15  }
0x18b: {  	v28 =	vmul.f32 v20, v8;
	v13 =	vand.u32 $0xFFFFFC00, v17;
	v25 =	vor.u32 v25, v19  }
0x18c: {  	v29 =	vadd.s32 $0x1, v23;
	v15 =	vshll.u32 v23, $0x4;
	v17 =	vor.u32 v27, v13  }
0x18d: {  	s3 =	sadd.s32 $0xA, s22;
	vm0 =	vlt.s32 v29, $0x40;
	v27 =	vadd.s32 $0x1, v21;
	v20 =	vshll.u32 v21, $0x4;
	v30 =	vld [tilespmem:s28+$0x10]  }
0x18e: {  	s12 =	sadd.s32 $0x8, s22;
	v13 =	vor.u32 v0, v15;
	v15 =	vadd.s32 $0x1, v24;
	v19 =	vshll.u32 v24, $0x4  }
0x18f: {  	v31 =	vadd.s32 s12, v21;
	v24 =	vadd.s32 s3, v24;
	v32 =	vor.u32 v0, v19  }
0x190: {  	vm1 =	vlt.s32 v27, $0x40;
	v19 =	vshll.u32 v31, $0x3;
	vm2 =	vlt.s32 v15, $0x40  }
0x191: {  	v33 =	vadd.s32 v6, v17;
	v21 =	vshll.u32 v26, $0x4;
	v15 =	vnsel vm2, $0x40, v15  }
0x192: {  	s21 =	sadd.s32 $0x9, s22;
	v21 =	vor.u32 v0, v21;
	v15 =	vshll.u32 v15, $0x4;
	v17 =	vshll.u32 v30, $0x4  }
0x193: {  	v34 =	vadd.s32 $0x1, v30;
	v30 =	vadd.s32 s21, v30;
	v35 =	vor.u32 v0, v15  }
0x194: {  	v20 =	vor.u32 v0, v20;
	v15 =	vadd.s32 $0x1, v26;
	vm2 =	vlt.s32 v34, $0x40  }
0x195: {  	s3 =	sadd.s32 $0x7, s22;
	vm3 =	vlt.s32 v15, $0x40;
	v36 =	vor.u32 v0, v17;
	v34 =	vnsel vm2, $0x40, v34  }
0x196: {  	v17 =	vadd.s32 s3, v26;
	v15 =	vnsel vm3, $0x40, v15;
	v26 =	vshll.u32 v34, $0x4  }
0x197: {  	v15 =	vshll.u32 v15, $0x4;
	v34 =	vshll.u32 v17, $0x3;
	v26 =	vor.u32 v0, v26;
	v37 =	vld.idx.msk [tilespmem:v32+s30+$0x0], $0xffff  }
0x198: {  	v38 =	vor.u32 v0, v15;
	v15 =	vand.u32 $0x7F, v17;
	v17 =	vand.u32 $0xFFFFFC00, v34;
	v34 =	vld.idx.msk [tilespmem:v35+s30+$0x0], $0xffff  }
0x199: {  	v28 =	vadd.f32 v28, v7;
	v15 =	vor.u32 v15, v17;
	v17 =	vshll.u32 v30, $0x3;
	v39 =	vld.idx.msk [tilespmem:v20+s30+$0x0], $0xffff  }
0x19a: {  	v27 =	vnsel vm1, $0x40, v27;
	v30 =	vand.u32 $0x7F, v30;
	v17 =	vand.u32 $0xFFFFFC00, v17;
	v40 =	vld.idx.msk [tilespmem:v36+s30+$0x0], $0xffff  }
0x19b: {  	v22 =	vadd.f32 v22, v7;
	v27 =	vshll.u32 v27, $0x4;
	v17 =	vor.u32 v30, v17;
	v41 =	vld.idx.msk [tilespmem:v21+s30+$0x0], $0xffff  }
0x19c: {  	v25 =	vadd.s32 v6, v25;
	v29 =	vnsel vm0, $0x40, v29;
	v27 =	vor.u32 v0, v27;
	v30 =	vld.idx.msk [tilespmem:v26+s30+$0x0], $0xffff  }
0x19d: {  	v29 =	vshll.u32 v29, $0x4;
	v43 =	vand.u32 $0x7F, v24;
	v24 =	vshll.u32 v24, $0x3;
	v42 =	vld.idx.msk [tilespmem:v38+s30+$0x0], $0xffff;
	[tilespmem:v18+s0+$0x0] =	vst.idx.msk $0xffff, v22  }
0x19e: {  	s20 =	sadd.s32 $0x6, s22;
	v24 =	vand.u32 $0xFFFFFC00, v24;
	v18 =	vor.u32 v0, v29;
	v22 =	vsub.f32 v34, v37;
	[tilespmem:v33+s0+$0x0] =	vst.idx.msk $0xffff, v28;
	v28 =	vld [tilespmem:s7+$0x0]  }
0x19f: {  	v14 =	vmul.f32 v14, v8;
	v23 =	vadd.s32 s20, v23;
	v24 =	vor.u32 v43, v24;
	v29 =	vld [tilespmem:s1+$0x0]  }
0x1a0: {  	v34 =	vadd.s32 v6, v9;
	v33 =	vshll.u32 v23, $0x3;
	vm4 =	vgt.f32 v22, $9.999999960e-13  }
0x1a1: {  	v9 =	vand.u32 $0x7F, v23;
	v23 =	vand.u32 $0xFFFFFC00, v33;
	v22 =	vnsel vm4, $0x3F800000, v22;
	v33 =	vld.idx.msk [tilespmem:v27+s30+$0x0], $0xffff  }
0x1a2: {  	s19 =	sadd.s32 $0x50, s19;
	v9 =	vor.u32 v9, v23;
	v23 =	vsub.f32 v30, v40;
	v43 =	vld.idx.msk [tilespmem:v13+s30+$0x0], $0xffff;
	(erf) = vrcp.f32 v22  }
0x1a3: {  	v14 =	vadd.f32 v14, v7;
	v30 =	vsub.f32 v42, v41;
	v22 =	vld.idx.msk [tilespmem:v18+s30+$0x0], $0xffff;
	v28 =	vadd.s32 s11, v28;
	s11 =	smov.u32 s3  }
0x1a4: {  	vm3 =	vgt.f32 v23, $9.999999960e-13;
	v42 =	vld [tilespmem:s19+$0xFFFFFFE0];
	v44 =	vand.u32 $0x7F, v28;
	v28 =	vshll.u32 v28, $0x3  }
0x1a5: {  	vm2 =	vgt.f32 v30, $9.999999960e-13;
	v23 =	vnsel vm3, $0x3F800000, v23;
	v45 =	vld [tilespmem:s19+$0x20];
	v28 =	vand.u32 $0xFFFFFC00, v28;
	[tilespmem:v25+s0+$0x0] =	vst.idx.msk $0xffff, v14  }
0x1a6: {  	v14 =	vnsel vm2, $0x3F800000, v30;
	v25 =	vld [tilespmem:s19+$0x0];
	(erf) = vrcp.f32 v23;
	v23 =	vor.u32 v44, v28  }
0x1a7: {  	v28 =	vsub.f32 v33, v39;
	v30 =	vld [tilespmem:s19+$0x10];
	(erf) = vrcp.f32 v14;
	v14 =	vadd.s32 v6, v23  }
0x1a8: {  	v16 =	vadd.f32 v16, v7;
	v29 =	vmul.f32 v29, v8;
	v23 =	vand.u32 $0x7F, v31;
	v31 =	vld.idx.msk [tilespmem:v32+s31+$0x0], $0xffff  }
0x1a9: {  	v24 =	vadd.s32 v6, v24;
	v22 =	vsub.f32 v22, v43;
	vm0 =	vgt.f32 v28, $9.999999960e-13;
	v32 =	vld.idx.msk [tilespmem:v35+s31+$0x0], $0xffff  }
0x1aa: {  	v29 =	vadd.f32 v29, v7;
	v44 =	vnsel vm0, $0x3F800000, v28;
	v33 =	vld [tilespmem:s19+$0xFFFFFFF0];
	v35 =	vsub.f32 v45, v37  }
0x1ab: {  	v11 =	vand.u32 $0xFFFFFC00, v11;
	vm1 =	vgt.f32 v22, $9.999999960e-13;
	v36 =	vld.idx.msk [tilespmem:v36+s31+$0x0], $0xffff;
	(erf) = vrcp.f32 v44;
	v28 =	vpop (erf)  }
0x1ac: {  	v11 =	vor.u32 v12, v11;
	v22 =	vnsel vm1, $0x3F800000, v22;
	v26 =	vld.idx.msk [tilespmem:v26+s31+$0x0], $0xffff;
	v28 =	vmul.f32 v28, v35  }
0x1ad: {  	v11 =	vadd.s32 v6, v11;
	v12 =	vld.idx.msk [tilespmem:v21+s31+$0x0], $0xffff;
	v21 =	vsub.f32 v30, v40;
	(erf) = vrcp.f32 v22  }
0x1ae: {  	v19 =	vand.u32 $0xFFFFFC00, v19;
	v25 =	vsub.f32 v25, v39;
	v22 =	vld.idx.msk [tilespmem:v38+s31+$0x0], $0xffff;
	v28 =	vmax.f32 v28, $0.0e+00;
	[tilespmem:v14+s0+$0x0] =	vst.idx.msk $0xffff, v29  }
0x1af: {  	v14 =	vsub.f32 v33, v41;
	v29 =	vld.idx.msk [tilespmem:v20+s31+$0x0], $0xffff;
	v20 =	vmin.f32 v28, $1.000000000e+00;
	v28 =	vsub.f32 v32, v31;
	v30 =	vpop (erf)  }
0x1b0: {  	v10 =	vmul.f32 v10, v8;
	v27 =	vld.idx.msk [tilespmem:v27+s31+$0x0], $0xffff;
	v21 =	vmul.f32 v30, v21;
	v20 =	vnsel vm4, $0x0, v20;
	v30 =	vpop (erf)  }
0x1b1: {  	v32 =	vsub.f32 v42, v43;
	v13 =	vld.idx.msk [tilespmem:v13+s31+$0x0], $0xffff;
	v14 =	vmul.f32 v30, v14;
	v20 =	vmul.f32 v20, v28  }
0x1b2: {  	v10 =	vadd.f32 v10, v7;
	v26 =	vsub.f32 v26, v36;
	v28 =	vmax.f32 v21, $0.0e+00;
	[tilespmem:v11+s0+$0x0] =	vst.idx.msk $0xffff, v16  }
0x1b3: {  	v11 =	vld.idx.msk [tilespmem:v18+s31+$0x0], $0xffff;
	v14 =	vmax.f32 v14, $0.0e+00;
	v16 =	vmin.f32 v28, $1.000000000e+00;
	v18 =	vadd.f32 v20, v31  }
0x1b4: {  	v20 =	vsub.f32 v22, v12;
	v14 =	vmin.f32 v14, $1.000000000e+00;
	v16 =	vnsel vm3, $0x0, v16;
	v21 =	vpop (erf);
	[tilespmem:v34+s0+$0x0] =	vst.idx.msk $0xffff, v10  }
0x1b5: {  	v10 =	vnsel vm2, $0x0, v14;
	v14 =	vmul.f32 v16, v26;
	v16 =	vmul.f32 v18, v8;
	v18 =	vld [tilespmem:s7+$0xFFFFFFE0]  }
0x1b6: {  	v10 =	vmul.f32 v10, v20;
	v20 =	vmul.f32 v21, v25;
	v21 =	vsub.f32 v27, v29;
	v22 =	vpop (erf)  }
0x1b7: {  	s7 =	sadd.s32 $0x50, s7;
	v22 =	vmul.f32 v22, v32;
	v14 =	vadd.f32 v14, v36;
	v16 =	vadd.f32 v16, v7  }
0x1b8: {  	v17 =	vadd.s32 v6, v17;
	v10 =	vadd.f32 v10, v12;
	v12 =	vmax.f32 v20, $0.0e+00  }
0x1b9: {  	v15 =	vadd.s32 v6, v15;
	v11 =	vsub.f32 v11, v13;
	v14 =	vmul.f32 v14, v8  }
0x1ba: {  	v20 =	vmin.f32 v12, $1.000000000e+00;
	v10 =	vmul.f32 v10, v8;
	[tilespmem:v24+s0+$0x0] =	vst.idx.msk $0xffff, v16;
	v16 =	vld [tilespmem:s1+$0xFFFFFFE0];
	v12 =	vadd.s32 s14, v18;
	s14 =	smov.u32 s26  }
0x1bb: {  	v18 =	vmax.f32 v22, $0.0e+00;
	v14 =	vadd.f32 v14, v7;
	v22 =	vld [tilespmem:s7+$0x20];
	v24 =	vand.u32 $0x7F, v12  }
0x1bc: {  	s1 =	sadd.s32 $0x50, s1;
	v18 =	vmin.f32 v18, $1.000000000e+00;
	v25 =	vshll.u32 v12, $0x3;
	v10 =	vadd.f32 v10, v7  }
.Ltmp4:
0x1bd: {  	v19 =	vor.u32 v23, v19;
	v18 =	vnsel vm1, $0x0, v18;
	[tilespmem:v17+s0+$0x0] =	vst.idx.msk $0xffff, v14;
	v12 =	vld [tilespmem:s1+$0x20];
	v14 =	vand.u32 $0xFFFFFC00, v25;
	(pc) =	sbr.rel @p1 .LBB2_11-.Ltmp4, $4  }
0x1be: {  	v11 =	vmul.f32 v18, v11;
	v18 =	vadd.s32 v6, v19;
	[tilespmem:v15+s0+$0x0] =	vst.idx.msk $0xffff, v10;
	v10 =	vnsel vm0, $0x0, v20;
	v19 =	vld [tilespmem:s7+$0x10]  }
0x1bf: {  	v20 =	vor.u32 v24, v14;
	v17 =	vld [tilespmem:s7+$0xFFFFFFF0];
	v15 =	vmul.f32 v10, v21;
	v16 =	vmul.f32 v16, v8  }
0x1c0: {  	v10 =	vadd.f32 v11, v13;
	v13 =	vadd.s32 v6, v20;
	v14 =	vld [tilespmem:s1+$0x10];
	v21 =	vadd.s32 s21, v22  }
0x1c1: {  	s28 =	sadd.s32 $0x50, s28;
	v20 =	vld [tilespmem:s1+$0xFFFFFFF0];
	v22 =	vadd.f32 v15, v29;
	v11 =	vshll.u32 v21, $0x3;
	v15 =	vadd.f32 v16, v7  }
0x1c2: {  	_ = 	snop  }
0x1c3: {  	v9 =	vadd.s32 v6, v9;
	v16 =	vmul.f32 v22, v8  }
0x1c4: {  	v10 =	vmul.f32 v10, v8  }
0x1c5: {  	v16 =	vadd.f32 v16, v7  }
0x1c6: {  	v10 =	vadd.f32 v10, v7  }
0x1c7: {  	v12 =	vmul.f32 v12, v8;
	[tilespmem:v18+s0+$0x0] =	vst.idx.msk $0xffff, v16  }
0x1c8: {  	v11 =	vand.u32 $0xFFFFFC00, v11;
	v17 =	vadd.s32 s20, v17;
	v18 =	vadd.s32 s12, v19;
	[tilespmem:v9+s0+$0x0] =	vst.idx.msk $0xffff, v10;
	v16 =	vld [tilespmem:s7+$0x0]  }
0x1c9: {  	v14 =	vmul.f32 v14, v8;
	v59 =	vand.u32 $0x7F, v18;
	v9 =	vshll.u32 v18, $0x3;
	v18 =	vld [tilespmem:s7+$0xFFFFFFE0]  }
0x1ca: {  	v19 =	vand.u32 $0x7F, v21;
	v10 =	vand.u32 $0x7F, v17;
	v17 =	vshll.u32 v17, $0x3  }
0x1cb: {  	v20 =	vmul.f32 v20, v8;
	v17 =	vand.u32 $0xFFFFFC00, v17;
	v11 =	vor.u32 v19, v11  }
0x1cc: {  	v9 =	vand.u32 $0xFFFFFC00, v9;
	v10 =	vor.u32 v10, v17;
	v11 =	vadd.s32 v6, v11  }
0x1cd: {  	v60 =	vld [tilespmem:s1+$0x0];
	v9 =	vor.u32 v59, v9;
	v10 =	vadd.s32 v6, v10;
	v16 =	vadd.s32 s11, v16  }
0x1ce: {  	v62 =	vld [tilespmem:s1+$0xFFFFFFE0];
	v9 =	vadd.s32 v6, v9;
	v18 =	vadd.s32 s14, v18;
	v61 =	vshll.u32 v16, $0x3  }
0x1cf: {  	v16 =	vand.u32 $0x7F, v16;
	v63 =	vshll.u32 v18, $0x3;
	v21 =	vand.u32 $0xFFFFFC00, v61  }
0x1d0: {  	[tilespmem:v13+s0+$0x0] =	vst.idx.msk $0xffff, v15;
	v18 =	vand.u32 $0x7F, v18;
	v19 =	vand.u32 $0xFFFFFC00, v63;
	v16 =	vor.u32 v16, v21  }
0x1d1: {  	v13 =	vadd.f32 v14, v7;
	v18 =	vor.u32 v18, v19;
	v16 =	vadd.s32 v6, v16  }
0x1d2: {  	v17 =	vadd.f32 v20, v7;
	v20 =	vmul.f32 v60, v8;
	v14 =	vadd.s32 v6, v18  }
0x1d3: {  	v8 =	vmul.f32 v62, v8;
	[tilespmem:v9+s0+$0x0] =	vst.idx.msk $0xffff, v13;
	v9 =	vadd.f32 v12, v7  }
0x1d4: {  	[tilespmem:v10+s0+$0x0] =	vst.idx.msk $0xffff, v17;
	v10 =	vadd.f32 v20, v7  }
0x1d5: {  	v7 =	vadd.f32 v8, v7;
	[tilespmem:v11+s0+$0x0] =	vst.idx.msk $0xffff, v9  }
0x1d6: {  	s7 =	sshll.u32 s15, $0xA;
	[tilespmem:v16+s0+$0x0] =	vst.idx.msk $0xffff, v10  }
0x1d7: {  	s1 =	sadd.s32 s7, s13;
	s11 =	simm.s32 $0x2;
	[tilespmem:v14+s0+$0x0] =	vst.idx.msk $0xffff, v7  }
0x1d8: {  	[hbm4b:s1+s2] =	stream.linear.scatter [tilespmem:s0], [sflag:$0x7], $0x1000, $0x38;
	[tilespmem:$0x7F00] =	vst v63  }
0x1d9: {  	_ =	swait.ge [sflag:s11], $0x800  }
0x1da: {  	[sflag:s11] =	ssyncset.done $0x0  }
0x1db: {  	s12 =	simm.s32 $0x4;
	[sflag:s11] =	ssyncadd.s32 $0xFFFFF800  }
0x1dc: {  	_ =	swait.ge [sflag:s12], $0x800  }
0x1dd: {  	[sflag:s12] =	ssyncset.done $0x0  }
0x1de: {  	[sflag:s12] =	ssyncadd.s32 $0xFFFFF800  }
0x1df: {  	_ =	swait.ge [sflag:s8], $0x800  }
0x1e0: {  	[sflag:s8] =	ssyncset.done $0x0  }
0x1e1: {  	[sflag:s8] =	ssyncadd.s32 $0xFFFFF800  }
0x1e2: {  	s10 =	sor.u32 $0x1, s10;
	_ =	swait.ge [sflag:s8], $0x800  }
0x1e3: {  	p1 =	sgt.u32 s10, $0x3E;
	s1 =	rddreg [dreg:$0x9]  }
0x1e4: {  	s1 =	sadd.s32 @!p1 s17, s1  }
0x1e5: {  	s28 =	smov.u32 s16;
	[sflag:s8] =	ssyncset.done $0x0;
	s1 =	sshll.u32 @!p1 s1, $0x4  }
0x1e6: {  	s7 =	simm.s32 @!p1 $0x0;
	[sflag:s8] =	ssyncadd.s32 $0xFFFFF800;
	s3 =	sadd.s32 @!p1 s16, s1  }
0x1e7: {  	[tilespmem:s7], [sflag:$0x1] =	stream.linear.gather @!p1 [hbm4b:s3+s7], $0x800, $0x38;
	[tilespmem:$0x7F00] =	vst v63  }
0x1e8: {  	s14 =	simm.s32 $0x0;
	s11 =	simm.s32 @!p1 $0x1000;
	s3 =	sadd.s32 @!p1 s4, s1  }
0x1e9: {  	v7 =	vmov s14;
	[tilespmem:s11], [sflag:$0x3] =	stream.linear.gather @!p1 [hbm4b:s3+s7], $0x800, $0x38;
	[tilespmem:$0x7F00] =	vst v63  }
0x1ea: {  	v7 =	vand.u32 $0x7C, v7;
	s16 =	simm.s32 $0x1;
	s3 =	sadd.s32 @!p1 s5, s1;
	s11 =	simm.s32 @!p1 $0x2000  }
0x1eb: {  	v7 =	vbroadcast v7, $0x0;
	v8 =	vmov s16;
	[tilespmem:s11], [sflag:$0x5] =	stream.linear.gather @!p1 [hbm4b:s3+s7], $0x800, $0x38;
	[tilespmem:$0x7F00] =	vst v63  }
0x1ec: {  	s17 =	simm.s32 $0x2;
	v8 =	vand.u32 $0x7D, v8;
	s1 =	sadd.s32 @!p1 s6, s1;
	s3 =	simm.s32 @!p1 $0x2800  }
0x1ed: {  	v7 =	vor.u32 v1, v7;
	v9 =	vmov s17;
	v8 =	vbroadcast v8, $0x0;
	[tilespmem:s3], [sflag:$0x5] =	stream.linear.gather @!p1 [hbm4b:s1+s7], $0x800, $0x38;
	[tilespmem:$0x7F00] =	vst v63  }
0x1ee: {  	s19 =	simm.s32 $0x3;
	v9 =	vand.u32 $0x7E, v9;
	s3 =	simm.s32 @!p0 $0x8  }
0x1ef: {  	s20 =	simm.s32 $0x4;
	v10 =	vmov s19;
	v9 =	vbroadcast v9, $0x0;
	v8 =	vor.u32 v1, v8;
	_ =	swait.ge @!p0 [sflag:s3], $0x1000  }
0x1f0: {  	v11 =	vmov s20;
	v10 =	vand.u32 $0x7F, v10;
	[sflag:s3] =	ssyncset.done @!p0 $0x0  }
0x1f1: {  	s21 =	simm.s32 $0x5;
	v11 =	vand.u32 $0x7C, v11;
	v10 =	vbroadcast v10, $0x0;
	v9 =	vor.u32 v1, v9;
	[sflag:s3] =	ssyncadd.s32 @!p0 $0xFFFFF000  }
0x1f2: {  	v12 =	vmov s21;
	v11 =	vbroadcast v11, $0x0;
	v7 =	vld.idx.msk [tilespmem:v7+s24+$0x0], $0xffff  }
0x1f3: {  	s22 =	simm.s32 $0x6;
	v15 =	vor.u32 v1, v10;
	v10 =	vand.u32 $0x7D, v12  }
0x1f4: {  	v13 =	vor.u32 v1, v11;
	v12 =	vmov s22;
	v16 =	vbroadcast v10, $0x0;
	v10 =	vld.idx.msk [tilespmem:v8+s24+$0x0], $0xffff  }
0x1f5: {  	s26 =	simm.s32 $0x7;
	v12 =	vand.u32 $0x7E, v12  }
0x1f6: {  	v12 =	vbroadcast v12, $0x0;
	v11 =	vor.u32 v1, v16;
	v8 =	vmov s26;
	v9 =	vld.idx.msk [tilespmem:v9+s24+$0x0], $0xffff  }
0x1f7: {  	v14 =	vimm.f32 $0.0e+00;
	s7 =	simm.s32 $0x8;
	v17 =	vand.u32 $0x7F, v8;
	v7 =	vadd.f32 $9.999999770e-03, v7  }
0x1f8: {  	v12 =	vor.u32 v1, v12;
	s1 =	simm.s32 $0x4020;
	v16 =	vmov s7;
	s3 =	simm.s32 $0xC;
	v8 =	vld.idx.msk [tilespmem:v15+s24+$0x0], $0xffff;
	v15 =	vbroadcast v17, $0x0  }
.LBB2_13:
0x1f9: {  	p0 =	slt.u32 s3, $0x3C;
	v16 =	vand.u32 $0x7C, v16;
	s11 =	sadd.s32 $0x1, s7;
	v17 =	vld.idx.msk [tilespmem:v13+s24+$0x0], $0xffff;
	[tilespmem:s1+$0xFFFFFFE0] =	vst v7;
	v7 =	vadd.f32 v7, v14;
	v13 =	vadd.f32 $9.999999770e-03, v10  }
0x1fa: {  	v14 =	vbroadcast v16, $0x0;
	v10 =	vmov s11;
	v15 =	vor.u32 v1, v15  }
0x1fb: {  	s11 =	sadd.s32 $0x2, s7;
	v16 =	vand.u32 $0x7D, v10;
	v10 =	vld.idx.msk [tilespmem:v11+s24+$0x0], $0xffff;
	[tilespmem:s1+$0xFFFFFFF0] =	vst v13;
	v7 =	vadd.f32 v13, v7;
	v11 =	vadd.f32 $9.999999770e-03, v9  }
.Ltmp5:
0x1fc: {  	v9 =	vmov s11;
	v13 =	vor.u32 v1, v14;
	v14 =	vbroadcast v16, $0x0;
	(pc) =	sbr.rel @p0 .LBB2_13-.Ltmp5, $4  }
0x1fd: {  	s11 =	sadd.s32 $0x3, s7;
	s7 =	smov.u32 s3;
	v16 =	vand.u32 $0x7E, v9;
	v18 =	vadd.f32 $9.999999770e-03, v8;
	v9 =	vld.idx.msk [tilespmem:v12+s24+$0x0], $0xffff;
	[tilespmem:s1+$0x0] =	vst v11;
	v12 =	vadd.f32 v11, v7  }
0x1fe: {  	v19 =	vbroadcast v16, $0x0;
	v7 =	vmov s11;
	v11 =	vor.u32 v1, v14  }
0x1ff: {  	v20 =	vand.u32 $0x7F, v7;
	v7 =	vadd.f32 $9.999999770e-03, v17;
	v8 =	vld.idx.msk [tilespmem:v15+s24+$0x0], $0xffff;
	[tilespmem:s1+$0x10] =	vst v18;
	v14 =	vadd.f32 v18, v12  }
0x200: {  	s3 =	sadd.s32 $0x4, s3;
	v16 =	vmov s7;
	v12 =	vor.u32 v1, v19;
	v15 =	vbroadcast v20, $0x0;
	s1 =	sadd.s32 $0x40, s1  }
0x201: {  	_ =	sdelay $0x1  }
0x202: {  	v16 =	vand.u32 $0x7C, v16  }
0x203: {  	s3 =	sadd.s32 $0x1, s7;
	v14 =	vadd.f32 v7, v14;
	v10 =	vadd.f32 $9.999999770e-03, v10;
	v16 =	vbroadcast v16, $0x0  }
0x204: {  	v13 =	vld.idx.msk [tilespmem:v13+s24+$0x0], $0xffff;
	s20 =	sadd.s32 $0x2, s7;
	s21 =	sadd.s32 $0x3, s7;
	v17 =	vmov s3;
	v15 =	vor.u32 v1, v15;
	v9 =	vadd.f32 $9.999999770e-03, v9  }
0x205: {  	v18 =	vmov s20;
	v19 =	vmov s21;
	v14 =	vadd.f32 v10, v14  }
0x206: {  	v11 =	vld.idx.msk [tilespmem:v11+s24+$0x0], $0xffff;
	v17 =	vand.u32 $0x7D, v17;
	v18 =	vand.u32 $0x7E, v18;
	v16 =	vor.u32 v1, v16  }
0x207: {  	v17 =	vbroadcast v17, $0x0;
	v8 =	vadd.f32 $9.999999770e-03, v8;
	v14 =	vadd.f32 v9, v14  }
0x208: {  	v12 =	vld.idx.msk [tilespmem:v12+s24+$0x0], $0xffff;
	v19 =	vand.u32 $0x7F, v19;
	v18 =	vbroadcast v18, $0x0  }
0x209: {  	v17 =	vor.u32 v1, v17;
	v13 =	vadd.f32 $9.999999770e-03, v13;
	v14 =	vadd.f32 v8, v14  }
0x20a: {  	v19 =	vbroadcast v19, $0x0;
	v15 =	vld.idx.msk [tilespmem:v15+s24+$0x0], $0xffff  }
0x20b: {  	v18 =	vor.u32 v1, v18;
	v11 =	vadd.f32 $9.999999770e-03, v11;
	v14 =	vadd.f32 v13, v14  }
0x20c: {  	v16 =	vld.idx.msk [tilespmem:v16+s24+$0x0], $0xffff  }
0x20d: {  	v19 =	vor.u32 v1, v19;
	v12 =	vadd.f32 $9.999999770e-03, v12;
	v14 =	vadd.f32 v11, v14  }
0x20e: {  	v17 =	vld.idx.msk [tilespmem:v17+s24+$0x0], $0xffff  }
0x20f: {  	v15 =	vadd.f32 $9.999999770e-03, v15;
	v14 =	vadd.f32 v12, v14  }
0x210: {  	v18 =	vld.idx.msk [tilespmem:v18+s24+$0x0], $0xffff  }
0x211: {  	[tilespmem:s1+$0xFFFFFFE0] =	vst v7;
	v7 =	vadd.f32 $9.999999770e-03, v16;
	v14 =	vadd.f32 v15, v14  }
0x212: {  	[tilespmem:s1+$0xFFFFFFF0] =	vst v10;
	v10 =	vld.idx.msk [tilespmem:v19+s24+$0x0], $0xffff  }
0x213: {  	[tilespmem:s1+$0x0] =	vst v9;
	v9 =	vadd.f32 v7, v14;
	v14 =	vadd.f32 $9.999999770e-03, v17;
	_ =	sdelay $0x1  }
0x214: {  	s22 =	sadd.s32 $0x40, s1;
	[tilespmem:s1+$0x10] =	vst v8;
	v8 =	vadd.f32 v14, v9;
	v9 =	vadd.f32 $9.999999770e-03, v18  }
0x215: {  	[tilespmem:s22+$0xFFFFFFE0] =	vst v13  }
0x216: {  	[tilespmem:s22+$0xFFFFFFF0] =	vst v11;
	v10 =	vadd.f32 $9.999999770e-03, v10;
	v8 =	vadd.f32 v9, v8  }
0x217: {  	s1 =	sadd.s32 $0x40, s22;
	[tilespmem:s22+$0x0] =	vst v12  }
0x218: {  	[tilespmem:s1+$0xFFFFFFE0] =	vst v7;
	v7 =	vadd.f32 v10, v8  }
0x219: {  	[tilespmem:s22+$0x10] =	vst v15  }
0x21a: {  	[tilespmem:s1+$0x10] =	vst v10;
	v8 =	vsub.f32 $9.999999740e-06, v7  }
0x21b: {  	[tilespmem:s1+$0xFFFFFFF0] =	vst v14  }
0x21c: {  	[tilespmem:s1+$0x0] =	vst v9;
	v9 =	vimm.f32 $0.0e+00;
	v8 =	vmax.f32 v8, $0.0e+00  }
0x21d: {  	[tilespmem:$0x4880] =	vst v9;
	v7 =	vadd.f32 v8, v7  }
0x21e: {  	s26 =	simm.s32 $0x4020;
	[tilespmem:$0x5100] =	vst v2  }
0x21f: {  	v10 =	vld [tilespmem:s26+$0xFFFFFFE0];
	(erf) = vrcp.f32 v7;
	_ =	sdelay $0x4  }
0x220: {  	v11 =	vld [tilespmem:s26+$0xFFFFFFF0];
	v7 =	vmul.f32 $1.562500000e-02, v8;
	v8 =	vadd.f32 v10, v9;
	_ =	sdelay $0x2  }
0x221: {  	v9 =	vadd.f32 v8, v7  }
0x222: {  	v10 =	vld [tilespmem:s26+$0x0];
	v8 =	vpop (erf)  }
0x223: {  	v11 =	vadd.f32 v11, v9;
	v9 =	vmul.f32 v9, v8;
	_ =	sdelay $0x1  }
0x224: {  	s1 =	simm.s32 $0x48A0;
	v11 =	vadd.f32 v11, v7;
	v9 =	vmin.f32 v9, $1.000000000e+00  }
0x225: {  	[tilespmem:s1+$0xFFFFFFF0] =	vst v9;
	v9 =	vld [tilespmem:s26+$0x10]  }
0x226: {  	v12 =	vmul.f32 v11, v8;
	v11 =	vadd.f32 v10, v11  }
0x227: {  	s7 =	simm.s32 $0x4D20;
	s11 =	simm.s32 $0x0;
	v10 =	vimm.s32 $0x0  }
0x228: {  	s12 =	simm.s32 $0x4060;
	s16 =	simm.s32 $0x3000;
	s3 =	simm.s32 $0x48A0;
	v12 =	vmin.f32 v12, $1.000000000e+00;
	v11 =	vadd.f32 v11, v7;
	[tilespmem:s7+$0xFFFFFFE0] =	vst v10  }
.LBB2_15:
0x229: {  	v13 =	vld [tilespmem:s12+$0xFFFFFFE0];
	s11 =	sadd.s32 $0x4, s11;
	[tilespmem:s3+$0x0] =	vst v12  }
0x22a: {  	p0 =	slt.u32 s11, $0x3C;
	[tilespmem:s7+$0xFFFFFFF0] =	vst v10;
	v12 =	vmul.f32 v11, v8;
	v9 =	vadd.f32 v9, v11;
	_ =	sdelay $0x1  }
0x22b: {  	v11 =	vmin.f32 v12, $1.000000000e+00;
	v9 =	vadd.f32 v9, v7  }
0x22c: {  	v12 =	vld [tilespmem:s12+$0xFFFFFFF0];
	[tilespmem:s3+$0x10] =	vst v11  }
0x22d: {  	v11 =	vadd.f32 v13, v9;
	[tilespmem:s7+$0x0] =	vst v10;
	v9 =	vmul.f32 v9, v8;
	_ =	sdelay $0x1  }
0x22e: {  	v11 =	vadd.f32 v11, v7;
	v9 =	vmin.f32 v9, $1.000000000e+00  }
0x22f: {  	v13 =	vld [tilespmem:s12+$0x0];
	[tilespmem:s3+$0x20] =	vst v9  }
0x230: {  	v9 =	vmul.f32 v11, v8;
	v11 =	vadd.f32 v12, v11;
	[tilespmem:s7+$0x10] =	vst v10;
	_ =	sdelay $0x1  }
.Ltmp6:
0x231: {  	s3 =	sadd.s32 $0x40, s3;
	v9 =	vmin.f32 v9, $1.000000000e+00;
	v11 =	vadd.f32 v11, v7;
	(pc) =	sbr.rel @p0 .LBB2_15-.Ltmp6, $3  }
0x232: {  	s7 =	sadd.s32 $0x40, s7;
	[tilespmem:s3+$0xFFFFFFF0] =	vst v9;
	v9 =	vld [tilespmem:s12+$0x10]  }
0x233: {  	[tilespmem:s7+$0xFFFFFFE0] =	vst v10;
	v12 =	vmul.f32 v11, v8;
	v11 =	vadd.f32 v13, v11;
	_ =	sdelay $0x1  }
0x234: {  	s12 =	sadd.s32 $0x40, s12;
	v12 =	vmin.f32 v12, $1.000000000e+00;
	v11 =	vadd.f32 v11, v7  }
0x235: {  	_ = 	snop  }
0x236: {  	v9 =	vadd.f32 v9, v11;
	_ =	sdelay $0x1  }
0x237: {  	v11 =	vmul.f32 v11, v8;
	v7 =	vadd.f32 v9, v7  }
0x238: {  	[tilespmem:s3+$0x0] =	vst v12;
	s14 =	simm.s32 $0x2  }
0x239: {  	s12 =	simm.s32 $0x0;
	[tilespmem:s7+$0xFFFFFFF0] =	vst v10;
	v9 =	vmin.f32 v11, $1.000000000e+00;
	v7 =	vmul.f32 v7, v8;
	v8 =	vor.u32 s14, v1  }
0x23a: {  	s11 =	simm.s32 $0x3;
	v11 =	vor.u32 s12, v1;
	[tilespmem:s3+$0x10] =	vst v9  }
0x23b: {  	v9 =	vor.u32 s11, v1;
	[tilespmem:s7+$0x0] =	vst v10;
	v7 =	vmin.f32 v7, $1.000000000e+00  }
0x23c: {  	s19 =	simm.s32 $0x1;
	[tilespmem:s3+$0x20] =	vst v7  }
0x23d: {  	v7 =	vor.u32 s19, v1;
	[tilespmem:s7+$0x10] =	vst v10  }
0x23e: {  	v8 =	vld.idx.msk [tilespmem:v8+s25+$0x0], $0xffff  }
0x23f: {  	v11 =	vld.idx.msk [tilespmem:v11+s25+$0x0], $0xffff  }
0x240: {  	v9 =	vld.idx.msk [tilespmem:v9+s25+$0x0], $0xffff;
	_ =	sdelay $0x1  }
0x241: {  	s22 =	simm.s32 $0x4420;
	v7 =	vld.idx.msk [tilespmem:v7+s25+$0x0], $0xffff  }
0x242: {  	[tilespmem:s22+$0x0] =	vst v8  }
0x243: {  	[tilespmem:s22+$0xFFFFFFE0] =	vst v11;
	v8 =	vld [tilespmem:s1+$0x0]  }
0x244: {  	[tilespmem:s22+$0x10] =	vst v9;
	v12 =	vld [tilespmem:s1+$0xFFFFFFE0]  }
0x245: {  	v9 =	vld [tilespmem:s1+$0x10]  }
0x246: {  	[tilespmem:s22+$0xFFFFFFF0] =	vst v7  }
0x247: {  	s26 =	simm.s32 $0x6;
	v11 =	vld [tilespmem:s1+$0xFFFFFFF0]  }
0x248: {  	vm0 =	vlt.s32 v10, $0x40;
	v13 =	vmov s14;
	v17 =	vmov s26  }
0x249: {  	v18 =	vor.u32 s26, v1;
	s14 =	simm.s32 $0x7;
	v14 =	vadd.f32 $-7.692307700e-03, v8;
	v12 =	vadd.f32 $-7.692307700e-03, v12  }
0x24a: {  	v16 =	vor.u32 s14, v1;
	v7 =	vnsel vm0, $0x40, v10;
	s1 =	simm.s32 $0x5;
	v9 =	vadd.f32 $-7.692307700e-03, v9  }
0x24b: {  	v15 =	vor.u32 s1, v1;
	v14 =	vmul.f32 $6.500000000e+01, v14;
	v12 =	vmul.f32 $6.500000000e+01, v12  }
0x24c: {  	s7 =	simm.s32 $0x4;
	v8 =	vadd.s32 $0xFFFFFFFF, v13;
	v9 =	vmul.f32 $6.500000000e+01, v9;
	v11 =	vadd.f32 $-7.692307700e-03, v11  }
0x24d: {  	v13 =	vor.u32 s7, v1;
	v19 =	vtrunc.f32 v14;
	v21 =	vtrunc.f32 v12  }
0x24e: {  	v11 =	vmul.f32 $6.500000000e+01, v11;
	v20 =	vcvt.f32.s32 v19;
	vm0 =	vgt.f32 v14, v19  }
0x24f: {  	v19 =	vtrunc.f32 v9;
	v23 =	vcvt.f32.s32 v21;
	v14 =	vsel vm0, $0x1, v2  }
0x250: {  	v18 =	vld.idx.msk [tilespmem:v18+s25+$0x0], $0xffff;
	vm3 =	vgt.f32 v12, v21;
	vm0 =	vgt.f32 v9, v19;
	v14 =	vadd.s32 v20, v14  }
0x251: {  	v16 =	vld.idx.msk [tilespmem:v16+s25+$0x0], $0xffff;
	v20 =	vcvt.f32.s32 v19;
	v19 =	vtrunc.f32 v11;
	v9 =	vsel vm0, $0x1, v2  }
0x252: {  	vm0 =	vlt.s32 v14, $0x40;
	v22 =	vcvt.f32.s32 v19;
	vm1 =	vgt.f32 v11, v19  }
0x253: {  	v15 =	vld.idx.msk [tilespmem:v15+s25+$0x0], $0xffff;
	v9 =	vadd.s32 v20, v9;
	v20 =	vnsel vm0, $0x40, v14;
	v12 =	vsel vm1, $0x1, v2  }
0x254: {  	s20 =	simm.s32 $0x4460;
	v20 =	vshll.u32 v20, $0x4;
	vm0 =	vgt.s32 v9, v14;
	vm2 =	vlt.s32 v9, $0x40  }
0x255: {  	[tilespmem:s20+$0x0] =	vst v18;
	v21 =	vadd.s32 v22, v12;
	v12 =	vmov s11;
	v11 =	vor.u32 v0, v20  }
0x256: {  	s21 =	simm.s32 $0x48E0;
	s17 =	simm.s32 $0x51A0;
	[tilespmem:s20+$0x10] =	vst v16;
	v22 =	vld.idx.msk [tilespmem:v13+s25+$0x0], $0xffff;
	v19 =	vnsel vm2, $0x40, v9;
	v20 =	vsel vm3, $0x1, v2;
	vm1 =	vlt.s32 v21, $0x40  }
0x257: {  	v16 =	vld [tilespmem:s21+$0x0];
	[tilespmem:s17+$0x0] =	vst v14;
	v12 =	vadd.s32 $0xFFFFFFFF, v12;
	v20 =	vadd.s32 v23, v20;
	v13 =	vnsel vm1, $0x40, v21  }
0x258: {  	[tilespmem:s20+$0xFFFFFFF0] =	vst v15;
	v18 =	vshll.u32 v19, $0x4;
	vm2 =	vlt.s32 v20, $0x40;
	v13 =	vshll.u32 v13, $0x4  }
0x259: {  	[tilespmem:s17+$0x10] =	vst v9;
	vm1 =	vgt.s32 v21, v20;
	v19 =	vnsel vm2, $0x40, v20;
	vm2 =	vgt.s32 v14, v21  }
0x25a: {  	v23 =	vld [tilespmem:s21+$0x10];
	[tilespmem:v11+s29+$0x0] =	vst.idx.msk vm0, v12;
	v11 =	vshll.u32 v19, $0x4;
	v12 =	vor.u32 v0, v13;
	vm0 =	vgt.s32 v20, v10  }
0x25b: {  	[tilespmem:s20+$0xFFFFFFE0] =	vst v22;
	v10 =	vor.u32 v0, v18;
	v19 =	vmov s12;
	v18 =	vld [tilespmem:s21+$0xFFFFFFF0];
	v13 =	vor.u32 v0, v11  }
0x25c: {  	v7 =	vshll.u32 v7, $0x4;
	s11 =	simm.s32 $0x8;
	[tilespmem:s17+$0xFFFFFFF0] =	vst v21;
	v21 =	vadd.f32 $-7.692307700e-03, v16;
	v14 =	vadd.s32 $0xFFFFFFFF, v19;
	v19 =	vld [tilespmem:s21+$0xFFFFFFE0]  }
0x25d: {  	v7 =	vor.u32 v0, v7;
	v15 =	vor.u32 s11, v1;
	v16 =	vmov s19;
	s19 =	simm.s32 $0xB  }
0x25e: {  	[tilespmem:s17+$0xFFFFFFE0] =	vst v20;
	v16 =	vadd.s32 $0xFFFFFFFF, v16;
	s12 =	simm.s32 $0x9;
	v20 =	vor.u32 s19, v1;
	v21 =	vmul.f32 $6.500000000e+01, v21  }
0x25f: {  	s26 =	simm.s32 $0xA;
	s22 =	simm.s32 $0xC;
	v11 =	vadd.s32 $0xFFFFFFFF, v17;
	v17 =	vor.u32 s12, v1;
	v22 =	vadd.f32 $-7.692307700e-03, v23  }
.LBB2_17:
0x260: {  	p0 =	slt.u32 s22, $0x3C;
	v23 =	vmov s26;
	v24 =	vor.u32 s26, v1;
	v18 =	vadd.f32 $-7.692307700e-03, v18;
	[tilespmem:v13+s29+$0x0] =	vst.idx.msk vm1, v16  }
0x261: {  	v13 =	vadd.f32 $-7.692307700e-03, v19;
	v16 =	vtrunc.f32 v21;
	v19 =	vmul.f32 $6.500000000e+01, v22;
	[tilespmem:v12+s29+$0x0] =	vst.idx.msk vm2, v8;
	v8 =	vmovc v11  }
0x262: {  	v11 =	vmul.f32 $6.500000000e+01, v18;
	v12 =	vcvt.f32.s32 v16;
	vm1 =	vgt.f32 v21, v16;
	[tilespmem:v7+s29+$0x0] =	vst.idx.msk vm0, v14;
	v7 =	vmovc v10  }
0x263: {  	v10 =	vmul.f32 $6.500000000e+01, v13;
	v13 =	vsel vm1, $0x1, v2;
	v14 =	vtrunc.f32 v19  }
0x264: {  	v16 =	vld.idx.msk [tilespmem:v20+s25+$0x0], $0xffff;
	v20 =	vadd.s32 v12, v13;
	v12 =	vcvt.f32.s32 v14;
	vm0 =	vgt.f32 v19, v14  }
0x265: {  	v14 =	vtrunc.f32 v11;
	v13 =	vld.idx.msk [tilespmem:v24+s25+$0x0], $0xffff;
	v18 =	vsel vm0, $0x1, v2;
	vm0 =	vlt.s32 v20, $0x40  }
0x266: {  	v19 =	vtrunc.f32 v10;
	v21 =	vadd.s32 v12, v18;
	v12 =	vnsel vm0, $0x40, v20  }
0x267: {  	v18 =	vcvt.f32.s32 v14;
	v12 =	vshll.u32 v12, $0x4;
	vm0 =	vgt.s32 v21, v20  }
0x268: {  	vm1 =	vgt.f32 v11, v14;
	v22 =	vcvt.f32.s32 v19;
	v17 =	vld.idx.msk [tilespmem:v17+s25+$0x0], $0xffff;
	v11 =	vor.u32 v0, v12  }
0x269: {  	s20 =	sadd.s32 $0x40, s20;
	vm3 =	vgt.f32 v10, v19;
	v10 =	vsel vm1, $0x1, v2;
	vm2 =	vlt.s32 v21, $0x40;
	v14 =	vld.idx.msk [tilespmem:v15+s25+$0x0], $0xffff  }
0x26a: {  	v12 =	vnsel vm2, $0x40, v21;
	v15 =	vsel vm3, $0x1, v2;
	[tilespmem:s20+$0x10] =	vst v16;
	v16 =	vadd.s32 v18, v10  }
0x26b: {  	s21 =	sadd.s32 $0x40, s21;
	s17 =	sadd.s32 $0x40, s17;
	v22 =	vadd.s32 v22, v15;
	v10 =	vmov s14;
	s14 =	smov.u32 s19;
	[tilespmem:s20+$0x0] =	vst v13;
	vm1 =	vlt.s32 v16, $0x40  }
0x26c: {  	vm2 =	vlt.s32 v22, $0x40;
	v10 =	vadd.s32 $0xFFFFFFFF, v10;
	v24 =	vld [tilespmem:s21+$0x0];
	v13 =	vnsel vm1, $0x40, v16;
	[tilespmem:s17+$0x10] =	vst v21  }
0x26d: {  	v15 =	vshll.u32 v12, $0x4;
	v12 =	vnsel vm2, $0x40, v22;
	v13 =	vshll.u32 v13, $0x4;
	[tilespmem:v11+s29+$0x0] =	vst.idx.msk vm0, v10  }
0x26e: {  	vm1 =	vgt.s32 v16, v22;
	v10 =	vshll.u32 v12, $0x4;
	[tilespmem:s20+$0xFFFFFFF0] =	vst v17;
	v25 =	vld [tilespmem:s21+$0x10];
	v12 =	vor.u32 v0, v13  }
.Ltmp7:
0x26f: {  	vm2 =	vgt.s32 v20, v16;
	vm0 =	vgt.s32 v22, v9;
	v13 =	vor.u32 v0, v10;
	[tilespmem:s20+$0xFFFFFFE0] =	vst v14;
	v18 =	vld [tilespmem:s21+$0xFFFFFFF0];
	(pc) =	sbr.rel @p0 .LBB2_17-.Ltmp7, $4  }
0x270: {  	v11 =	vadd.s32 $0xFFFFFFFF, v23;
	v9 =	vmovc v21;
	v10 =	vor.u32 v0, v15;
	v14 =	vmov s7;
	s7 =	smov.u32 s11;
	s11 =	smov.u32 s22;
	v19 =	vld [tilespmem:s21+$0xFFFFFFE0];
	[tilespmem:s17+$0xFFFFFFF0] =	vst v16  }
0x271: {  	v15 =	vor.u32 s22, v1;
	v16 =	vmov s1;
	s1 =	smov.u32 s12;
	s12 =	sadd.s32 $0x1, s22;
	v21 =	vadd.f32 $-7.692307700e-03, v24;
	[tilespmem:s17+$0x0] =	vst v20  }
0x272: {  	s19 =	sadd.s32 $0x3, s22;
	v14 =	vadd.s32 $0xFFFFFFFF, v14;
	v17 =	vor.u32 s12, v1;
	v16 =	vadd.s32 $0xFFFFFFFF, v16;
	[tilespmem:s17+$0xFFFFFFE0] =	vst v22  }
0x273: {  	s26 =	sadd.s32 $0x2, s11;
	s22 =	sadd.s32 $0x4, s22;
	v20 =	vor.u32 s19, v1;
	v21 =	vmul.f32 $6.500000000e+01, v21;
	v22 =	vadd.f32 $-7.692307700e-03, v25  }
0x274: {  	_ =	sdelay $0x1  }
0x275: {  	v23 =	vor.u32 s26, v1  }
0x276: {  	v18 =	vadd.f32 $-7.692307700e-03, v18;
	v38 =	vmov s14;
	v44 =	vmov s7  }
0x277: {  	v20 =	vld.idx.msk [tilespmem:v20+s25+$0x0], $0xffff;
	v30 =	vmov s1;
	v24 =	vtrunc.f32 v21;
	v22 =	vmul.f32 $6.500000000e+01, v22  }
0x278: {  	v17 =	vld.idx.msk [tilespmem:v17+s25+$0x0], $0xffff;
	v19 =	vadd.f32 $-7.692307700e-03, v19;
	v45 =	vadd.s32 $0xFFFFFFFF, v30;
	v56 =	vadd.s32 $0xFFFFFFFF, v44  }
0x279: {  	v15 =	vld.idx.msk [tilespmem:v15+s25+$0x0], $0xffff;
	v25 =	vcvt.f32.s32 v24;
	vm3 =	vgt.f32 v21, v24;
	v18 =	vmul.f32 $6.500000000e+01, v18  }
0x27a: {  	v21 =	vsel vm3, $0x1, v2;
	v57 =	vtrunc.f32 v22;
	v19 =	vmul.f32 $6.500000000e+01, v19;
	v23 =	vld.idx.msk [tilespmem:v23+s25+$0x0], $0xffff  }
0x27b: {  	s3 =	sadd.s32 $0x40, s20;
	v21 =	vadd.s32 v25, v21;
	v58 =	vcvt.f32.s32 v57;
	vm3 =	vgt.f32 v22, v57  }
0x27c: {  	s21 =	sadd.s32 $0x40, s21;
	v59 =	vtrunc.f32 v18;
	vm4 =	vlt.s32 v21, $0x40;
	v60 =	vsel vm3, $0x1, v2;
	[tilespmem:s3+$0x10] =	vst v20  }
0x27d: {  	v61 =	vtrunc.f32 v19;
	v62 =	vcvt.f32.s32 v59;
	vm9 =	vgt.f32 v18, v59;
	[tilespmem:s3+$0xFFFFFFF0] =	vst v17;
	v36 =	vld [tilespmem:s21+$0x10]  }
0x27e: {  	[tilespmem:s3+$0xFFFFFFE0] =	vst v15;
	v26 =	vnsel vm4, $0x40, v21;
	v28 =	vcvt.f32.s32 v61;
	vm6 =	vgt.f32 v19, v61;
	v41 =	vld [tilespmem:s21+$0xFFFFFFF0]  }
0x27f: {  	v33 =	vsel vm9, $0x1, v2;
	v42 =	vld [tilespmem:s21+$0xFFFFFFE0];
	v26 =	vshll.u32 v26, $0x4;
	v35 =	vsel vm6, $0x1, v2;
	[tilespmem:s3+$0x0] =	vst v23  }
0x280: {  	v19 =	vadd.s32 v62, v33;
	v63 =	vor.u32 v0, v26;
	v20 =	vadd.s32 v28, v35;
	v27 =	vld [tilespmem:s21+$0x0]  }
0x281: {  	vm10 =	vlt.s32 v19, $0x40;
	v26 =	vadd.s32 $0xFFFFFFFF, v38;
	vm15 =	vgt.s32 v21, v19  }
0x282: {  	vm11 =	vlt.s32 v20, $0x40;
	v39 =	vnsel vm10, $0x40, v19;
	vm12 =	vgt.s32 v19, v20  }
0x283: {  	vm13 =	vgt.s32 v20, v9;
	v23 =	vadd.s32 v58, v60;
	v9 =	vadd.f32 $-7.692307700e-03, v36  }
0x284: {  	v40 =	vnsel vm11, $0x40, v20;
	v15 =	vadd.f32 $-7.692307700e-03, v41;
	v28 =	vadd.f32 $-7.692307700e-03, v42  }
0x285: {  	v17 =	vshll.u32 v39, $0x4;
	v9 =	vmul.f32 $6.500000000e+01, v9;
	v37 =	vadd.f32 $-7.692307700e-03, v27  }
0x286: {  	[tilespmem:v12+s29+$0x0] =	vst.idx.msk vm2, v8;
	vm3 =	vgt.s32 v23, v21;
	v8 =	vmul.f32 $6.500000000e+01, v15;
	v48 =	vmul.f32 $6.500000000e+01, v28  }
0x287: {  	vm5 =	vlt.s32 v23, $0x40;
	v47 =	vtrunc.f32 v9;
	v25 =	vmul.f32 $6.500000000e+01, v37  }
0x288: {  	v17 =	vor.u32 v0, v17;
	v49 =	vtrunc.f32 v8;
	v50 =	vtrunc.f32 v48  }
0x289: {  	[tilespmem:v13+s29+$0x0] =	vst.idx.msk vm1, v16;
	v27 =	vshll.u32 v40, $0x4;
	vm1 =	vgt.f32 v9, v47;
	v29 =	vtrunc.f32 v25  }
0x28a: {  	[tilespmem:v7+s29+$0x0] =	vst.idx.msk vm0, v14;
	v7 =	vcvt.f32.s32 v47;
	vm14 =	vgt.f32 v25, v29;
	v29 =	vcvt.f32.s32 v29  }
0x28b: {  	s22 =	sadd.s32 $0x40, s17;
	v43 =	vor.u32 v0, v27;
	v9 =	vsel vm1, $0x1, v2;
	v25 =	vsel vm14, $0x1, v2  }
0x28c: {  	[tilespmem:s22+$0x0] =	vst v21;
	vm1 =	vgt.f32 v48, v50;
	v7 =	vadd.s32 v7, v9;
	v46 =	vadd.s32 v29, v25  }
0x28d: {  	[tilespmem:s22+$0xFFFFFFF0] =	vst v19;
	v9 =	vcvt.f32.s32 v49;
	v54 =	vsel vm1, $0x1, v2;
	vm0 =	vlt.s32 v46, $0x40  }
0x28e: {  	[tilespmem:s22+$0xFFFFFFE0] =	vst v20;
	v51 =	vnsel vm0, $0x40, v46;
	vm0 =	vgt.f32 v8, v49;
	v8 =	vcvt.f32.s32 v50  }
0x28f: {  	[tilespmem:s22+$0x10] =	vst v23;
	v52 =	vshll.u32 v51, $0x4;
	v53 =	vsel vm0, $0x1, v2;
	vm0 =	vgt.s32 v7, v46  }
0x290: {  	v34 =	vnsel vm5, $0x40, v23;
	[tilespmem:v10+s29+$0x0] =	vst.idx.msk vm13, v56;
	v55 =	vor.u32 v0, v52;
	v8 =	vadd.s32 v8, v54  }
0x291: {  	[tilespmem:v17+s29+$0x0] =	vst.idx.msk vm15, v11;
	v11 =	vmov s19;
	v9 =	vadd.s32 v9, v53;
	vm2 =	vlt.s32 v8, $0x40  }
0x292: {  	s1 =	sadd.s32 $0x40, s22;
	[tilespmem:v63+s29+$0x0] =	vst.idx.msk vm3, v26;
	v10 =	vadd.s32 $0xFFFFFFFF, v11;
	vm1 =	vlt.s32 v9, $0x40;
	v58 =	vnsel vm2, $0x40, v8  }
0x293: {  	[tilespmem:s1+$0x10] =	vst v7;
	v57 =	vnsel vm1, $0x40, v9;
	vm1 =	vgt.s32 v9, v8;
	v11 =	vshll.u32 v58, $0x4  }
0x294: {  	[tilespmem:v43+s29+$0x0] =	vst.idx.msk vm12, v45;
	vm2 =	vgt.s32 v46, v9;
	v59 =	vshll.u32 v57, $0x4;
	v11 =	vor.u32 v0, v11  }
0x295: {  	v60 =	vshll.u32 v34, $0x4;
	[tilespmem:v55+s29+$0x0] =	vst.idx.msk vm0, v10;
	v10 =	vor.u32 v0, v59;
	vm0 =	vgt.s32 v8, v23  }
0x296: {  	v61 =	vor.u32 v0, v60;
	[tilespmem:s1+$0x0] =	vst v46  }
0x297: {  	[tilespmem:s1+$0xFFFFFFF0] =	vst v9;
	v9 =	vmov s12  }
0x298: {  	v62 =	vmov s26;
	[tilespmem:s1+$0xFFFFFFE0] =	vst v8;
	v8 =	vadd.s32 $0xFFFFFFFF, v9  }
0x299: {  	v63 =	vmov s11;
	v9 =	vadd.s32 $0xFFFFFFFF, v62;
	[tilespmem:v11+s29+$0x0] =	vst.idx.msk vm1, v8  }
0x29a: {  	v8 =	vadd.s32 $0xFFFFFFFF, v63;
	[tilespmem:v10+s29+$0x0] =	vst.idx.msk vm2, v9  }
0x29b: {  	[tilespmem:v61+s29+$0x0] =	vst.idx.msk vm0, v8  }
0x29c: {  	v8 =	vld [tilespmem:$0x4C80];
	_ =	sdelay $0x4  }
0x29d: {  	v8 =	vadd.f32 $-7.692307700e-03, v8;
	_ =	sdelay $0x1  }
0x29e: {  	v8 =	vmul.f32 $6.500000000e+01, v8;
	_ =	sdelay $0x1  }
0x29f: {  	v9 =	vtrunc.f32 v8  }
0x2a0: {  	v10 =	vcvt.f32.s32 v9;
	vm0 =	vgt.f32 v8, v9  }
0x2a1: {  	v8 =	vsel vm0, $0x1, v2  }
0x2a2: {  	vm0 =	vlt.s32 v7, $0x40;
	v8 =	vadd.s32 v10, v8  }
0x2a3: {  	v10 =	vnsel vm0, $0x40, v7;
	vm0 =	vlt.s32 v8, $0x40  }
0x2a4: {  	v9 =	vld.idx.msk [tilespmem:v3+s25+$0x0], $0xffff;
	v10 =	vshll.u32 v10, $0x4;
	vm1 =	vgt.s32 v8, v7;
	v7 =	vnsel vm0, $0x40, v8  }
0x2a5: {  	v10 =	vor.u32 v0, v10;
	vm0 =	vlt.s32 v8, $0x41;
	v7 =	vshll.u32 v7, $0x4  }
0x2a6: {  	v7 =	vor.u32 v0, v7;
	_ =	sdelay $0x1  }
0x2a7: {  	[tilespmem:$0x5580] =	vst v8  }
0x2a8: {  	[tilespmem:$0x4800] =	vst v9  }
0x2a9: {  	[tilespmem:v10+s29+$0x0] =	vst.idx.msk vm1, v5  }
0x2aa: {  	s26 =	simm.s32 $0x4D40;
	[tilespmem:v7+s29+$0x0] =	vst.idx.msk vm0, v4  }
0x2ab: {  	v7 =	vld [tilespmem:s26+$0xFFFFFFC0];
	_ =	sdelay $0x1  }
0x2ac: {  	v8 =	vld [tilespmem:s26+$0xFFFFFFD0];
	_ =	sdelay $0x1  }
0x2ad: {  	v9 =	vimm.s32 $0x0;
	v10 =	vld [tilespmem:s26+$0xFFFFFFE0]  }
0x2ae: {  	vm0 =	vgt.s32 v9, v7  }
0x2af: {  	v11 =	vld [tilespmem:s26+$0xFFFFFFF0];
	v9 =	vsel vm0, v9, v7  }
0x2b0: {  	vm0 =	vgt.s32 v9, v8  }
0x2b1: {  	v12 =	vld [tilespmem:s26+$0x0];
	v8 =	vsel vm0, v9, v8  }
0x2b2: {  	vm0 =	vgt.s32 v8, v10  }
0x2b3: {  	s1 =	simm.s32 $0x5640;
	v7 =	vld [tilespmem:s26+$0x10];
	v10 =	vsel vm0, v8, v10  }
0x2b4: {  	[tilespmem:s1+$0xFFFFFFC0] =	vst v9;
	vm0 =	vgt.s32 v10, v11  }
0x2b5: {  	[tilespmem:s1+$0xFFFFFFD0] =	vst v8;
	v8 =	vld [tilespmem:s26+$0x20];
	v9 =	vsel vm0, v10, v11  }
0x2b6: {  	[tilespmem:s1+$0xFFFFFFE0] =	vst v10;
	vm0 =	vgt.s32 v9, v12  }
0x2b7: {  	[tilespmem:s1+$0xFFFFFFF0] =	vst v9;
	v10 =	vsel vm0, v9, v12;
	v9 =	vld [tilespmem:s26+$0x30]  }
0x2b8: {  	s7 =	simm.s32 $0x4DC0;
	s3 =	simm.s32 $0x0;
	[tilespmem:s1+$0x0] =	vst v10;
	vm0 =	vgt.s32 v10, v7  }
.LBB2_19:
0x2b9: {  	v11 =	vld [tilespmem:s7+$0xFFFFFFC0];
	s3 =	sadd.s32 $0x8, s3;
	v7 =	vsel vm0, v10, v7  }
0x2ba: {  	p0 =	slt.u32 s3, $0x38;
	[tilespmem:s1+$0x10] =	vst v7;
	vm0 =	vgt.s32 v7, v8  }
0x2bb: {  	v10 =	vld [tilespmem:s7+$0xFFFFFFD0];
	v7 =	vsel vm0, v7, v8  }
0x2bc: {  	[tilespmem:s1+$0x20] =	vst v7;
	vm0 =	vgt.s32 v7, v9  }
0x2bd: {  	v8 =	vld [tilespmem:s7+$0xFFFFFFE0];
	v7 =	vsel vm0, v7, v9  }
0x2be: {  	vm0 =	vgt.s32 v7, v11;
	[tilespmem:s1+$0x30] =	vst v7  }
0x2bf: {  	s1 =	sadd.s32 $0x80, s1;
	v7 =	vsel vm0, v7, v11;
	v9 =	vld [tilespmem:s7+$0xFFFFFFF0]  }
0x2c0: {  	[tilespmem:s1+$0xFFFFFFC0] =	vst v7;
	vm0 =	vgt.s32 v7, v10  }
0x2c1: {  	v7 =	vsel vm0, v7, v10;
	v10 =	vld [tilespmem:s7+$0x0]  }
0x2c2: {  	[tilespmem:s1+$0xFFFFFFD0] =	vst v7;
	vm0 =	vgt.s32 v7, v8  }
0x2c3: {  	v8 =	vsel vm0, v7, v8;
	v7 =	vld [tilespmem:s7+$0x10]  }
.Ltmp8:
0x2c4: {  	[tilespmem:s1+$0xFFFFFFE0] =	vst v8;
	vm0 =	vgt.s32 v8, v9;
	(pc) =	sbr.rel @p0 .LBB2_19-.Ltmp8, $4  }
0x2c5: {  	v9 =	vsel vm0, v8, v9;
	v8 =	vld [tilespmem:s7+$0x20]  }
0x2c6: {  	[tilespmem:s1+$0xFFFFFFF0] =	vst v9;
	vm0 =	vgt.s32 v9, v10  }
0x2c7: {  	v10 =	vsel vm0, v9, v10;
	v9 =	vld [tilespmem:s7+$0x30]  }
0x2c8: {  	s7 =	sadd.s32 $0x80, s7;
	[tilespmem:s1+$0x0] =	vst v10;
	vm0 =	vgt.s32 v10, v7  }
0x2c9: {  	v7 =	vsel vm0, v10, v7  }
0x2ca: {  	vm0 =	vgt.s32 v7, v8  }
0x2cb: {  	v8 =	vsel vm0, v7, v8  }
0x2cc: {  	[tilespmem:s1+$0x10] =	vst v7;
	vm0 =	vgt.s32 v8, v9  }
0x2cd: {  	[tilespmem:s1+$0x20] =	vst v8;
	v7 =	vsel vm0, v8, v9  }
0x2ce: {  	[tilespmem:s1+$0x30] =	vst v7  }
0x2cf: {  	v8 =	vld [tilespmem:$0x5100];
	_ =	sdelay $0x4  }
0x2d0: {  	vm0 =	vgt.s32 v7, v8  }
0x2d1: {  	v7 =	vsel vm0, v7, v8  }
0x2d2: {  	s17 =	simm.s32 $0x5620;
	[tilespmem:$0x5A00] =	vst v7  }
0x2d3: {  	v9 =	vld [tilespmem:s17+$0x20]  }
0x2d4: {  	v11 =	vld [tilespmem:s17+$0x10]  }
0x2d5: {  	v10 =	vld [tilespmem:s17+$0xFFFFFFF0]  }
0x2d6: {  	v17 =	vld [tilespmem:s17+$0x0];
	_ =	sdelay $0x1  }
0x2d7: {  	v7 =	vadd.s32 $0x1, v9;
	v8 =	vshll.u32 v9, $0x4  }
0x2d8: {  	s19 =	simm.s32 $0x3800;
	v13 =	vshll.u32 v11, $0x4;
	v14 =	vadd.s32 $0x1, v11;
	vm11 =	vlt.s32 v7, $0x40  }
0x2d9: {  	s3 =	simm.s32 $0x5AA0;
	v29 =	vld.idx.msk [tilespmem:v1+s19+$0x0], $0xffff;
	v16 =	vadd.s32 $0x1, v10;
	v12 =	vor.u32 v0, v8;
	v7 =	vnsel vm11, $0x40, v7  }
0x2da: {  	v33 =	vld [tilespmem:s3+$0x20];
	v25 =	vshll.u32 v17, $0x4;
	v13 =	vor.u32 v0, v13;
	v7 =	vshll.u32 v7, $0x4  }
0x2db: {  	v35 =	vld [tilespmem:s3+$0x10];
	v8 =	vshll.u32 v10, $0x4;
	vm12 =	vlt.s32 v14, $0x40;
	v15 =	vor.u32 v0, v7  }
0x2dc: {  	v36 =	vld [tilespmem:s3+$0xFFFFFFF0];
	vm1 =	vlt.s32 v16, $0x40;
	v25 =	vor.u32 v0, v25;
	v14 =	vnsel vm12, $0x40, v14  }
0x2dd: {  	v18 =	vor.u32 v0, v8;
	v8 =	vnsel vm1, $0x40, v16;
	v16 =	vld [tilespmem:s17+$0xFFFFFFE0];
	v14 =	vshll.u32 v14, $0x4  }
0x2de: {  	v8 =	vshll.u32 v8, $0x4;
	v14 =	vor.u32 v0, v14;
	v19 =	vld.idx.msk [tilespmem:v12+s30+$0x0], $0xffff  }
0x2df: {  	v21 =	vadd.s32 $0x1, v17;
	v20 =	vor.u32 v0, v8;
	v22 =	vld.idx.msk [tilespmem:v13+s30+$0x0], $0xffff  }
0x2e0: {  	vm13 =	vlt.s32 v21, $0x40;
	v8 =	vld.idx.msk [tilespmem:v15+s30+$0x0], $0xffff  }
0x2e1: {  	v21 =	vnsel vm13, $0x40, v21;
	v30 =	vld.idx.msk [tilespmem:v25+s30+$0x0], $0xffff  }
0x2e2: {  	s11 =	simm.s32 $0x3;
	s20 =	simm.s32 $0x5;
	v21 =	vshll.u32 v21, $0x4;
	v23 =	vld.idx.msk [tilespmem:v18+s30+$0x0], $0xffff  }
0x2e3: {  	s12 =	simm.s32 $0x4;
	v17 =	vadd.s32 s11, v17;
	v9 =	vadd.s32 s20, v9;
	v21 =	vor.u32 v0, v21;
	v26 =	vld.idx.msk [tilespmem:v14+s30+$0x0], $0xffff  }
0x2e4: {  	s7 =	simm.s32 $0x2;
	v11 =	vadd.s32 s12, v11;
	v32 =	vshll.u32 v17, $0x3;
	v24 =	vadd.s32 $0x1, v16;
	v28 =	vld.idx.msk [tilespmem:v20+s30+$0x0], $0xffff  }
0x2e5: {  	v10 =	vadd.s32 s7, v10;
	v12 =	vld.idx.msk [tilespmem:v12+s31+$0x0], $0xffff;
	vm14 =	vlt.s32 v24, $0x40;
	v8 =	vsub.f32 v8, v19  }
0x2e6: {  	v34 =	vshll.u32 v11, $0x3;
	v13 =	vld.idx.msk [tilespmem:v13+s31+$0x0], $0xffff;
	v27 =	vshll.u32 v16, $0x4;
	v24 =	vnsel vm14, $0x40, v24  }
0x2e7: {  	v18 =	vld.idx.msk [tilespmem:v18+s31+$0x0], $0xffff;
	v27 =	vor.u32 v0, v27;
	v24 =	vshll.u32 v24, $0x4;
	vm2 =	vgt.f32 v8, $9.999999960e-13  }
0x2e8: {  	v60 =	vld.idx.msk [tilespmem:v21+s30+$0x0], $0xffff;
	v24 =	vor.u32 v0, v24;
	v26 =	vsub.f32 v26, v22;
	v8 =	vnsel vm2, $0x3F800000, v8  }
0x2e9: {  	v11 =	vand.u32 $0x7F, v11;
	v15 =	vld.idx.msk [tilespmem:v15+s31+$0x0], $0xffff;
	v28 =	vsub.f32 v28, v23;
	(erf) = vrcp.f32 v8  }
0x2ea: {  	v37 =	vand.u32 $0x7F, v9;
	v9 =	vshll.u32 v9, $0x3;
	v14 =	vld.idx.msk [tilespmem:v14+s31+$0x0], $0xffff;
	vm3 =	vgt.f32 v26, $9.999999960e-13  }
0x2eb: {  	v62 =	vshll.u32 v10, $0x3;
	v20 =	vld.idx.msk [tilespmem:v20+s31+$0x0], $0xffff;
	vm4 =	vgt.f32 v28, $9.999999960e-13;
	v26 =	vnsel vm3, $0x3F800000, v26  }
0x2ec: {  	v10 =	vand.u32 $0x7F, v10;
	v31 =	vld.idx.msk [tilespmem:v27+s30+$0x0], $0xffff;
	v28 =	vnsel vm4, $0x3F800000, v28;
	(erf) = vrcp.f32 v26  }
0x2ed: {  	v34 =	vand.u32 $0xFFFFFC00, v34;
	v9 =	vand.u32 $0xFFFFFC00, v9;
	v61 =	vld.idx.msk [tilespmem:v24+s30+$0x0], $0xffff;
	(erf) = vrcp.f32 v28  }
0x2ee: {  	v11 =	vor.u32 v11, v34;
	v9 =	vor.u32 v37, v9;
	v7 =	vld.idx.msk [tilespmem:v1+s16+$0x0], $0xffff;
	v63 =	vsub.f32 v60, v30  }
0x2ef: {  	v9 =	vadd.s32 v6, v9;
	v19 =	vsub.f32 v33, v19;
	v22 =	vsub.f32 v35, v22  }
0x2f0: {  	s17 =	simm.s32 $0x1;
	v11 =	vadd.s32 v6, v11;
	v23 =	vsub.f32 v36, v23;
	v15 =	vsub.f32 v15, v12  }
0x2f1: {  	s21 =	simm.s32 $0x5670;
	v16 =	vadd.s32 s17, v16;
	v14 =	vsub.f32 v14, v13;
	v20 =	vsub.f32 v20, v18  }
0x2f2: {  	v48 =	vld [tilespmem:s21+$0x10];
	vm15 =	vgt.f32 v63, $9.999999960e-13;
	v28 =	vand.u32 $0xFFFFFC00, v62;
	v26 =	vsub.f32 v61, v31;
	v38 =	vpop (erf)  }
0x2f3: {  	v8 =	vsub.f32 v29, v7;
	v10 =	vor.u32 v10, v28;
	v19 =	vmul.f32 v38, v19  }
0x2f4: {  	v28 =	vnsel vm15, $0x3F800000, v63;
	v10 =	vadd.s32 v6, v10;
	vm5 =	vgt.f32 v26, $9.999999960e-13  }
0x2f5: {  	v26 =	vnsel vm5, $0x3F800000, v26;
	(erf) = vrcp.f32 v28;
	v39 =	vpop (erf);
	v19 =	vmax.f32 v19, $0.0e+00  }
0x2f6: {  	s20 =	simm.s32 $0x9;
	(erf) = vrcp.f32 v26;
	v22 =	vmul.f32 v39, v22;
	v40 =	vpop (erf);
	v19 =	vmin.f32 v19, $1.000000000e+00  }
0x2f7: {  	v41 =	vld [tilespmem:s3+$0x0];
	v28 =	vadd.s32 s20, v48;
	v23 =	vmul.f32 v40, v23;
	v19 =	vnsel vm2, $0x0, v19  }
0x2f8: {  	v39 =	vshll.u32 v28, $0x3;
	v15 =	vmul.f32 v19, v15;
	v19 =	vmax.f32 v22, $0.0e+00;
	v22 =	vld [tilespmem:s3+$0xFFFFFFE0]  }
0x2f9: {  	v28 =	vand.u32 $0x7F, v28;
	v23 =	vmax.f32 v23, $0.0e+00;
	v19 =	vmin.f32 v19, $1.000000000e+00  }
0x2fa: {  	v23 =	vmin.f32 v23, $1.000000000e+00;
	v19 =	vnsel vm3, $0x0, v19;
	v12 =	vadd.f32 v15, v12  }
0x2fb: {  	v21 =	vld.idx.msk [tilespmem:v21+s31+$0x0], $0xffff;
	v39 =	vand.u32 $0xFFFFFC00, v39;
	v15 =	vnsel vm4, $0x0, v23;
	v14 =	vmul.f32 v19, v14  }
0x2fc: {  	v23 =	vld.idx.msk [tilespmem:v25+s31+$0x0], $0xffff;
	v15 =	vmul.f32 v15, v20;
	v20 =	vsub.f32 v41, v30;
	v12 =	vmul.f32 v12, v8  }
0x2fd: {  	v28 =	vor.u32 v28, v39;
	v13 =	vadd.f32 v14, v13;
	v14 =	vld.idx.msk [tilespmem:v27+s31+$0x0], $0xffff;
	v22 =	vsub.f32 v22, v31  }
0x2fe: {  	v19 =	vshll.u32 v16, $0x3;
	v42 =	vpop (erf);
	v15 =	vadd.f32 v15, v18;
	v18 =	vld.idx.msk [tilespmem:v24+s31+$0x0], $0xffff;
	v12 =	vadd.f32 v12, v7  }
0x2ff: {  	v16 =	vand.u32 $0x7F, v16;
	v43 =	vpop (erf);
	v20 =	vmul.f32 v42, v20;
	v13 =	vmul.f32 v13, v8  }
0x300: {  	s14 =	simm.s32 $0x51A0;
	v19 =	vand.u32 $0xFFFFFC00, v19;
	v15 =	vmul.f32 v15, v8;
	v22 =	vmul.f32 v43, v22;
	[tilespmem:v9+s9+$0x0] =	vst.idx.msk $0xffff, v12  }
0x301: {  	v12 =	vand.u32 $0x7F, v17;
	v9 =	vadd.f32 v13, v7;
	v13 =	vmax.f32 v20, $0.0e+00;
	v17 =	vld [tilespmem:s14+$0x20]  }
0x302: {  	v15 =	vadd.f32 v15, v7;
	v20 =	vsub.f32 v21, v23;
	v21 =	vmax.f32 v22, $0.0e+00;
	v22 =	vld [tilespmem:s21+$0xFFFFFFE0]  }
0x303: {  	s1 =	simm.s32 $0x4420;
	v19 =	vor.u32 v16, v19;
	v13 =	vmin.f32 v13, $1.000000000e+00;
	[tilespmem:v11+s9+$0x0] =	vst.idx.msk $0xffff, v9;
	v11 =	vsub.f32 v18, v14  }
0x304: {  	v9 =	vld [tilespmem:s1+$0x20];
	v18 =	vmin.f32 v21, $1.000000000e+00;
	[tilespmem:v10+s9+$0x0] =	vst.idx.msk $0xffff, v15;
	v10 =	vnsel vm15, $0x0, v13;
	v13 =	vand.u32 $0xFFFFFC00, v32  }
0x305: {  	v21 =	vld [tilespmem:s14+$0x10];
	v15 =	vnsel vm5, $0x0, v18;
	v10 =	vmul.f32 v10, v20;
	v12 =	vor.u32 v12, v13  }
0x306: {  	v19 =	vadd.s32 v6, v19;
	v18 =	vld [tilespmem:s14+$0xFFFFFFF0];
	v11 =	vmul.f32 v15, v11;
	v20 =	vadd.s32 v6, v12  }
0x307: {  	v12 =	vadd.s32 s12, v17;
	v10 =	vadd.f32 v10, v23;
	v45 =	vadd.s32 $0x1, v22  }
0x308: {  	v17 =	vld [tilespmem:s1+$0xFFFFFFF0];
	v11 =	vadd.f32 v11, v14;
	v16 =	vshll.u32 v12, $0x3;
	v15 =	vand.u32 $0x7F, v12  }
0x309: {  	vm6 =	vlt.s32 v45, $0x40;
	v13 =	vmul.f32 v9, v8;
	v23 =	vmul.f32 v10, v8  }
0x30a: {  	v14 =	vld [tilespmem:s21+$0x20];
	v25 =	vnsel vm6, $0x40, v45;
	v16 =	vand.u32 $0xFFFFFC00, v16;
	v10 =	vadd.s32 s11, v21  }
0x30b: {  	v9 =	vld [tilespmem:s21+$0x0];
	v12 =	vadd.s32 s17, v18;
	v15 =	vor.u32 v15, v16;
	v18 =	vand.u32 $0x7F, v10  }
0x30c: {  	v10 =	vshll.u32 v10, $0x3;
	v21 =	vand.u32 $0x7F, v12;
	v12 =	vshll.u32 v12, $0x3  }
0x30d: {  	v10 =	vand.u32 $0xFFFFFC00, v10;
	v44 =	vmul.f32 v17, v8;
	v12 =	vand.u32 $0xFFFFFC00, v12;
	v17 =	vld [tilespmem:s21+$0xFFFFFFF0]  }
0x30e: {  	v18 =	vor.u32 v18, v10;
	v10 =	vshll.u32 v22, $0x4;
	v21 =	vor.u32 v21, v12  }
0x30f: {  	v49 =	vshll.u32 v14, $0x4;
	v12 =	vor.u32 v0, v10;
	v10 =	vadd.s32 $0x1, v14  }
0x310: {  	s12 =	simm.s32 $0x8;
	v46 =	vadd.s32 $0x1, v9;
	v47 =	vshll.u32 v9, $0x4;
	vm7 =	vlt.s32 v10, $0x40  }
0x311: {  	s22 =	simm.s32 $0xA;
	v50 =	vadd.s32 s12, v9;
	v29 =	vor.u32 v0, v49;
	v10 =	vnsel vm7, $0x40, v10  }
0x312: {  	v9 =	vadd.s32 s22, v14;
	v14 =	vshll.u32 v17, $0x4;
	v51 =	vshll.u32 v10, $0x4  }
0x313: {  	v10 =	vadd.s32 v6, v21;
	v21 =	vadd.s32 $0x1, v48;
	v52 =	vadd.s32 $0x1, v17  }
0x314: {  	s17 =	simm.s32 $0x5AF0;
	v32 =	vor.u32 v0, v51;
	v33 =	vor.u32 v0, v14;
	vm9 =	vlt.s32 v21, $0x40  }
0x315: {  	v62 =	vld [tilespmem:s17+$0x10];
	v14 =	vshll.u32 v48, $0x4;
	vm10 =	vlt.s32 v52, $0x40;
	v21 =	vnsel vm9, $0x40, v21  }
0x316: {  	v63 =	vld [tilespmem:s17+$0x0];
	v53 =	vor.u32 v0, v14;
	v14 =	vshll.u32 v21, $0x4;
	v21 =	vnsel vm10, $0x40, v52  }
0x317: {  	v11 =	vmul.f32 v11, v8;
	v16 =	vld [tilespmem:s17+$0xFFFFFFE0];
	v54 =	vor.u32 v0, v14;
	v14 =	vshll.u32 v21, $0x4  }
0x318: {  	s19 =	simm.s32 $0x6;
	v25 =	vshll.u32 v25, $0x4;
	v23 =	vadd.f32 v23, v7;
	v36 =	vld.idx.msk [tilespmem:v29+s30+$0x0], $0xffff;
	v38 =	vor.u32 v0, v14  }
0x319: {  	v15 =	vadd.s32 v6, v15;
	v11 =	vadd.f32 v11, v7;
	v22 =	vadd.s32 s19, v22;
	v37 =	vld.idx.msk [tilespmem:v32+s30+$0x0], $0xffff  }
0x31a: {  	[tilespmem:v20+s9+$0x0] =	vst.idx.msk $0xffff, v23;
	v20 =	vor.u32 v0, v25;
	v43 =	vshll.u32 v22, $0x3;
	v41 =	vld.idx.msk [tilespmem:v33+s30+$0x0], $0xffff  }
0x31b: {  	vm8 =	vlt.s32 v46, $0x40;
	v31 =	vshll.u32 v50, $0x3;
	v27 =	vor.u32 v0, v47;
	v55 =	vld.idx.msk [tilespmem:v53+s30+$0x0], $0xffff  }
0x31c: {  	v42 =	vand.u32 $0x7F, v9;
	v9 =	vshll.u32 v9, $0x3;
	v26 =	vnsel vm8, $0x40, v46;
	v40 =	vld.idx.msk [tilespmem:v54+s30+$0x0], $0xffff  }
0x31d: {  	s11 =	simm.s32 $0x7;
	v30 =	vand.u32 $0x7F, v50;
	v9 =	vand.u32 $0xFFFFFC00, v9;
	v26 =	vshll.u32 v26, $0x4;
	v56 =	vld.idx.msk [tilespmem:v38+s30+$0x0], $0xffff  }
0x31e: {  	v23 =	vld [tilespmem:s14+$0x0];
	v17 =	vadd.s32 s11, v17;
	v26 =	vor.u32 v0, v26;
	v37 =	vsub.f32 v37, v36  }
0x31f: {  	v50 =	vld [tilespmem:s17+$0xFFFFFFF0];
	v58 =	vor.u32 v42, v9;
	v9 =	vand.u32 $0x7F, v22;
	v22 =	vand.u32 $0xFFFFFC00, v43  }
0x320: {  	v9 =	vor.u32 v9, v22;
	v22 =	vld [tilespmem:s17+$0x20];
	v21 =	vshll.u32 v17, $0x3;
	vm11 =	vgt.f32 v37, $9.999999960e-13  }
0x321: {  	v60 =	vld.idx.msk [tilespmem:v20+s30+$0x0], $0xffff;
	v14 =	vand.u32 $0x7F, v17;
	v37 =	vnsel vm11, $0x3F800000, v37;
	v40 =	vsub.f32 v40, v55  }
0x322: {  	v57 =	vld.idx.msk [tilespmem:v27+s30+$0x0], $0xffff;
	v17 =	vand.u32 $0xFFFFFC00, v21;
	(erf) = vrcp.f32 v37;
	v39 =	vsub.f32 v56, v41  }
0x323: {  	v17 =	vor.u32 v14, v17;
	v14 =	vadd.f32 v44, v7;
	v44 =	vld.idx.msk [tilespmem:v26+s30+$0x0], $0xffff;
	vm12 =	vgt.f32 v40, $9.999999960e-13  }
0x324: {  	v18 =	vadd.s32 v6, v18;
	v59 =	vld.idx.msk [tilespmem:v12+s30+$0x0], $0xffff;
	v40 =	vnsel vm12, $0x3F800000, v40;
	vm13 =	vgt.f32 v39, $9.999999960e-13  }
0x325: {  	v23 =	vadd.s32 s7, v23;
	v29 =	vld.idx.msk [tilespmem:v29+s31+$0x0], $0xffff;
	(erf) = vrcp.f32 v40;
	v39 =	vnsel vm13, $0x3F800000, v39  }
0x326: {  	v45 =	vand.u32 $0x7F, v23;
	v23 =	vshll.u32 v23, $0x3;
	v21 =	vld [tilespmem:s1+$0x10];
	(erf) = vrcp.f32 v39  }
0x327: {  	v31 =	vand.u32 $0xFFFFFC00, v31;
	v51 =	vadd.f32 v13, v7;
	v27 =	vld.idx.msk [tilespmem:v27+s31+$0x0], $0xffff;
	v23 =	vand.u32 $0xFFFFFC00, v23  }
0x328: {  	v13 =	vadd.s32 v6, v58;
	v23 =	vor.u32 v45, v23;
	v32 =	vld.idx.msk [tilespmem:v32+s31+$0x0], $0xffff;
	v44 =	vsub.f32 v44, v57  }
0x329: {  	v23 =	vadd.s32 v6, v23;
	v33 =	vld.idx.msk [tilespmem:v33+s31+$0x0], $0xffff;
	v22 =	vsub.f32 v22, v36;
	v43 =	vsub.f32 v60, v59  }
0x32a: {  	v26 =	vld.idx.msk [tilespmem:v26+s31+$0x0], $0xffff;
	v16 =	vsub.f32 v16, v59;
	v17 =	vadd.s32 v6, v17;
	vm14 =	vgt.f32 v44, $9.999999960e-13  }
0x32b: {  	v35 =	vld.idx.msk [tilespmem:v53+s31+$0x0], $0xffff;
	v25 =	vsub.f32 v63, v57;
	v21 =	vmul.f32 v21, v8;
	v48 =	vnsel vm14, $0x3F800000, v44;
	v49 =	vpop (erf)  }
0x32c: {  	vm15 =	vgt.f32 v43, $9.999999960e-13;
	v34 =	vld.idx.msk [tilespmem:v54+s31+$0x0], $0xffff;
	(erf) = vrcp.f32 v48;
	v22 =	vmul.f32 v49, v22  }
0x32d: {  	v52 =	vnsel vm15, $0x3F800000, v43;
	v53 =	vld.idx.msk [tilespmem:v38+s31+$0x0], $0xffff;
	v36 =	vsub.f32 v50, v41;
	v24 =	vsub.f32 v62, v55  }
0x32e: {  	v32 =	vsub.f32 v32, v29;
	(erf) = vrcp.f32 v52;
	v22 =	vmax.f32 v22, $0.0e+00;
	v54 =	vpop (erf)  }
0x32f: {  	v60 =	vsub.f32 v26, v27;
	v22 =	vmin.f32 v22, $1.000000000e+00;
	v24 =	vmul.f32 v54, v24;
	v55 =	vpop (erf)  }
0x330: {  	v20 =	vld.idx.msk [tilespmem:v20+s31+$0x0], $0xffff;
	v21 =	vadd.f32 v21, v7;
	v22 =	vnsel vm11, $0x0, v22;
	v36 =	vmul.f32 v55, v36  }
0x331: {  	v57 =	vld.idx.msk [tilespmem:v12+s31+$0x0], $0xffff;
	v56 =	vsub.f32 v34, v35;
	v22 =	vmul.f32 v22, v32;
	v24 =	vmax.f32 v24, $0.0e+00  }
0x332: {  	v61 =	vld [tilespmem:s1+$0x0];
	v58 =	vsub.f32 v53, v33;
	v12 =	vmax.f32 v36, $0.0e+00;
	v24 =	vmin.f32 v24, $1.000000000e+00  }
0x333: {  	[tilespmem:v19+s9+$0x0] =	vst.idx.msk $0xffff, v11;
	v22 =	vadd.f32 v22, v29;
	v12 =	vmin.f32 v12, $1.000000000e+00;
	v24 =	vnsel vm12, $0x0, v24  }
0x334: {  	v62 =	vadd.s32 v6, v28;
	[tilespmem:v18+s9+$0x0] =	vst.idx.msk $0xffff, v21;
	v12 =	vnsel vm13, $0x0, v12;
	v19 =	vmul.f32 v24, v56  }
0x335: {  	v21 =	vor.u32 v30, v31;
	v11 =	vpop (erf);
	v22 =	vmul.f32 v22, v8;
	v12 =	vmul.f32 v12, v58  }
0x336: {  	v59 =	vld [tilespmem:s14+$0xFFFFFFE0];
	v20 =	vsub.f32 v20, v57;
	v11 =	vmul.f32 v11, v25;
	v19 =	vadd.f32 v19, v35  }
0x337: {  	v40 =	vmul.f32 v61, v8;
	v61 =	vpop (erf);
	v22 =	vadd.f32 v22, v7;
	v12 =	vadd.f32 v12, v33  }
0x338: {  	v11 =	vmax.f32 v11, $0.0e+00;
	v16 =	vmul.f32 v61, v16;
	v19 =	vmul.f32 v19, v8  }
0x339: {  	s7 =	simm.s32 $0x51F0;
	v40 =	vadd.f32 v40, v7;
	v11 =	vmin.f32 v11, $1.000000000e+00;
	v12 =	vmul.f32 v12, v8;
	[tilespmem:v13+s9+$0x0] =	vst.idx.msk $0xffff, v22;
	v13 =	vld [tilespmem:s1+$0xFFFFFFE0]  }
0x33a: {  	s26 =	simm.s32 $0x0;
	[tilespmem:v10+s9+$0x0] =	vst.idx.msk $0xffff, v14;
	v11 =	vnsel vm14, $0x0, v11;
	v10 =	vmax.f32 v16, $0.0e+00;
	v14 =	vadd.f32 v19, v7;
	v16 =	vld [tilespmem:s7+$0x20]  }
0x33b: {  	v10 =	vmin.f32 v10, $1.000000000e+00;
	v22 =	vadd.s32 s26, v59;
	s1 =	simm.s32 $0x4470;
	v18 =	vadd.f32 v12, v7  }
0x33c: {  	v11 =	vmul.f32 v11, v60;
	v10 =	vnsel vm15, $0x0, v10;
	v19 =	vshll.u32 v22, $0x3;
	v12 =	vld [tilespmem:s1+$0x20];
	[tilespmem:v62+s9+$0x0] =	vst.idx.msk $0xffff, v14  }
0x33d: {  	v24 =	vand.u32 $0x7F, v22;
	v10 =	vmul.f32 v10, v20;
	v14 =	vand.u32 $0xFFFFFC00, v19;
	[tilespmem:v17+s9+$0x0] =	vst.idx.msk $0xffff, v18;
	v19 =	vld [tilespmem:s7+$0x10]  }
0x33e: {  	v22 =	vadd.f32 v11, v27;
	v17 =	vld [tilespmem:s7+$0xFFFFFFF0];
	v63 =	vmul.f32 v13, v8;
	v13 =	vor.u32 v24, v14  }
0x33f: {  	[tilespmem:v15+s9+$0x0] =	vst.idx.msk $0xffff, v51;
	v18 =	vadd.s32 v6, v21;
	v14 =	vld [tilespmem:s1+$0x10];
	v21 =	vadd.s32 s20, v16;
	v13 =	vadd.s32 v6, v13  }
0x340: {  	s14 =	simm.s32 $0x5;
	[tilespmem:v23+s9+$0x0] =	vst.idx.msk $0xffff, v40;
	s26 =	simm.s32 $0x56C0;
	v10 =	vadd.f32 v10, v57;
	v20 =	vld [tilespmem:s1+$0xFFFFFFF0];
	s20 =	simm.s32 $0x5;
	v11 =	vshll.u32 v21, $0x3;
	v15 =	vadd.f32 v63, v7  }
.LBB2_21:
0x341: {  	v23 =	vld [tilespmem:s26+$0xFFFFFFE0];
	v16 =	vmul.f32 v12, v8;
	v12 =	vand.u32 $0x7F, v21;
	s22 =	smov.u32 s20;
	s20 =	sadd.s32 $0x5, s20  }
0x342: {  	v21 =	vld [tilespmem:s26+$0x0];
	p0 =	slt.u32 s20, $0x3C;
	v22 =	vmul.f32 v22, v8;
	v19 =	vadd.s32 s12, v19  }
0x343: {  	v24 =	vld [tilespmem:s26+$0x20];
	v17 =	vadd.s32 s19, v17;
	v25 =	vand.u32 $0x7F, v19;
	v19 =	vshll.u32 v19, $0x3  }
0x344: {  	v26 =	vld [tilespmem:s26+$0xFFFFFFF0];
	v27 =	vand.u32 $0x7F, v17;
	v17 =	vshll.u32 v17, $0x3;
	v19 =	vand.u32 $0xFFFFFC00, v19;
	[tilespmem:v13+s9+$0x0] =	vst.idx.msk $0xffff, v15  }
0x345: {  	v28 =	vmul.f32 v20, v8;
	v13 =	vand.u32 $0xFFFFFC00, v17;
	v25 =	vor.u32 v25, v19  }
0x346: {  	v29 =	vadd.s32 $0x1, v23;
	v15 =	vshll.u32 v23, $0x4;
	v17 =	vor.u32 v27, v13  }
0x347: {  	s3 =	sadd.s32 $0xA, s22;
	vm0 =	vlt.s32 v29, $0x40;
	v27 =	vadd.s32 $0x1, v21;
	v20 =	vshll.u32 v21, $0x4;
	v30 =	vld [tilespmem:s26+$0x10]  }
0x348: {  	s12 =	sadd.s32 $0x8, s22;
	v13 =	vor.u32 v0, v15;
	v15 =	vadd.s32 $0x1, v24;
	v19 =	vshll.u32 v24, $0x4  }
0x349: {  	v31 =	vadd.s32 s12, v21;
	v24 =	vadd.s32 s3, v24;
	v32 =	vor.u32 v0, v19  }
0x34a: {  	vm1 =	vlt.s32 v27, $0x40;
	v19 =	vshll.u32 v31, $0x3;
	vm2 =	vlt.s32 v15, $0x40  }
0x34b: {  	v33 =	vadd.s32 v6, v17;
	v21 =	vshll.u32 v26, $0x4;
	v15 =	vnsel vm2, $0x40, v15  }
0x34c: {  	s21 =	sadd.s32 $0x9, s22;
	v21 =	vor.u32 v0, v21;
	v15 =	vshll.u32 v15, $0x4;
	v17 =	vshll.u32 v30, $0x4  }
0x34d: {  	v34 =	vadd.s32 $0x1, v30;
	v30 =	vadd.s32 s21, v30;
	v35 =	vor.u32 v0, v15  }
0x34e: {  	v20 =	vor.u32 v0, v20;
	v15 =	vadd.s32 $0x1, v26;
	vm2 =	vlt.s32 v34, $0x40  }
0x34f: {  	s3 =	sadd.s32 $0x7, s22;
	vm3 =	vlt.s32 v15, $0x40;
	v36 =	vor.u32 v0, v17;
	v34 =	vnsel vm2, $0x40, v34  }
0x350: {  	v17 =	vadd.s32 s3, v26;
	v15 =	vnsel vm3, $0x40, v15;
	v26 =	vshll.u32 v34, $0x4  }
0x351: {  	v15 =	vshll.u32 v15, $0x4;
	v34 =	vshll.u32 v17, $0x3;
	v26 =	vor.u32 v0, v26;
	v37 =	vld.idx.msk [tilespmem:v32+s30+$0x0], $0xffff  }
0x352: {  	v38 =	vor.u32 v0, v15;
	v15 =	vand.u32 $0x7F, v17;
	v17 =	vand.u32 $0xFFFFFC00, v34;
	v34 =	vld.idx.msk [tilespmem:v35+s30+$0x0], $0xffff  }
0x353: {  	v28 =	vadd.f32 v28, v7;
	v15 =	vor.u32 v15, v17;
	v17 =	vshll.u32 v30, $0x3;
	v39 =	vld.idx.msk [tilespmem:v20+s30+$0x0], $0xffff  }
0x354: {  	v27 =	vnsel vm1, $0x40, v27;
	v30 =	vand.u32 $0x7F, v30;
	v17 =	vand.u32 $0xFFFFFC00, v17;
	v40 =	vld.idx.msk [tilespmem:v36+s30+$0x0], $0xffff  }
0x355: {  	v22 =	vadd.f32 v22, v7;
	v27 =	vshll.u32 v27, $0x4;
	v17 =	vor.u32 v30, v17;
	v41 =	vld.idx.msk [tilespmem:v21+s30+$0x0], $0xffff  }
0x356: {  	v25 =	vadd.s32 v6, v25;
	v29 =	vnsel vm0, $0x40, v29;
	v27 =	vor.u32 v0, v27;
	v30 =	vld.idx.msk [tilespmem:v26+s30+$0x0], $0xffff  }
0x357: {  	v29 =	vshll.u32 v29, $0x4;
	v43 =	vand.u32 $0x7F, v24;
	v24 =	vshll.u32 v24, $0x3;
	v42 =	vld.idx.msk [tilespmem:v38+s30+$0x0], $0xffff;
	[tilespmem:v18+s9+$0x0] =	vst.idx.msk $0xffff, v22  }
0x358: {  	s19 =	sadd.s32 $0x6, s22;
	v24 =	vand.u32 $0xFFFFFC00, v24;
	v18 =	vor.u32 v0, v29;
	v22 =	vsub.f32 v34, v37;
	[tilespmem:v33+s9+$0x0] =	vst.idx.msk $0xffff, v28;
	v28 =	vld [tilespmem:s7+$0x0]  }
0x359: {  	v14 =	vmul.f32 v14, v8;
	v23 =	vadd.s32 s19, v23;
	v24 =	vor.u32 v43, v24;
	v29 =	vld [tilespmem:s1+$0x0]  }
0x35a: {  	v34 =	vadd.s32 v6, v9;
	v33 =	vshll.u32 v23, $0x3;
	vm4 =	vgt.f32 v22, $9.999999960e-13  }
0x35b: {  	v9 =	vand.u32 $0x7F, v23;
	v23 =	vand.u32 $0xFFFFFC00, v33;
	v22 =	vnsel vm4, $0x3F800000, v22;
	v33 =	vld.idx.msk [tilespmem:v27+s30+$0x0], $0xffff  }
0x35c: {  	s17 =	sadd.s32 $0x50, s17;
	v9 =	vor.u32 v9, v23;
	v23 =	vsub.f32 v30, v40;
	v43 =	vld.idx.msk [tilespmem:v13+s30+$0x0], $0xffff;
	(erf) = vrcp.f32 v22  }
0x35d: {  	v14 =	vadd.f32 v14, v7;
	v30 =	vsub.f32 v42, v41;
	v22 =	vld.idx.msk [tilespmem:v18+s30+$0x0], $0xffff;
	v28 =	vadd.s32 s11, v28;
	s11 =	smov.u32 s3  }
0x35e: {  	vm3 =	vgt.f32 v23, $9.999999960e-13;
	v42 =	vld [tilespmem:s17+$0xFFFFFFE0];
	v44 =	vand.u32 $0x7F, v28;
	v28 =	vshll.u32 v28, $0x3  }
0x35f: {  	vm2 =	vgt.f32 v30, $9.999999960e-13;
	v23 =	vnsel vm3, $0x3F800000, v23;
	v45 =	vld [tilespmem:s17+$0x20];
	v28 =	vand.u32 $0xFFFFFC00, v28;
	[tilespmem:v25+s9+$0x0] =	vst.idx.msk $0xffff, v14  }
0x360: {  	v14 =	vnsel vm2, $0x3F800000, v30;
	v25 =	vld [tilespmem:s17+$0x0];
	(erf) = vrcp.f32 v23;
	v23 =	vor.u32 v44, v28  }
0x361: {  	v28 =	vsub.f32 v33, v39;
	v30 =	vld [tilespmem:s17+$0x10];
	(erf) = vrcp.f32 v14;
	v14 =	vadd.s32 v6, v23  }
0x362: {  	v16 =	vadd.f32 v16, v7;
	v29 =	vmul.f32 v29, v8;
	v23 =	vand.u32 $0x7F, v31;
	v31 =	vld.idx.msk [tilespmem:v32+s31+$0x0], $0xffff  }
0x363: {  	v24 =	vadd.s32 v6, v24;
	v22 =	vsub.f32 v22, v43;
	vm0 =	vgt.f32 v28, $9.999999960e-13;
	v32 =	vld.idx.msk [tilespmem:v35+s31+$0x0], $0xffff  }
0x364: {  	v29 =	vadd.f32 v29, v7;
	v44 =	vnsel vm0, $0x3F800000, v28;
	v33 =	vld [tilespmem:s17+$0xFFFFFFF0];
	v35 =	vsub.f32 v45, v37  }
0x365: {  	v11 =	vand.u32 $0xFFFFFC00, v11;
	vm1 =	vgt.f32 v22, $9.999999960e-13;
	v36 =	vld.idx.msk [tilespmem:v36+s31+$0x0], $0xffff;
	(erf) = vrcp.f32 v44;
	v28 =	vpop (erf)  }
0x366: {  	v11 =	vor.u32 v12, v11;
	v22 =	vnsel vm1, $0x3F800000, v22;
	v26 =	vld.idx.msk [tilespmem:v26+s31+$0x0], $0xffff;
	v28 =	vmul.f32 v28, v35  }
0x367: {  	v11 =	vadd.s32 v6, v11;
	v12 =	vld.idx.msk [tilespmem:v21+s31+$0x0], $0xffff;
	v21 =	vsub.f32 v30, v40;
	(erf) = vrcp.f32 v22  }
0x368: {  	v19 =	vand.u32 $0xFFFFFC00, v19;
	v25 =	vsub.f32 v25, v39;
	v22 =	vld.idx.msk [tilespmem:v38+s31+$0x0], $0xffff;
	v28 =	vmax.f32 v28, $0.0e+00;
	[tilespmem:v14+s9+$0x0] =	vst.idx.msk $0xffff, v29  }
0x369: {  	v14 =	vsub.f32 v33, v41;
	v29 =	vld.idx.msk [tilespmem:v20+s31+$0x0], $0xffff;
	v20 =	vmin.f32 v28, $1.000000000e+00;
	v28 =	vsub.f32 v32, v31;
	v30 =	vpop (erf)  }
0x36a: {  	v10 =	vmul.f32 v10, v8;
	v27 =	vld.idx.msk [tilespmem:v27+s31+$0x0], $0xffff;
	v21 =	vmul.f32 v30, v21;
	v20 =	vnsel vm4, $0x0, v20;
	v30 =	vpop (erf)  }
0x36b: {  	v32 =	vsub.f32 v42, v43;
	v13 =	vld.idx.msk [tilespmem:v13+s31+$0x0], $0xffff;
	v14 =	vmul.f32 v30, v14;
	v20 =	vmul.f32 v20, v28  }
0x36c: {  	v10 =	vadd.f32 v10, v7;
	v26 =	vsub.f32 v26, v36;
	v28 =	vmax.f32 v21, $0.0e+00;
	[tilespmem:v11+s9+$0x0] =	vst.idx.msk $0xffff, v16  }
0x36d: {  	v11 =	vld.idx.msk [tilespmem:v18+s31+$0x0], $0xffff;
	v14 =	vmax.f32 v14, $0.0e+00;
	v16 =	vmin.f32 v28, $1.000000000e+00;
	v18 =	vadd.f32 v20, v31  }
0x36e: {  	v20 =	vsub.f32 v22, v12;
	v14 =	vmin.f32 v14, $1.000000000e+00;
	v16 =	vnsel vm3, $0x0, v16;
	v21 =	vpop (erf);
	[tilespmem:v34+s9+$0x0] =	vst.idx.msk $0xffff, v10  }
0x36f: {  	v10 =	vnsel vm2, $0x0, v14;
	v14 =	vmul.f32 v16, v26;
	v16 =	vmul.f32 v18, v8;
	v18 =	vld [tilespmem:s7+$0xFFFFFFE0]  }
0x370: {  	v10 =	vmul.f32 v10, v20;
	v20 =	vmul.f32 v21, v25;
	v21 =	vsub.f32 v27, v29;
	v22 =	vpop (erf)  }
0x371: {  	s7 =	sadd.s32 $0x50, s7;
	v22 =	vmul.f32 v22, v32;
	v14 =	vadd.f32 v14, v36;
	v16 =	vadd.f32 v16, v7  }
0x372: {  	v17 =	vadd.s32 v6, v17;
	v10 =	vadd.f32 v10, v12;
	v12 =	vmax.f32 v20, $0.0e+00  }
0x373: {  	v15 =	vadd.s32 v6, v15;
	v11 =	vsub.f32 v11, v13;
	v14 =	vmul.f32 v14, v8  }
0x374: {  	v20 =	vmin.f32 v12, $1.000000000e+00;
	v10 =	vmul.f32 v10, v8;
	[tilespmem:v24+s9+$0x0] =	vst.idx.msk $0xffff, v16;
	v16 =	vld [tilespmem:s1+$0xFFFFFFE0];
	v12 =	vadd.s32 s14, v18;
	s14 =	smov.u32 s20  }
0x375: {  	v18 =	vmax.f32 v22, $0.0e+00;
	v14 =	vadd.f32 v14, v7;
	v22 =	vld [tilespmem:s7+$0x20];
	v24 =	vand.u32 $0x7F, v12  }
0x376: {  	s1 =	sadd.s32 $0x50, s1;
	v18 =	vmin.f32 v18, $1.000000000e+00;
	v25 =	vshll.u32 v12, $0x3;
	v10 =	vadd.f32 v10, v7  }
.Ltmp9:
0x377: {  	v19 =	vor.u32 v23, v19;
	v18 =	vnsel vm1, $0x0, v18;
	[tilespmem:v17+s9+$0x0] =	vst.idx.msk $0xffff, v14;
	v12 =	vld [tilespmem:s1+$0x20];
	v14 =	vand.u32 $0xFFFFFC00, v25;
	(pc) =	sbr.rel @p0 .LBB2_21-.Ltmp9, $4  }
0x378: {  	v11 =	vmul.f32 v18, v11;
	v18 =	vadd.s32 v6, v19;
	[tilespmem:v15+s9+$0x0] =	vst.idx.msk $0xffff, v10;
	v10 =	vnsel vm0, $0x0, v20;
	v19 =	vld [tilespmem:s7+$0x10]  }
0x379: {  	v20 =	vor.u32 v24, v14;
	v17 =	vld [tilespmem:s7+$0xFFFFFFF0];
	v15 =	vmul.f32 v10, v21;
	v16 =	vmul.f32 v16, v8  }
0x37a: {  	v10 =	vadd.f32 v11, v13;
	v13 =	vadd.s32 v6, v20;
	v14 =	vld [tilespmem:s1+$0x10];
	v21 =	vadd.s32 s21, v22  }
0x37b: {  	s26 =	sadd.s32 $0x50, s26;
	v20 =	vld [tilespmem:s1+$0xFFFFFFF0];
	v22 =	vadd.f32 v15, v29;
	v11 =	vshll.u32 v21, $0x3;
	v15 =	vadd.f32 v16, v7  }
0x37c: {  	_ = 	snop  }
0x37d: {  	v9 =	vadd.s32 v6, v9;
	v16 =	vmul.f32 v22, v8  }
0x37e: {  	v10 =	vmul.f32 v10, v8  }
0x37f: {  	v16 =	vadd.f32 v16, v7  }
0x380: {  	v10 =	vadd.f32 v10, v7  }
0x381: {  	v12 =	vmul.f32 v12, v8;
	[tilespmem:v18+s9+$0x0] =	vst.idx.msk $0xffff, v16  }
0x382: {  	v49 =	vand.u32 $0x7F, v21;
	v11 =	vand.u32 $0xFFFFFC00, v11;
	v48 =	vadd.s32 s12, v19;
	[tilespmem:v9+s9+$0x0] =	vst.idx.msk $0xffff, v10;
	v16 =	vld [tilespmem:s7+$0x0]  }
0x383: {  	v11 =	vor.u32 v49, v11;
	v17 =	vadd.s32 s19, v17;
	v50 =	vand.u32 $0x7F, v48;
	v53 =	vld [tilespmem:s7+$0xFFFFFFE0]  }
0x384: {  	v51 =	vshll.u32 v48, $0x3;
	v52 =	vand.u32 $0x7F, v17;
	v17 =	vshll.u32 v17, $0x3  }
0x385: {  	v11 =	vadd.s32 v6, v11;
	v63 =	vadd.f32 v12, v7;
	v17 =	vand.u32 $0xFFFFFC00, v17  }
0x386: {  	v20 =	vmul.f32 v20, v8;
	v9 =	vand.u32 $0xFFFFFC00, v51;
	v10 =	vor.u32 v52, v17  }
0x387: {  	v9 =	vor.u32 v50, v9;
	v10 =	vadd.s32 v6, v10;
	v55 =	vld [tilespmem:s1+$0x0];
	v16 =	vadd.s32 s11, v16  }
0x388: {  	v57 =	vld [tilespmem:s1+$0xFFFFFFE0];
	v9 =	vadd.s32 v6, v9;
	v18 =	vadd.s32 s14, v53;
	v56 =	vshll.u32 v16, $0x3  }
0x389: {  	v16 =	vand.u32 $0x7F, v16;
	v58 =	vshll.u32 v18, $0x3;
	v21 =	vand.u32 $0xFFFFFC00, v56  }
0x38a: {  	[tilespmem:v13+s9+$0x0] =	vst.idx.msk $0xffff, v15;
	v18 =	vand.u32 $0x7F, v18;
	v59 =	vand.u32 $0xFFFFFC00, v58;
	v16 =	vor.u32 v16, v21  }
0x38b: {  	v14 =	vmul.f32 v14, v8;
	v18 =	vor.u32 v18, v59;
	v16 =	vadd.s32 v6, v16  }
0x38c: {  	s15 =	sadd.s32 $0x1, s15;
	v54 =	vadd.f32 v20, v7;
	v20 =	vmul.f32 v55, v8;
	v61 =	vadd.s32 v6, v18  }
0x38d: {  	p0 =	sne.s32 s15, $0x20;
	v60 =	vadd.f32 v14, v7;
	[tilespmem:v11+s9+$0x0] =	vst.idx.msk $0xffff, v63;
	v8 =	vmul.f32 v57, v8  }
.Ltmp10:
0x38e: {  	[tilespmem:v10+s9+$0x0] =	vst.idx.msk $0xffff, v54;
	v62 =	vadd.f32 v20, v7;
	(pc) =	sbr.rel @p0 .LBB2_2-.Ltmp10, $4  }
0x38f: {  	[tilespmem:v9+s9+$0x0] =	vst.idx.msk $0xffff, v60;
	v7 =	vadd.f32 v8, v7  }
0x390: {  	s26 =	sshll.u32 s10, $0x9;
	[tilespmem:v16+s9+$0x0] =	vst.idx.msk $0xffff, v62  }
0x391: {  	s1 =	sadd.s32 s26, s13;
	[tilespmem:v61+s9+$0x0] =	vst.idx.msk $0xffff, v7  }
0x392: {  	[hbm4b:s1+s2] =	stream.linear.scatter [tilespmem:s9], [sflag:$0x8], $0x1000, $0x38;
	[tilespmem:$0x7F00] =	vst v63  }
0x393: {  	s1 =	simm.s32 $0x7  }
0x394: {  	_ =	swait.ge [sflag:s1], $0x1000  }
0x395: {  	[sflag:s1] =	ssyncset.done $0x0  }
0x396: {  	s3 =	simm.s32 $0x8;
	[sflag:s1] =	ssyncadd.s32 $0xFFFFF000  }
0x397: {  	_ =	swait.ge [sflag:s3], $0x1000  }
0x398: {  	s7 =	rddreg [dreg:$0xb]  }
0x399: {  	s26 =	rddreg [dreg:$0xa];
	s7 =	sadd.s32 $0x1, s7  }
0x39a: {  	p0 =	sne.s32 s7, s26  }
.Ltmp11:
0x39b: {  	_ = 	snop;
	(pc) =	sbr.rel @p0 .LBB2_1-.Ltmp11, $3  }
0x39c: {  	_ =	sdelay $0x1  }
0x39d: {  	[sflag:s3] =	ssyncset.done $0x0  }
0x39e: {  	[sflag:s3] =	ssyncadd.s32 $0xFFFFF000  }
0x39f: {  	_ =	sfence.sel $0x180000  }
0x3a0: {  	[bflag:$0x0] =	sbarrier.arrive $0xFFFF  }
0x3a1: {  	_ =	strace $0x90000047  }
0x3a2: {  	s0 =	stileid.u32;
	[bflag:$0x2] =	sbarrier.arrive $0xFFFF  }
0x3a3: {  	p0 =	sne.s32 s0, $0x0;
	s0 =	rddreg [dreg:$0x2]  }
0x3a4: {  	s0 =	sadd.s32 @!p0 $0x100000, s0  }
0x3a5: {  	[sflag:s0] =	ssyncadd.tile.s32 @!p0 $0x1;
	_ =	shalt  }
.Lfunc_end2:
_tile_overlayer_lowered:
.L_overlay_start_2:
0x3a6: {  	(tag) =	ssettag $0x2  }
0x3a7: {  	s0 =	rddreg [dreg:$0x0];
	s2 =	stileid.u32  }
0x3a8: {  	s1 =	rddreg [dreg:$0x1];
	p0 =	sne.s32 s2, $0x0  }
0x3a9: {  	s3 =	rddreg [dreg:$0x2];
	[bflag:$0x3] =	sbarrier.arrive $0xFFFF;
	s2 =	simm.s32 @!p0 $0x1C09  }
0x3aa: {  	[timem:s3], [sflag:s2] =	dma.local @!p0 [hbm:s0], s1  }
0x3ab: {  	s0 =	simm.s32 @!p0 $0x9  }
0x3ac: {  	_ =	swait.ge @!p0 [sflag:s0], s1  }
0x3ad: {  	s1 =	ssub.s32 @!p0 $0x0, s1;
	[sflag:s0] =	ssyncset.done @!p0 $0x0  }
0x3ae: {  	[sflag:s0] =	ssyncadd.s32 @!p0 s1  }
0x3af: {  	[bflag:$0x3] =	sbarrier.arrive $0xFFFF  }
0x3b0: {  	_ =	shalt  }

</sc_bundles>
